<compile_context>
chip_gen: v7x
topology: tpu7x:2x2x1
jax: 0.10.2.dev20260603
libtpu: 0.0.44.dev20260713+nightly
codegen_flags: <defaults>
</compile_context>

<pallas_src>
import functools

import jax
import jax.numpy as jnp
from jax import lax
from jax.experimental import pallas as pl
from jax.experimental.pallas import tpu as pltpu
from jax.experimental.pallas import tpu_sc as plsc

NC = 2
NS = 16
NW = NC * NS
CHUNK = 128
LANES = 16


def _sc_mesh():
    return plsc.VectorSubcoreMesh(
        core_axis_name="c", subcore_axis_name="s", num_cores=NC,
        num_subcores=NS)


def _make_deg_kernel(npad, n_chunks):
    rows_per_tile = npad // NS

    @functools.partial(
        pl.kernel,
        out_type=jax.ShapeDtypeStruct((NC, npad), jnp.float32),
        mesh=_sc_mesh(),
        scratch_types=[
            pltpu.VMEM((n_chunks, CHUNK), jnp.int32),
            pltpu.VMEM((CHUNK,), jnp.float32),
            pltpu.VMEM((rows_per_tile,), jnp.float32),
            pltpu.VMEM_SHARED((npad,), jnp.float32),
        ],
    )
    def deg_kernel(dst_hbm, out_hbm, idx_v, ones_v, init_v, acc_sh):
        c = lax.axis_index("c")
        s = lax.axis_index("s")
        w = s * NC + c
        base = s * rows_per_tile

        ones_vec = jnp.full((LANES,), 1.0, dtype=jnp.float32)
        init_val = jnp.where(c == 0, 1.0, 0.0)
        init_vec = jnp.full((LANES,), 1.0, dtype=jnp.float32) * init_val

        def fill_ones(i, _):
            ones_v[pl.ds(i * LANES, LANES)] = ones_vec
            return 0
        lax.fori_loop(0, CHUNK // LANES, fill_ones, 0)

        def fill_init(i, _):
            init_v[pl.ds(i * LANES, LANES)] = init_vec
            return 0
        lax.fori_loop(0, rows_per_tile // LANES, fill_init, 0)

        pltpu.sync_copy(init_v, acc_sh.at[pl.ds(base, rows_per_tile)])
        pltpu.sync_copy(dst_hbm.at[w], idx_v)
        plsc.subcore_barrier()

        def body(j, _):
            pltpu.sync_copy(ones_v, acc_sh.at[idx_v.at[j]], add=True)
            return 0
        lax.fori_loop(0, n_chunks, body, 0)

        plsc.subcore_barrier()
        pltpu.sync_copy(acc_sh.at[pl.ds(base, rows_per_tile)],
                        out_hbm.at[c, pl.ds(base, rows_per_tile)])

    return deg_kernel


def _make_edge_scatter_kernel(n, npad, dg, d, n_chunks, chunk=CHUNK,
                              depth=2, dtype=jnp.float32, sc_tiling=False,
                              stage_src=False):
    rows_per_tile = npad // NS
    assert n_chunks > depth
    assert n % NS == 0 or not stage_src
    cpr = CHUNK // chunk
    n_irows = n_chunks // cpr

    @functools.partial(
        pl.kernel,
        out_type=jax.ShapeDtypeStruct((NC, npad, d), dtype),
        mesh=_sc_mesh(),
        compiler_params=pltpu.CompilerParams(
            use_tc_tiling_on_sc=not sc_tiling),
        scratch_types=[
            pltpu.VMEM((n_irows, CHUNK), jnp.int32),
            pltpu.VMEM((n_irows, CHUNK), jnp.int32),
            pltpu.VMEM((depth, chunk, dg), dtype),
            pltpu.VMEM_SHARED((npad, d), dtype),
        ] + ([pltpu.VMEM_SHARED((n, dg), dtype)] if stage_src else []) + [
            pltpu.SemaphoreType.DMA,
            pltpu.SemaphoreType.DMA,
        ],
    )
    def scat_kernel(v_hbm, src_hbm, dst_hbm, zrows_hbm, out_hbm,
                    sidx_v, didx_v, rows_v, acc_sh, *rest):
        if stage_src:
            v_sh, sem_g, sem_s = rest
        else:
            sem_g, sem_s = rest
            v_sh = None
        c = lax.axis_index("c")
        s = lax.axis_index("s")
        w = s * NC + c
        base = s * rows_per_tile

        def idx(buf, j):
            if cpr == 1:
                return buf.at[j]
            return buf.at[j // cpr, pl.ds((j % cpr) * chunk, chunk)]

        pltpu.sync_copy(zrows_hbm, acc_sh.at[pl.ds(base, rows_per_tile)])
        pltpu.sync_copy(src_hbm.at[w], sidx_v)
        pltpu.sync_copy(dst_hbm.at[w], didx_v)
        if stage_src:
            vrows = n // NS
            pltpu.sync_copy(v_hbm.at[pl.ds(s * vrows, vrows)],
                            v_sh.at[pl.ds(s * vrows, vrows)])
        plsc.subcore_barrier()
        vsrc = v_sh if stage_src else v_hbm

        def gather(j, slot):
            pltpu.async_copy(vsrc.at[idx(sidx_v, j)], rows_v.at[slot],
                             sem_g)

        def wait_gather(j, slot):
            pltpu.make_async_copy(vsrc.at[idx(sidx_v, j)],
                                  rows_v.at[slot], sem_g).wait()

        def src_rows(slot):
            if d == dg:
                return rows_v.at[slot]
            return rows_v.at[slot, :, pl.ds(0, d)]

        def scatter(j, slot):
            pltpu.async_copy(src_rows(slot), acc_sh.at[idx(didx_v, j)],
                             sem_s, add=True)

        def wait_scatter(j, slot):
            pltpu.make_async_copy(src_rows(slot),
                                  acc_sh.at[idx(didx_v, j)], sem_s).wait()

        for k in range(depth - 1):
            gather(k, k)
        wait_gather(0, 0)
        scatter(0, 0)
        gather(depth - 1, depth - 1)

        def body(j, _):
            slot = lax.rem(j, depth)
            wait_gather(j, slot)
            scatter(j, slot)
            wait_scatter(j - 1, lax.rem(j - 1, depth))
            gather(j + depth - 1, lax.rem(j + depth - 1, depth))
            return 0
        lax.fori_loop(1, n_chunks - depth + 1, body, 0)

        for j in range(n_chunks - depth + 1, n_chunks):
            wait_gather(j, j % depth)
            scatter(j, j % depth)
            wait_scatter(j - 1, (j - 1) % depth)
        wait_scatter(n_chunks - 1, (n_chunks - 1) % depth)

        plsc.subcore_barrier()
        pltpu.sync_copy(acc_sh.at[pl.ds(base, rows_per_tile)],
                        out_hbm.at[c, pl.ds(base, rows_per_tile)])

    return scat_kernel


def _mm_scale_kernel(d0_ref, d1_ref, x_ref, w_ref, v_ref, dinv_ref):
    dinv = lax.rsqrt(d0_ref[0] + d1_ref[0])
    xw = jnp.dot(x_ref[...], w_ref[...], preferred_element_type=jnp.float32)
    v_ref[...] = (xw * dinv).astype(v_ref.dtype)
    dinv_ref[...] = dinv


def _mid_kernel(p0_ref, p1_ref, v_ref, dinv_ref, b_ref, w_ref, o_ref):
    dinv = dinv_ref[...]
    agg = (p0_ref[0].astype(jnp.float32) + p1_ref[0].astype(jnp.float32)
           + v_ref[...].astype(jnp.float32))
    h = jax.nn.relu(agg * dinv + b_ref[...])
    v2 = jnp.dot(h, w_ref[...], preferred_element_type=jnp.float32) * dinv
    pad = o_ref.shape[1] - v2.shape[1]
    if pad:
        v2 = jnp.concatenate(
            [v2, jnp.zeros((v2.shape[0], pad), jnp.float32)], axis=1)
    o_ref[...] = v2.astype(o_ref.dtype)


def _final_kernel(q0_ref, q1_ref, v_ref, dinv_ref, b_ref, o_ref):
    d_out = o_ref.shape[1]
    agg = (q0_ref[0, :, :d_out].astype(jnp.float32)
           + q1_ref[0, :, :d_out].astype(jnp.float32)
           + v_ref[:, :d_out].astype(jnp.float32))
    o_ref[...] = agg * dinv_ref[...] + b_ref[...]


def kernel(x, edge_index, W1, b1, W2, b2):
    n, d_in = x.shape
    d_h = W1.shape[1]
    d_out = W2.shape[1]
    e = edge_index.shape[1]

    npad = ((n + 16 * NS - 1) // (16 * NS)) * (16 * NS)
    n_pad_rows = npad - n if npad > n else NS
    n_chunks = (e + NW * CHUNK - 1) // (NW * CHUNK)
    epad = NW * n_chunks * CHUNK

    src = edge_index[0]
    dst = edge_index[1]
    pad = epad - e
    pad_i = jnp.arange(pad, dtype=jnp.int32)
    src_p = jnp.concatenate([src, pad_i % n]).reshape(NW, n_chunks, CHUNK)
    dst_p = jnp.concatenate(
        [dst, n + pad_i % jnp.int32(max(npad - n, 1))]
    ).reshape(NW, n_chunks, CHUNK)

    deg_k = _make_deg_kernel(npad, n_chunks)
    degp = deg_k(dst_p)

    bn = 400 if n % 400 == 0 else 8
    grid = (n // bn,)
    degc = degp.reshape(NC, npad, 1)
    col_spec = pl.BlockSpec((bn, 1), lambda i: (i, 0))
    deg_spec0 = pl.BlockSpec((1, bn, 1), lambda i: (0, i, 0))
    deg_spec1 = pl.BlockSpec((1, bn, 1), lambda i: (1, i, 0))
    v1, dinv = pl.pallas_call(
        _mm_scale_kernel,
        grid=grid,
        in_specs=[
            deg_spec0, deg_spec1,
            pl.BlockSpec((bn, d_in), lambda i: (i, 0)),
            pl.BlockSpec((d_in, d_h), lambda i: (0, 0)),
        ],
        out_specs=[
            pl.BlockSpec((bn, d_h), lambda i: (i, 0)),
            col_spec,
        ],
        out_shape=[
            jax.ShapeDtypeStruct((n, d_h), jnp.float32),
            jax.ShapeDtypeStruct((n, 1), jnp.float32),
        ],
    )(degc, degc, x, W1)

    scat1 = _make_edge_scatter_kernel(n, npad, d_h, d_h, 4 * n_chunks,
                                      chunk=32, depth=8)
    zrows1 = jnp.zeros((npad // NS, d_h), jnp.float32)
    part1 = scat1(v1, src_p, dst_p, zrows1)

    d2p = d_out
    part_spec0 = pl.BlockSpec((1, bn, d_h), lambda i: (0, i, 0))
    part_spec1 = pl.BlockSpec((1, bn, d_h), lambda i: (1, i, 0))
    v2p = pl.pallas_call(
        _mid_kernel,
        grid=grid,
        in_specs=[
            part_spec0, part_spec1,
            pl.BlockSpec((bn, d_h), lambda i: (i, 0)),
            col_spec,
            pl.BlockSpec((1, d_h), lambda i: (0, 0)),
            pl.BlockSpec((d_h, d_out), lambda i: (0, 0)),
        ],
        out_specs=pl.BlockSpec((bn, d2p), lambda i: (i, 0)),
        out_shape=jax.ShapeDtypeStruct((n, d2p), jnp.float32),
    )(part1, part1, v1, dinv, b1.reshape(1, d_h), W2)

    scat2 = _make_edge_scatter_kernel(n, npad, d2p, d2p, 2 * n_chunks,
                                      chunk=64, depth=8, sc_tiling=True)
    zrows2 = jnp.zeros((npad // NS, d2p), jnp.float32)
    part2 = scat2(v2p, src_p, dst_p, zrows2)

    part2_spec0 = pl.BlockSpec((1, bn, d2p), lambda i: (0, i, 0))
    part2_spec1 = pl.BlockSpec((1, bn, d2p), lambda i: (1, i, 0))
    z = pl.pallas_call(
        _final_kernel,
        grid=grid,
        in_specs=[
            part2_spec0, part2_spec1,
            pl.BlockSpec((bn, d2p), lambda i: (i, 0)),
            col_spec,
            pl.BlockSpec((1, d_out), lambda i: (0, 0)),
        ],
        out_specs=pl.BlockSpec((bn, d_out), lambda i: (i, 0)),
        out_shape=jax.ShapeDtypeStruct((n, d_out), jnp.float32),
    )(part2, part2, v2p, dinv, b2.reshape(1, d_out))

    return z

# --- scband reference (transcript-rebuilt; emitter-appended) ---
"""Pipeline reference for scband-net-16277926052541 (READ-ONLY COPY).

The authoritative reference and input builder live on the scoring server;
editing this copy changes nothing except your own understanding.
"""

import jax, jax.numpy as jnp
import numpy as np

N = 10000
E = 160000
D_IN = 256
D_H = 128
D_OUT = 64


def setup_inputs(seed: int = 0) -> dict:
    key = jax.random.key(seed)
    k1, k2, k3, k4 = jax.random.split(key, 4)
    x = jax.random.normal(k1, (N, D_IN), dtype=jnp.float32)
    edge_index = jax.random.randint(k2, (2, E), 0, N, dtype=jnp.int32)
    # GCNConv weights (glorot-ish init), biases zero as in PyG defaults
    W1 = jax.random.normal(k3, (D_IN, D_H), dtype=jnp.float32) * (1.0 / np.sqrt(D_IN))
    b1 = jnp.zeros((D_H,), dtype=jnp.float32)
    W2 = jax.random.normal(k4, (D_H, D_OUT), dtype=jnp.float32) * (1.0 / np.sqrt(D_H))
    b2 = jnp.zeros((D_OUT,), dtype=jnp.float32)
    return {"x": x, "edge_index": edge_index, "W1": W1, "b1": b1, "W2": W2, "b2": b2}


def _gcn_conv(x, src, dst, W, b):
    # GCNConv: out = D^{-1/2} (A + I) D^{-1/2} (X W) + b
    n = x.shape[0]
    loop = jnp.arange(n, dtype=src.dtype)
    s = jnp.concatenate([src, loop], axis=0)
    d = jnp.concatenate([dst, loop], axis=0)
    deg = jnp.zeros((n,), dtype=x.dtype).at[d].add(1.0)
    deg_inv_sqrt = jnp.where(deg > 0, jax.lax.rsqrt(jnp.maximum(deg, 1e-12)), 0.0)
    norm = deg_inv_sqrt[s] * deg_inv_sqrt[d]
    xw = x @ W
    msg = xw[s] * norm[:, None]
    out = jnp.zeros((n, W.shape[1]), dtype=x.dtype).at[d].add(msg)
    return out + b


def reference(x, edge_index, W1, b1, W2, b2):
    # encode(): conv1 -> relu -> conv2
    src = edge_index[0]
    dst = edge_index[1]
    h = _gcn_conv(x, src, dst, W1, b1)
    h = jax.nn.relu(h)
    z = _gcn_conv(h, src, dst, W2, b2)
    return z

if __name__ == "__main__":
    import jax
    _d = setup_inputs()
    print(jax.jit(kernel)(*tuple(_d.values())))

</pallas_src>

<mosaic_0001>
#map = affine_map<(d0, d1) -> (0, 0, 0)>
#map1 = affine_map<(d0, d1) -> (0, 0)>
module attributes {stable_mosaic.version = 14 : i64} {
  func.func @deg_kernel(%arg0: i32, %arg1: i32, %arg2: memref<32x40x128xi32, #tpu.memory_space<hbm>>, %arg3: memref<2x10240xf32, #tpu.memory_space<hbm>>, %arg4: memref<40x128xi32, #tpu.memory_space<vmem>>, %arg5: memref<128xf32, #tpu.memory_space<vmem>>, %arg6: memref<640xf32, #tpu.memory_space<vmem>>, %arg7: memref<10240xf32, #tpu.memory_space<vmem_shared>>) attributes {dimension_semantics = [#tpu.dimension_semantics<core_parallel>, #tpu.dimension_semantics<subcore_parallel>], iteration_bounds = array<i64: 2, 16>, scalar_prefetch = 0 : i64, scratch_operands = 4 : i64, tpu.core_type = #tpu.core_type<sc_vector_subcore>, window_params = [{transform_indices = #map}, {transform_indices = #map1}]} {
    %mul3A = arith.constant 2 : i32
    %mul3A_0 = arith.muli %arg1, %mul3A : i32
    %add3A = arith.addi %mul3A_0, %arg0 : i32
    %mul3A_1 = arith.constant 640 : i32
    %mul3A_2 = arith.muli %arg1, %mul3A_1 : i32
    %broadcast_in_dim3A = arith.constant 1.000000e+00 : f32
    %broadcast_in_dim3A_3 = vector.broadcast %broadcast_in_dim3A : f32 to vector<16xf32>
    %eq3A = arith.constant 0 : i32
    %eq3A_4 = arith.cmpi eq, %arg0, %eq3A : i32
    %jit3A = arith.constant 1.000000e+00 : f32
    %jit3A_5 = arith.constant 0.000000e+00 : f32
    %select_n3A = arith.select %eq3A_4, %jit3A, %jit3A_5 : f32
    %broadcast_in_dim3A_6 = arith.constant 1.000000e+00 : f32
    %broadcast_in_dim3A_7 = vector.broadcast %broadcast_in_dim3A_6 : f32 to vector<16xf32>
    %mul3A_8 = vector.broadcast %select_n3A : f32 to vector<16xf32>
    %mul3A_9 = arith.mulf %broadcast_in_dim3A_7, %mul3A_8 : vector<16xf32>
    %scan3A = arith.constant 0 : i32
    %scan3A_10 = arith.constant 0 : i32
    %scan3A_11 = arith.constant 8 : i32
    %scan3A_12 = arith.addi %scan3A_10, %scan3A_11 : i32
    %scan3A_13 = arith.constant 1 : i32
    %scan3A_14 = scf.for %scan3A_31 = %scan3A_10 to %scan3A_12 step %scan3A_13 iter_args(%scan3A_32 = %scan3A) -> (i32)  : i32 {
      %mul3A_33 = arith.constant 16 : i32
      %mul3A_34 = arith.muli %scan3A_31, %mul3A_33 : i32
      %swap3A = arith.index_cast %mul3A_34 : i32 to index
      %swap3A_35 = tpu.vector_load %arg5[%swap3A] {strides = array<i32>} : memref<128xf32, #tpu.memory_space<vmem>>, vector<16xf32>,
      %swap3A_36 = vector.shape_cast %swap3A_35 : vector<16xf32> to vector<16xf32>
      %swap3A_37 = vector.shape_cast %broadcast_in_dim3A_3 : vector<16xf32> to vector<16xf32>
      tpu.vector_store %arg5[%swap3A], %swap3A_37 {strides = array<i32>} : memref<128xf32, #tpu.memory_space<vmem>>, vector<16xf32>,
      %scan3A_38 = arith.constant 0 : i32
      scf.yield %scan3A_38 : i32
    }
    %scan3A_15 = arith.constant 8 : i32
    %scan3A_16 = arith.constant 0 : i32
    %scan3A_17 = arith.constant 0 : i32
    %scan3A_18 = arith.constant 40 : i32
    %scan3A_19 = arith.addi %scan3A_17, %scan3A_18 : i32
    %scan3A_20 = arith.constant 1 : i32
    %scan3A_21 = scf.for %scan3A_31 = %scan3A_17 to %scan3A_19 step %scan3A_20 iter_args(%scan3A_32 = %scan3A_16) -> (i32)  : i32 {
      %mul3A_33 = arith.constant 16 : i32
      %mul3A_34 = arith.muli %scan3A_31, %mul3A_33 : i32
      %swap3A = arith.index_cast %mul3A_34 : i32 to index
      %swap3A_35 = tpu.vector_load %arg6[%swap3A] {strides = array<i32>} : memref<640xf32, #tpu.memory_space<vmem>>, vector<16xf32>,
      %swap3A_36 = vector.shape_cast %swap3A_35 : vector<16xf32> to vector<16xf32>
      %swap3A_37 = vector.shape_cast %mul3A_9 : vector<16xf32> to vector<16xf32>
      tpu.vector_store %arg6[%swap3A], %swap3A_37 {strides = array<i32>} : memref<640xf32, #tpu.memory_space<vmem>>, vector<16xf32>,
      %scan3A_38 = arith.constant 0 : i32
      scf.yield %scan3A_38 : i32
    }
    %scan3A_22 = arith.constant 40 : i32
    "tpu.region"() ({
      %run_scoped3A = tpu.sem_alloc : memref<!tpu.dma_semaphore, #tpu.memory_space<semaphore_mem>>
      %dma_start3A = tpu.memref_slice %arg7[%mul3A_2] : memref<10240xf32, #tpu.memory_space<vmem_shared>> -> memref<640xf32, #tpu.memory_space<vmem_shared>>
      %dma_start3A_31 = tpu.memref_slice %arg7[%mul3A_2] : memref<10240xf32, #tpu.memory_space<vmem_shared>> -> memref<640xf32, #tpu.memory_space<vmem_shared>>
      tpu.enqueue_dma source(%arg6 : memref<640xf32, #tpu.memory_space<vmem>>) target(%dma_start3A_31 : memref<640xf32, #tpu.memory_space<vmem_shared>>) target_semaphore(%run_scoped3A : memref<!tpu.dma_semaphore, #tpu.memory_space<semaphore_mem>>)
      %dma_wait3A = tpu.memref_slice %arg7[%mul3A_2] : memref<10240xf32, #tpu.memory_space<vmem_shared>> -> memref<640xf32, #tpu.memory_space<vmem_shared>>
      %dma_wait3A_32 = tpu.memref_slice %arg7[%mul3A_2] : memref<10240xf32, #tpu.memory_space<vmem_shared>> -> memref<640xf32, #tpu.memory_space<vmem_shared>>
      tpu.wait_dma2 semaphore(%run_scoped3A : memref<!tpu.dma_semaphore, #tpu.memory_space<semaphore_mem>>) src(%arg6 : memref<640xf32, #tpu.memory_space<vmem>>) dst(%dma_wait3A_32 : memref<640xf32, #tpu.memory_space<vmem_shared>>)
      tpu.yield
    }) : () -> ()
    "tpu.region"() ({
      %run_scoped3A = tpu.sem_alloc : memref<!tpu.dma_semaphore, #tpu.memory_space<semaphore_mem>>
      %dma_start3A = arith.constant 0 : i32
      %dma_start3A_31 = arith.constant 0 : i32
      %dma_start3A_32 = tpu.memref_slice %arg2[%add3A, %dma_start3A, %dma_start3A_31] : memref<32x40x128xi32, #tpu.memory_space<hbm>> -> memref<1x40x128xi32, #tpu.memory_space<hbm>>
      %dma_start3A_33 = tpu.memref_squeeze %dma_start3A_32 : memref<1x40x128xi32, #tpu.memory_space<hbm>> -> memref<40x128xi32, #tpu.memory_space<hbm>>
      %dma_start3A_34 = arith.constant 0 : i32
      %dma_start3A_35 = arith.constant 0 : i32
      %dma_start3A_36 = tpu.memref_slice %arg2[%add3A, %dma_start3A_34, %dma_start3A_35] : memref<32x40x128xi32, #tpu.memory_space<hbm>> -> memref<1x40x128xi32, #tpu.memory_space<hbm>>
      %dma_start3A_37 = tpu.memref_squeeze %dma_start3A_36 : memref<1x40x128xi32, #tpu.memory_space<hbm>> -> memref<40x128xi32, #tpu.memory_space<hbm>>
      tpu.enqueue_dma source(%dma_start3A_37 : memref<40x128xi32, #tpu.memory_space<hbm>>) target(%arg4 : memref<40x128xi32, #tpu.memory_space<vmem>>) target_semaphore(%run_scoped3A : memref<!tpu.dma_semaphore, #tpu.memory_space<semaphore_mem>>)
      %dma_wait3A = arith.constant 0 : i32
      %dma_wait3A_38 = arith.constant 0 : i32
      %dma_wait3A_39 = tpu.memref_slice %arg2[%add3A, %dma_wait3A, %dma_wait3A_38] : memref<32x40x128xi32, #tpu.memory_space<hbm>> -> memref<1x40x128xi32, #tpu.memory_space<hbm>>
      %dma_wait3A_40 = tpu.memref_squeeze %dma_wait3A_39 : memref<1x40x128xi32, #tpu.memory_space<hbm>> -> memref<40x128xi32, #tpu.memory_space<hbm>>
      %dma_wait3A_41 = arith.constant 0 : i32
      %dma_wait3A_42 = arith.constant 0 : i32
      %dma_wait3A_43 = tpu.memref_slice %arg2[%add3A, %dma_wait3A_41, %dma_wait3A_42] : memref<32x40x128xi32, #tpu.memory_space<hbm>> -> memref<1x40x128xi32, #tpu.memory_space<hbm>>
      %dma_wait3A_44 = tpu.memref_squeeze %dma_wait3A_43 : memref<1x40x128xi32, #tpu.memory_space<hbm>> -> memref<40x128xi32, #tpu.memory_space<hbm>>
      tpu.wait_dma2 semaphore(%run_scoped3A : memref<!tpu.dma_semaphore, #tpu.memory_space<semaphore_mem>>) src(%dma_wait3A_44 : memref<40x128xi32, #tpu.memory_space<hbm>>) dst(%arg4 : memref<40x128xi32, #tpu.memory_space<vmem>>)
      tpu.yield
    }) : () -> ()
    %barrier3A = arith.constant 0 : index
    tpu.barrier barrier_id(%barrier3A)
    %scan3A_23 = arith.constant 0 : i32
    %scan3A_24 = arith.constant 0 : i32
    %scan3A_25 = arith.constant 40 : i32
    %scan3A_26 = arith.addi %scan3A_24, %scan3A_25 : i32
    %scan3A_27 = arith.constant 1 : i32
    %scan3A_28 = scf.for %scan3A_31 = %scan3A_24 to %scan3A_26 step %scan3A_27 iter_args(%scan3A_32 = %scan3A_23) -> (i32)  : i32 {
      "tpu.region"() ({
        %run_scoped3A = tpu.sem_alloc : memref<!tpu.dma_semaphore, #tpu.memory_space<semaphore_mem>>
        %dma_start3A = arith.constant 0 : i32
        %dma_start3A_34 = tpu.memref_slice %arg4[%scan3A_31, %dma_start3A] : memref<40x128xi32, #tpu.memory_space<vmem>> -> memref<1x128xi32, #tpu.memory_space<vmem>>
        %dma_start3A_35 = tpu.memref_squeeze %dma_start3A_34 : memref<1x128xi32, #tpu.memory_space<vmem>> -> memref<128xi32, #tpu.memory_space<vmem>>
        %dma_start3A_36 = arith.constant 0 : i32
        %dma_start3A_37 = tpu.memref_slice %arg7[%dma_start3A_36] : memref<10240xf32, #tpu.memory_space<vmem_shared>> -> memref<10240xf32, #tpu.memory_space<vmem_shared>>
        tpu.enqueue_indirect_dma source(%arg5 : memref<128xf32, #tpu.memory_space<vmem>>) target(%dma_start3A_37 : memref<10240xf32, #tpu.memory_space<vmem_shared>>) offsets(%dma_start3A_35 : memref<128xi32, #tpu.memory_space<vmem>>) semaphore(%run_scoped3A : memref<!tpu.dma_semaphore, #tpu.memory_space<semaphore_mem>>) {add = true}
        %dma_wait3A = arith.constant 0 : i32
        %dma_wait3A_38 = tpu.memref_slice %arg4[%scan3A_31, %dma_wait3A] : memref<40x128xi32, #tpu.memory_space<vmem>> -> memref<1x128xi32, #tpu.memory_space<vmem>>
        %dma_wait3A_39 = tpu.memref_squeeze %dma_wait3A_38 : memref<1x128xi32, #tpu.memory_space<vmem>> -> memref<128xi32, #tpu.memory_space<vmem>>
        %dma_wait3A_40 = arith.constant 0 : i32
        %dma_wait3A_41 = tpu.memref_slice %arg7[%dma_wait3A_40] : memref<10240xf32, #tpu.memory_space<vmem_shared>> -> memref<10240xf32, #tpu.memory_space<vmem_shared>>
        tpu.wait_indirect_dma semaphore(%run_scoped3A : memref<!tpu.dma_semaphore, #tpu.memory_space<semaphore_mem>>) src(%arg5 : memref<128xf32, #tpu.memory_space<vmem>>) dst(%dma_wait3A_41 : memref<10240xf32, #tpu.memory_space<vmem_shared>>)
        tpu.yield
      }) : () -> ()
      %scan3A_33 = arith.constant 0 : i32
      scf.yield %scan3A_33 : i32
    }
    %scan3A_29 = arith.constant 40 : i32
    %barrier3A_30 = arith.constant 0 : index
    tpu.barrier barrier_id(%barrier3A_30)
    "tpu.region"() ({
      %run_scoped3A = tpu.sem_alloc : memref<!tpu.dma_semaphore, #tpu.memory_space<semaphore_mem>>
      %dma_start3A = tpu.memref_slice %arg3[%arg0, %mul3A_2] : memref<2x10240xf32, #tpu.memory_space<hbm>> -> memref<1x640xf32, #tpu.memory_space<hbm>>
      %dma_start3A_31 = tpu.memref_squeeze %dma_start3A : memref<1x640xf32, #tpu.memory_space<hbm>> -> memref<640xf32, #tpu.memory_space<hbm>>
      %dma_start3A_32 = tpu.memref_slice %arg7[%mul3A_2] : memref<10240xf32, #tpu.memory_space<vmem_shared>> -> memref<640xf32, #tpu.memory_space<vmem_shared>>
      tpu.enqueue_dma source(%dma_start3A_32 : memref<640xf32, #tpu.memory_space<vmem_shared>>) target(%dma_start3A_31 : memref<640xf32, #tpu.memory_space<hbm>>) target_semaphore(%run_scoped3A : memref<!tpu.dma_semaphore, #tpu.memory_space<semaphore_mem>>)
      %dma_wait3A = tpu.memref_slice %arg3[%arg0, %mul3A_2] : memref<2x10240xf32, #tpu.memory_space<hbm>> -> memref<1x640xf32, #tpu.memory_space<hbm>>
      %dma_wait3A_33 = tpu.memref_squeeze %dma_wait3A : memref<1x640xf32, #tpu.memory_space<hbm>> -> memref<640xf32, #tpu.memory_space<hbm>>
      %dma_wait3A_34 = tpu.memref_slice %arg7[%mul3A_2] : memref<10240xf32, #tpu.memory_space<vmem_shared>> -> memref<640xf32, #tpu.memory_space<vmem_shared>>
      tpu.wait_dma2 semaphore(%run_scoped3A : memref<!tpu.dma_semaphore, #tpu.memory_space<semaphore_mem>>) src(%dma_wait3A_34 : memref<640xf32, #tpu.memory_space<vmem_shared>>) dst(%dma_wait3A_33 : memref<640xf32, #tpu.memory_space<hbm>>)
      tpu.yield
    }) : () -> ()
    return
  }
}

#map = affine_map<(d0, d1) -> (0, 0)>
#map1 = affine_map<(d0, d1) -> (0, 0, 0)>
module attributes {stable_mosaic.version = 14 : i64} {
  func.func @scat_kernel(%arg0: i32, %arg1: i32, %arg2: memref<10000x64xf32, #tpu.memory_space<hbm>>, %arg3: memref<32x40x128xi32, #tpu.memory_space<hbm>>, %arg4: memref<32x40x128xi32, #tpu.memory_space<hbm>>, %arg5: memref<640x64xf32, #tpu.memory_space<hbm>>, %arg6: memref<2x10240x64xf32, #tpu.memory_space<hbm>>, %arg7: memref<40x128xi32, #tpu.memory_space<vmem>>, %arg8: memref<40x128xi32, #tpu.memory_space<vmem>>, %arg9: memref<8x64x64xf32, #tpu.memory_space<vmem>>, %arg10: memref<10240x64xf32, #tpu.memory_space<vmem_shared>>, %arg11: memref<!tpu.dma_semaphore, #tpu.memory_space<semaphore_mem>>, %arg12: memref<!tpu.dma_semaphore, #tpu.memory_space<semaphore_mem>>) attributes {dimension_semantics = [#tpu.dimension_semantics<core_parallel>, #tpu.dimension_semantics<subcore_parallel>], iteration_bounds = array<i64: 2, 16>, scalar_prefetch = 0 : i64, scratch_operands = 6 : i64, tpu.core_type = #tpu.core_type<sc_vector_subcore>, window_params = [{transform_indices = #map}, {transform_indices = #map1}, {transform_indices = #map1}, {transform_indices = #map}, {transform_indices = #map1}]} {
    %mul3A = arith.constant 2 : i32
    %mul3A_0 = arith.muli %arg1, %mul3A : i32
    %add3A = arith.addi %mul3A_0, %arg0 : i32
    %mul3A_1 = arith.constant 640 : i32
    %mul3A_2 = arith.muli %arg1, %mul3A_1 : i32
    "tpu.region"() ({
      %run_scoped3A = tpu.sem_alloc : memref<!tpu.dma_semaphore, #tpu.memory_space<semaphore_mem>>
      %dma_start3A_392 = arith.constant 0 : i32
      %dma_start3A_393 = tpu.memref_slice %arg10[%mul3A_2, %dma_start3A_392] : memref<10240x64xf32, #tpu.memory_space<vmem_shared>> -> memref<640x64xf32, #tpu.memory_space<vmem_shared>>
      tpu.enqueue_dma source(%arg5 : memref<640x64xf32, #tpu.memory_space<hbm>>) target(%dma_start3A_393 : memref<640x64xf32, #tpu.memory_space<vmem_shared>>) target_semaphore(%run_scoped3A : memref<!tpu.dma_semaphore, #tpu.memory_space<semaphore_mem>>)
      %dma_wait3A_394 = arith.constant 0 : i32
      %dma_wait3A_395 = tpu.memref_slice %arg10[%mul3A_2, %dma_wait3A_394] : memref<10240x64xf32, #tpu.memory_space<vmem_shared>> -> memref<640x64xf32, #tpu.memory_space<vmem_shared>>
      tpu.wait_dma2 semaphore(%run_scoped3A : memref<!tpu.dma_semaphore, #tpu.memory_space<semaphore_mem>>) src(%arg5 : memref<640x64xf32, #tpu.memory_space<hbm>>) dst(%dma_wait3A_395 : memref<640x64xf32, #tpu.memory_space<vmem_shared>>)
      tpu.yield
    }) : () -> ()
    "tpu.region"() ({
      %run_scoped3A = tpu.sem_alloc : memref<!tpu.dma_semaphore, #tpu.memory_space<semaphore_mem>>
      %dma_start3A_392 = arith.constant 0 : i32
      %dma_start3A_393 = arith.constant 0 : i32
      %dma_start3A_394 = tpu.memref_slice %arg3[%add3A, %dma_start3A_392, %dma_start3A_393] : memref<32x40x128xi32, #tpu.memory_space<hbm>> -> memref<1x40x128xi32, #tpu.memory_space<hbm>>
      %dma_start3A_395 = tpu.memref_squeeze %dma_start3A_394 : memref<1x40x128xi32, #tpu.memory_space<hbm>> -> memref<40x128xi32, #tpu.memory_space<hbm>>
      %dma_start3A_396 = arith.constant 0 : i32
      %dma_start3A_397 = arith.constant 0 : i32
      %dma_start3A_398 = tpu.memref_slice %arg3[%add3A, %dma_start3A_396, %dma_start3A_397] : memref<32x40x128xi32, #tpu.memory_space<hbm>> -> memref<1x40x128xi32, #tpu.memory_space<hbm>>
      %dma_start3A_399 = tpu.memref_squeeze %dma_start3A_398 : memref<1x40x128xi32, #tpu.memory_space<hbm>> -> memref<40x128xi32, #tpu.memory_space<hbm>>
      tpu.enqueue_dma source(%dma_start3A_399 : memref<40x128xi32, #tpu.memory_space<hbm>>) target(%arg7 : memref<40x128xi32, #tpu.memory_space<vmem>>) target_semaphore(%run_scoped3A : memref<!tpu.dma_semaphore, #tpu.memory_space<semaphore_mem>>)
      %dma_wait3A_400 = arith.constant 0 : i32
      %dma_wait3A_401 = arith.constant 0 : i32
      %dma_wait3A_402 = tpu.memref_slice %arg3[%add3A, %dma_wait3A_400, %dma_wait3A_401] : memref<32x40x128xi32, #tpu.memory_space<hbm>> -> memref<1x40x128xi32, #tpu.memory_space<hbm>>
      %dma_wait3A_403 = tpu.memref_squeeze %dma_wait3A_402 : memref<1x40x128xi32, #tpu.memory_space<hbm>> -> memref<40x128xi32, #tpu.memory_space<hbm>>
      %dma_wait3A_404 = arith.constant 0 : i32
      %dma_wait3A_405 = arith.constant 0 : i32
      %dma_wait3A_406 = tpu.memref_slice %arg3[%add3A, %dma_wait3A_404, %dma_wait3A_405] : memref<32x40x128xi32, #tpu.memory_space<hbm>> -> memref<1x40x128xi32, #tpu.memory_space<hbm>>
      %dma_wait3A_407 = tpu.memref_squeeze %dma_wait3A_406 : memref<1x40x128xi32, #tpu.memory_space<hbm>> -> memref<40x128xi32, #tpu.memory_space<hbm>>
      tpu.wait_dma2 semaphore(%run_scoped3A : memref<!tpu.dma_semaphore, #tpu.memory_space<semaphore_mem>>) src(%dma_wait3A_407 : memref<40x128xi32, #tpu.memory_space<hbm>>) dst(%arg7 : memref<40x128xi32, #tpu.memory_space<vmem>>)
      tpu.yield
    }) : () -> ()
    "tpu.region"() ({
      %run_scoped3A = tpu.sem_alloc : memref<!tpu.dma_semaphore, #tpu.memory_space<semaphore_mem>>
      %dma_start3A_392 = arith.constant 0 : i32
      %dma_start3A_393 = arith.constant 0 : i32
      %dma_start3A_394 = tpu.memref_slice %arg4[%add3A, %dma_start3A_392, %dma_start3A_393] : memref<32x40x128xi32, #tpu.memory_space<hbm>> -> memref<1x40x128xi32, #tpu.memory_space<hbm>>
      %dma_start3A_395 = tpu.memref_squeeze %dma_start3A_394 : memref<1x40x128xi32, #tpu.memory_space<hbm>> -> memref<40x128xi32, #tpu.memory_space<hbm>>
      %dma_start3A_396 = arith.constant 0 : i32
      %dma_start3A_397 = arith.constant 0 : i32
      %dma_start3A_398 = tpu.memref_slice %arg4[%add3A, %dma_start3A_396, %dma_start3A_397] : memref<32x40x128xi32, #tpu.memory_space<hbm>> -> memref<1x40x128xi32, #tpu.memory_space<hbm>>
      %dma_start3A_399 = tpu.memref_squeeze %dma_start3A_398 : memref<1x40x128xi32, #tpu.memory_space<hbm>> -> memref<40x128xi32, #tpu.memory_space<hbm>>
      tpu.enqueue_dma source(%dma_start3A_399 : memref<40x128xi32, #tpu.memory_space<hbm>>) target(%arg8 : memref<40x128xi32, #tpu.memory_space<vmem>>) target_semaphore(%run_scoped3A : memref<!tpu.dma_semaphore, #tpu.memory_space<semaphore_mem>>)
      %dma_wait3A_400 = arith.constant 0 : i32
      %dma_wait3A_401 = arith.constant 0 : i32
      %dma_wait3A_402 = tpu.memref_slice %arg4[%add3A, %dma_wait3A_400, %dma_wait3A_401] : memref<32x40x128xi32, #tpu.memory_space<hbm>> -> memref<1x40x128xi32, #tpu.memory_space<hbm>>
      %dma_wait3A_403 = tpu.memref_squeeze %dma_wait3A_402 : memref<1x40x128xi32, #tpu.memory_space<hbm>> -> memref<40x128xi32, #tpu.memory_space<hbm>>
      %dma_wait3A_404 = arith.constant 0 : i32
      %dma_wait3A_405 = arith.constant 0 : i32
      %dma_wait3A_406 = tpu.memref_slice %arg4[%add3A, %dma_wait3A_404, %dma_wait3A_405] : memref<32x40x128xi32, #tpu.memory_space<hbm>> -> memref<1x40x128xi32, #tpu.memory_space<hbm>>
      %dma_wait3A_407 = tpu.memref_squeeze %dma_wait3A_406 : memref<1x40x128xi32, #tpu.memory_space<hbm>> -> memref<40x128xi32, #tpu.memory_space<hbm>>
      tpu.wait_dma2 semaphore(%run_scoped3A : memref<!tpu.dma_semaphore, #tpu.memory_space<semaphore_mem>>) src(%dma_wait3A_407 : memref<40x128xi32, #tpu.memory_space<hbm>>) dst(%arg8 : memref<40x128xi32, #tpu.memory_space<vmem>>)
      tpu.yield
    }) : () -> ()
    %barrier3A = arith.constant 0 : index
    tpu.barrier barrier_id(%barrier3A)
    %dma_start3A = arith.constant 0 : i32
    %dma_start3A_3 = arith.constant 0 : i32
    %dma_start3A_4 = arith.constant 0 : i32
    %dma_start3A_5 = arith.constant 0 : i32
    %dma_start3A_6 = tpu.memref_slice %arg9[%dma_start3A_3, %dma_start3A_4, %dma_start3A_5] : memref<8x64x64xf32, #tpu.memory_space<vmem>> -> memref<1x64x64xf32, #tpu.memory_space<vmem>>
    %dma_start3A_7 = tpu.memref_squeeze %dma_start3A_6 : memref<1x64x64xf32, #tpu.memory_space<vmem>> -> memref<64x64xf32, #tpu.memory_space<vmem>>
    %dma_start3A_8 = arith.constant 0 : i32
    %dma_start3A_9 = tpu.memref_slice %arg7[%dma_start3A, %dma_start3A_8] : memref<40x128xi32, #tpu.memory_space<vmem>> -> memref<1x64xi32, #tpu.memory_space<vmem>>
    %dma_start3A_10 = tpu.memref_squeeze %dma_start3A_9 : memref<1x64xi32, #tpu.memory_space<vmem>> -> memref<64xi32, #tpu.memory_space<vmem>>
    %dma_start3A_11 = arith.constant 0 : i32
    %dma_start3A_12 = arith.constant 0 : i32
    %dma_start3A_13 = tpu.memref_slice %arg2[%dma_start3A_11, %dma_start3A_12] : memref<10000x64xf32, #tpu.memory_space<hbm>> -> memref<10000x64xf32, #tpu.memory_space<hbm>>
    tpu.enqueue_indirect_dma source(%dma_start3A_13 : memref<10000x64xf32, #tpu.memory_space<hbm>>) target(%dma_start3A_7 : memref<64x64xf32, #tpu.memory_space<vmem>>) offsets(%dma_start3A_10 : memref<64xi32, #tpu.memory_space<vmem>>) semaphore(%arg11 : memref<!tpu.dma_semaphore, #tpu.memory_space<semaphore_mem>>)
    %dma_start3A_14 = arith.constant 0 : i32
    %dma_start3A_15 = arith.constant 1 : i32
    %dma_start3A_16 = arith.constant 0 : i32
    %dma_start3A_17 = arith.constant 0 : i32
    %dma_start3A_18 = tpu.memref_slice %arg9[%dma_start3A_15, %dma_start3A_16, %dma_start3A_17] : memref<8x64x64xf32, #tpu.memory_space<vmem>> -> memref<1x64x64xf32, #tpu.memory_space<vmem>>
    %dma_start3A_19 = tpu.memref_squeeze %dma_start3A_18 : memref<1x64x64xf32, #tpu.memory_space<vmem>> -> memref<64x64xf32, #tpu.memory_space<vmem>>
    %dma_start3A_20 = arith.constant 64 : i32
    %dma_start3A_21 = tpu.memref_slice %arg7[%dma_start3A_14, %dma_start3A_20] : memref<40x128xi32, #tpu.memory_space<vmem>> -> memref<1x64xi32, #tpu.memory_space<vmem>>
    %dma_start3A_22 = tpu.memref_squeeze %dma_start3A_21 : memref<1x64xi32, #tpu.memory_space<vmem>> -> memref<64xi32, #tpu.memory_space<vmem>>
    %dma_start3A_23 = arith.constant 0 : i32
    %dma_start3A_24 = arith.constant 0 : i32
    %dma_start3A_25 = tpu.memref_slice %arg2[%dma_start3A_23, %dma_start3A_24] : memref<10000x64xf32, #tpu.memory_space<hbm>> -> memref<10000x64xf32, #tpu.memory_space<hbm>>
    tpu.enqueue_indirect_dma source(%dma_start3A_25 : memref<10000x64xf32, #tpu.memory_space<hbm>>) target(%dma_start3A_19 : memref<64x64xf32, #tpu.memory_space<vmem>>) offsets(%dma_start3A_22 : memref<64xi32, #tpu.memory_space<vmem>>) semaphore(%arg11 : memref<!tpu.dma_semaphore, #tpu.memory_space<semaphore_mem>>)
    %dma_start3A_26 = arith.constant 1 : i32
    %dma_start3A_27 = arith.constant 2 : i32
    %dma_start3A_28 = arith.constant 0 : i32
    %dma_start3A_29 = arith.constant 0 : i32
    %dma_start3A_30 = tpu.memref_slice %arg9[%dma_start3A_27, %dma_start3A_28, %dma_start3A_29] : memref<8x64x64xf32, #tpu.memory_space<vmem>> -> memref<1x64x64xf32, #tpu.memory_space<vmem>>
    %dma_start3A_31 = tpu.memref_squeeze %dma_start3A_30 : memref<1x64x64xf32, #tpu.memory_space<vmem>> -> memref<64x64xf32, #tpu.memory_space<vmem>>
    %dma_start3A_32 = arith.constant 0 : i32
    %dma_start3A_33 = tpu.memref_slice %arg7[%dma_start3A_26, %dma_start3A_32] : memref<40x128xi32, #tpu.memory_space<vmem>> -> memref<1x64xi32, #tpu.memory_space<vmem>>
    %dma_start3A_34 = tpu.memref_squeeze %dma_start3A_33 : memref<1x64xi32, #tpu.memory_space<vmem>> -> memref<64xi32, #tpu.memory_space<vmem>>
    %dma_start3A_35 = arith.constant 0 : i32
    %dma_start3A_36 = arith.constant 0 : i32
    %dma_start3A_37 = tpu.memref_slice %arg2[%dma_start3A_35, %dma_start3A_36] : memref<10000x64xf32, #tpu.memory_space<hbm>> -> memref<10000x64xf32, #tpu.memory_space<hbm>>
    tpu.enqueue_indirect_dma source(%dma_start3A_37 : memref<10000x64xf32, #tpu.memory_space<hbm>>) target(%dma_start3A_31 : memref<64x64xf32, #tpu.memory_space<vmem>>) offsets(%dma_start3A_34 : memref<64xi32, #tpu.memory_space<vmem>>) semaphore(%arg11 : memref<!tpu.dma_semaphore, #tpu.memory_space<semaphore_mem>>)
    %dma_start3A_38 = arith.constant 1 : i32
    %dma_start3A_39 = arith.constant 3 : i32
    %dma_start3A_40 = arith.constant 0 : i32
    %dma_start3A_41 = arith.constant 0 : i32
    %dma_start3A_42 = tpu.memref_slice %arg9[%dma_start3A_39, %dma_start3A_40, %dma_start3A_41] : memref<8x64x64xf32, #tpu.memory_space<vmem>> -> memref<1x64x64xf32, #tpu.memory_space<vmem>>
    %dma_start3A_43 = tpu.memref_squeeze %dma_start3A_42 : memref<1x64x64xf32, #tpu.memory_space<vmem>> -> memref<64x64xf32, #tpu.memory_space<vmem>>
    %dma_start3A_44 = arith.constant 64 : i32
    %dma_start3A_45 = tpu.memref_slice %arg7[%dma_start3A_38, %dma_start3A_44] : memref<40x128xi32, #tpu.memory_space<vmem>> -> memref<1x64xi32, #tpu.memory_space<vmem>>
    %dma_start3A_46 = tpu.memref_squeeze %dma_start3A_45 : memref<1x64xi32, #tpu.memory_space<vmem>> -> memref<64xi32, #tpu.memory_space<vmem>>
    %dma_start3A_47 = arith.constant 0 : i32
    %dma_start3A_48 = arith.constant 0 : i32
    %dma_start3A_49 = tpu.memref_slice %arg2[%dma_start3A_47, %dma_start3A_48] : memref<10000x64xf32, #tpu.memory_space<hbm>> -> memref<10000x64xf32, #tpu.memory_space<hbm>>
    tpu.enqueue_indirect_dma source(%dma_start3A_49 : memref<10000x64xf32, #tpu.memory_space<hbm>>) target(%dma_start3A_43 : memref<64x64xf32, #tpu.memory_space<vmem>>) offsets(%dma_start3A_46 : memref<64xi32, #tpu.memory_space<vmem>>) semaphore(%arg11 : memref<!tpu.dma_semaphore, #tpu.memory_space<semaphore_mem>>)
    %dma_start3A_50 = arith.constant 2 : i32
    %dma_start3A_51 = arith.constant 4 : i32
    %dma_start3A_52 = arith.constant 0 : i32
    %dma_start3A_53 = arith.constant 0 : i32
    %dma_start3A_54 = tpu.memref_slice %arg9[%dma_start3A_51, %dma_start3A_52, %dma_start3A_53] : memref<8x64x64xf32, #tpu.memory_space<vmem>> -> memref<1x64x64xf32, #tpu.memory_space<vmem>>
    %dma_start3A_55 = tpu.memref_squeeze %dma_start3A_54 : memref<1x64x64xf32, #tpu.memory_space<vmem>> -> memref<64x64xf32, #tpu.memory_space<vmem>>
    %dma_start3A_56 = arith.constant 0 : i32
    %dma_start3A_57 = tpu.memref_slice %arg7[%dma_start3A_50, %dma_start3A_56] : memref<40x128xi32, #tpu.memory_space<vmem>> -> memref<1x64xi32, #tpu.memory_space<vmem>>
    %dma_start3A_58 = tpu.memref_squeeze %dma_start3A_57 : memref<1x64xi32, #tpu.memory_space<vmem>> -> memref<64xi32, #tpu.memory_space<vmem>>
    %dma_start3A_59 = arith.constant 0 : i32
    %dma_start3A_60 = arith.constant 0 : i32
    %dma_start3A_61 = tpu.memref_slice %arg2[%dma_start3A_59, %dma_start3A_60] : memref<10000x64xf32, #tpu.memory_space<hbm>> -> memref<10000x64xf32, #tpu.memory_space<hbm>>
    tpu.enqueue_indirect_dma source(%dma_start3A_61 : memref<10000x64xf32, #tpu.memory_space<hbm>>) target(%dma_start3A_55 : memref<64x64xf32, #tpu.memory_space<vmem>>) offsets(%dma_start3A_58 : memref<64xi32, #tpu.memory_space<vmem>>) semaphore(%arg11 : memref<!tpu.dma_semaphore, #tpu.memory_space<semaphore_mem>>)
    %dma_start3A_62 = arith.constant 2 : i32
    %dma_start3A_63 = arith.constant 5 : i32
    %dma_start3A_64 = arith.constant 0 : i32
    %dma_start3A_65 = arith.constant 0 : i32
    %dma_start3A_66 = tpu.memref_slice %arg9[%dma_start3A_63, %dma_start3A_64, %dma_start3A_65] : memref<8x64x64xf32, #tpu.memory_space<vmem>> -> memref<1x64x64xf32, #tpu.memory_space<vmem>>
    %dma_start3A_67 = tpu.memref_squeeze %dma_start3A_66 : memref<1x64x64xf32, #tpu.memory_space<vmem>> -> memref<64x64xf32, #tpu.memory_space<vmem>>
    %dma_start3A_68 = arith.constant 64 : i32
    %dma_start3A_69 = tpu.memref_slice %arg7[%dma_start3A_62, %dma_start3A_68] : memref<40x128xi32, #tpu.memory_space<vmem>> -> memref<1x64xi32, #tpu.memory_space<vmem>>
    %dma_start3A_70 = tpu.memref_squeeze %dma_start3A_69 : memref<1x64xi32, #tpu.memory_space<vmem>> -> memref<64xi32, #tpu.memory_space<vmem>>
    %dma_start3A_71 = arith.constant 0 : i32
    %dma_start3A_72 = arith.constant 0 : i32
    %dma_start3A_73 = tpu.memref_slice %arg2[%dma_start3A_71, %dma_start3A_72] : memref<10000x64xf32, #tpu.memory_space<hbm>> -> memref<10000x64xf32, #tpu.memory_space<hbm>>
    tpu.enqueue_indirect_dma source(%dma_start3A_73 : memref<10000x64xf32, #tpu.memory_space<hbm>>) target(%dma_start3A_67 : memref<64x64xf32, #tpu.memory_space<vmem>>) offsets(%dma_start3A_70 : memref<64xi32, #tpu.memory_space<vmem>>) semaphore(%arg11 : memref<!tpu.dma_semaphore, #tpu.memory_space<semaphore_mem>>)
    %dma_start3A_74 = arith.constant 3 : i32
    %dma_start3A_75 = arith.constant 6 : i32
    %dma_start3A_76 = arith.constant 0 : i32
    %dma_start3A_77 = arith.constant 0 : i32
    %dma_start3A_78 = tpu.memref_slice %arg9[%dma_start3A_75, %dma_start3A_76, %dma_start3A_77] : memref<8x64x64xf32, #tpu.memory_space<vmem>> -> memref<1x64x64xf32, #tpu.memory_space<vmem>>
    %dma_start3A_79 = tpu.memref_squeeze %dma_start3A_78 : memref<1x64x64xf32, #tpu.memory_space<vmem>> -> memref<64x64xf32, #tpu.memory_space<vmem>>
    %dma_start3A_80 = arith.constant 0 : i32
    %dma_start3A_81 = tpu.memref_slice %arg7[%dma_start3A_74, %dma_start3A_80] : memref<40x128xi32, #tpu.memory_space<vmem>> -> memref<1x64xi32, #tpu.memory_space<vmem>>
    %dma_start3A_82 = tpu.memref_squeeze %dma_start3A_81 : memref<1x64xi32, #tpu.memory_space<vmem>> -> memref<64xi32, #tpu.memory_space<vmem>>
    %dma_start3A_83 = arith.constant 0 : i32
    %dma_start3A_84 = arith.constant 0 : i32
    %dma_start3A_85 = tpu.memref_slice %arg2[%dma_start3A_83, %dma_start3A_84] : memref<10000x64xf32, #tpu.memory_space<hbm>> -> memref<10000x64xf32, #tpu.memory_space<hbm>>
    tpu.enqueue_indirect_dma source(%dma_start3A_85 : memref<10000x64xf32, #tpu.memory_space<hbm>>) target(%dma_start3A_79 : memref<64x64xf32, #tpu.memory_space<vmem>>) offsets(%dma_start3A_82 : memref<64xi32, #tpu.memory_space<vmem>>) semaphore(%arg11 : memref<!tpu.dma_semaphore, #tpu.memory_space<semaphore_mem>>)
    %dma_wait3A = arith.constant 0 : i32
    %dma_wait3A_86 = arith.constant 0 : i32
    %dma_wait3A_87 = arith.constant 0 : i32
    %dma_wait3A_88 = arith.constant 0 : i32
    %dma_wait3A_89 = tpu.memref_slice %arg9[%dma_wait3A_86, %dma_wait3A_87, %dma_wait3A_88] : memref<8x64x64xf32, #tpu.memory_space<vmem>> -> memref<1x64x64xf32, #tpu.memory_space<vmem>>
    %dma_wait3A_90 = tpu.memref_squeeze %dma_wait3A_89 : memref<1x64x64xf32, #tpu.memory_space<vmem>> -> memref<64x64xf32, #tpu.memory_space<vmem>>
    %dma_wait3A_91 = arith.constant 0 : i32
    %dma_wait3A_92 = tpu.memref_slice %arg7[%dma_wait3A, %dma_wait3A_91] : memref<40x128xi32, #tpu.memory_space<vmem>> -> memref<1x64xi32, #tpu.memory_space<vmem>>
    %dma_wait3A_93 = tpu.memref_squeeze %dma_wait3A_92 : memref<1x64xi32, #tpu.memory_space<vmem>> -> memref<64xi32, #tpu.memory_space<vmem>>
    %dma_wait3A_94 = arith.constant 0 : i32
    %dma_wait3A_95 = arith.constant 0 : i32
    %dma_wait3A_96 = tpu.memref_slice %arg2[%dma_wait3A_94, %dma_wait3A_95] : memref<10000x64xf32, #tpu.memory_space<hbm>> -> memref<10000x64xf32, #tpu.memory_space<hbm>>
    tpu.wait_indirect_dma semaphore(%arg11 : memref<!tpu.dma_semaphore, #tpu.memory_space<semaphore_mem>>) src(%dma_wait3A_96 : memref<10000x64xf32, #tpu.memory_space<hbm>>) dst(%dma_wait3A_90 : memref<64x64xf32, #tpu.memory_space<vmem>>)
    %dma_start3A_97 = arith.constant 0 : i32
    %dma_start3A_98 = arith.constant 0 : i32
    %dma_start3A_99 = arith.constant 0 : i32
    %dma_start3A_100 = arith.constant 0 : i32
    %dma_start3A_101 = tpu.memref_slice %arg9[%dma_start3A_97, %dma_start3A_99, %dma_start3A_100] : memref<8x64x64xf32, #tpu.memory_space<vmem>> -> memref<1x64x64xf32, #tpu.memory_space<vmem>>
    %dma_start3A_102 = tpu.memref_squeeze %dma_start3A_101 : memref<1x64x64xf32, #tpu.memory_space<vmem>> -> memref<64x64xf32, #tpu.memory_space<vmem>>
    %dma_start3A_103 = arith.constant 0 : i32
    %dma_start3A_104 = tpu.memref_slice %arg8[%dma_start3A_98, %dma_start3A_103] : memref<40x128xi32, #tpu.memory_space<vmem>> -> memref<1x64xi32, #tpu.memory_space<vmem>>
    %dma_start3A_105 = tpu.memref_squeeze %dma_start3A_104 : memref<1x64xi32, #tpu.memory_space<vmem>> -> memref<64xi32, #tpu.memory_space<vmem>>
    %dma_start3A_106 = arith.constant 0 : i32
    %dma_start3A_107 = arith.constant 0 : i32
    %dma_start3A_108 = tpu.memref_slice %arg10[%dma_start3A_106, %dma_start3A_107] : memref<10240x64xf32, #tpu.memory_space<vmem_shared>> -> memref<10240x64xf32, #tpu.memory_space<vmem_shared>>
    tpu.enqueue_indirect_dma source(%dma_start3A_102 : memref<64x64xf32, #tpu.memory_space<vmem>>) target(%dma_start3A_108 : memref<10240x64xf32, #tpu.memory_space<vmem_shared>>) offsets(%dma_start3A_105 : memref<64xi32, #tpu.memory_space<vmem>>) semaphore(%arg12 : memref<!tpu.dma_semaphore, #tpu.memory_space<semaphore_mem>>) {add = true}
    %dma_start3A_109 = arith.constant 3 : i32
    %dma_start3A_110 = arith.constant 7 : i32
    %dma_start3A_111 = arith.constant 0 : i32
    %dma_start3A_112 = arith.constant 0 : i32
    %dma_start3A_113 = tpu.memref_slice %arg9[%dma_start3A_110, %dma_start3A_111, %dma_start3A_112] : memref<8x64x64xf32, #tpu.memory_space<vmem>> -> memref<1x64x64xf32, #tpu.memory_space<vmem>>
    %dma_start3A_114 = tpu.memref_squeeze %dma_start3A_113 : memref<1x64x64xf32, #tpu.memory_space<vmem>> -> memref<64x64xf32, #tpu.memory_space<vmem>>
    %dma_start3A_115 = arith.constant 64 : i32
    %dma_start3A_116 = tpu.memref_slice %arg7[%dma_start3A_109, %dma_start3A_115] : memref<40x128xi32, #tpu.memory_space<vmem>> -> memref<1x64xi32, #tpu.memory_space<vmem>>
    %dma_start3A_117 = tpu.memref_squeeze %dma_start3A_116 : memref<1x64xi32, #tpu.memory_space<vmem>> -> memref<64xi32, #tpu.memory_space<vmem>>
    %dma_start3A_118 = arith.constant 0 : i32
    %dma_start3A_119 = arith.constant 0 : i32
    %dma_start3A_120 = tpu.memref_slice %arg2[%dma_start3A_118, %dma_start3A_119] : memref<10000x64xf32, #tpu.memory_space<hbm>> -> memref<10000x64xf32, #tpu.memory_space<hbm>>
    tpu.enqueue_indirect_dma source(%dma_start3A_120 : memref<10000x64xf32, #tpu.memory_space<hbm>>) target(%dma_start3A_114 : memref<64x64xf32, #tpu.memory_space<vmem>>) offsets(%dma_start3A_117 : memref<64xi32, #tpu.memory_space<vmem>>) semaphore(%arg11 : memref<!tpu.dma_semaphore, #tpu.memory_space<semaphore_mem>>)
    %scan3A = arith.constant 0 : i32
    %scan3A_121 = arith.constant 1 : i32
    %scan3A_122 = arith.constant 72 : i32
    %scan3A_123 = arith.addi %scan3A_121, %scan3A_122 : i32
    %scan3A_124 = arith.constant 1 : i32
    %scan3A_125 = scf.for %scan3A_392 = %scan3A_121 to %scan3A_123 step %scan3A_124 iter_args(%scan3A_393 = %scan3A) -> (i32)  : i32 {
      %rem3A = arith.constant 8 : i32
      %rem3A_394 = arith.remsi %scan3A_392, %rem3A : i32
      %jit3A = arith.constant 2 : i32
      %div3A = arith.divsi %scan3A_392, %jit3A : i32
      %sign3A = arith.constant 0 : i32
      %sign3A_395 = arith.cmpi sgt, %scan3A_392, %sign3A : i32
      %sign3A_396 = arith.extui %sign3A_395 : i1 to i32
      %sign3A_397 = arith.constant 0 : i32
      %sign3A_398 = arith.cmpi slt, %scan3A_392, %sign3A_397 : i32
      %sign3A_399 = arith.extui %sign3A_398 : i1 to i32
      %sign3A_400 = arith.subi %sign3A_396, %sign3A_399 : i32
      %sign3A_401 = arith.constant 0 : i32
      %sign3A_402 = arith.cmpi sgt, %jit3A, %sign3A_401 : i32
      %sign3A_403 = arith.extui %sign3A_402 : i1 to i32
      %sign3A_404 = arith.constant 0 : i32
      %sign3A_405 = arith.cmpi slt, %jit3A, %sign3A_404 : i32
      %sign3A_406 = arith.extui %sign3A_405 : i1 to i32
      %sign3A_407 = arith.subi %sign3A_403, %sign3A_406 : i32
      %ne3A = arith.cmpi ne, %sign3A_400, %sign3A_407 : i32
      %rem3A_408 = arith.remsi %scan3A_392, %jit3A : i32
      %ne3A_409 = arith.constant 0 : i32
      %ne3A_410 = arith.cmpi ne, %rem3A_408, %ne3A_409 : i32
      %and3A = arith.andi %ne3A, %ne3A_410 : i1
      %sub3A = arith.constant 1 : i32
      %sub3A_411 = arith.subi %div3A, %sub3A : i32
      %select_n3A = arith.select %and3A, %sub3A_411, %div3A : i32
      %jit3A_412 = arith.constant 2 : i32
      %eq3A = arith.constant 0 : i32
      %eq3A_413 = arith.cmpi eq, %jit3A_412, %eq3A : i32
      %jit3A_414 = arith.constant 1 : i32
      %select_n3A_415 = arith.select %eq3A_413, %jit3A_414, %jit3A_412 : i32
      %rem3A_416 = arith.remsi %scan3A_392, %select_n3A_415 : i32
      %ne3A_417 = arith.constant 0 : i32
      %ne3A_418 = arith.cmpi ne, %rem3A_416, %ne3A_417 : i32
      %lt3A = arith.constant 0 : i32
      %lt3A_419 = arith.cmpi slt, %rem3A_416, %lt3A : i32
      %lt3A_420 = arith.constant 0 : i32
      %lt3A_421 = arith.cmpi slt, %select_n3A_415, %lt3A_420 : i32
      %ne3A_422 = arith.xori %lt3A_419, %lt3A_421 : i1
      %and3A_423 = arith.andi %ne3A_422, %ne3A_418 : i1
      %add3A_424 = arith.addi %rem3A_416, %select_n3A_415 : i32
      %select_n3A_425 = arith.select %and3A_423, %add3A_424, %rem3A_416 : i32
      %mul3A_426 = arith.constant 64 : i32
      %mul3A_427 = arith.muli %select_n3A_425, %mul3A_426 : i32
      %dma_wait3A_428 = arith.constant 0 : i32
      %dma_wait3A_429 = arith.constant 0 : i32
      %dma_wait3A_430 = tpu.memref_slice %arg9[%rem3A_394, %dma_wait3A_428, %dma_wait3A_429] : memref<8x64x64xf32, #tpu.memory_space<vmem>> -> memref<1x64x64xf32, #tpu.memory_space<vmem>>
      %dma_wait3A_431 = tpu.memref_squeeze %dma_wait3A_430 : memref<1x64x64xf32, #tpu.memory_space<vmem>> -> memref<64x64xf32, #tpu.memory_space<vmem>>
      %dma_wait3A_432 = tpu.memref_slice %arg7[%select_n3A, %mul3A_427] : memref<40x128xi32, #tpu.memory_space<vmem>> -> memref<1x64xi32, #tpu.memory_space<vmem>>
      %dma_wait3A_433 = tpu.memref_squeeze %dma_wait3A_432 : memref<1x64xi32, #tpu.memory_space<vmem>> -> memref<64xi32, #tpu.memory_space<vmem>>
      %dma_wait3A_434 = arith.constant 0 : i32
      %dma_wait3A_435 = arith.constant 0 : i32
      %dma_wait3A_436 = tpu.memref_slice %arg2[%dma_wait3A_434, %dma_wait3A_435] : memref<10000x64xf32, #tpu.memory_space<hbm>> -> memref<10000x64xf32, #tpu.memory_space<hbm>>
      tpu.wait_indirect_dma semaphore(%arg11 : memref<!tpu.dma_semaphore, #tpu.memory_space<semaphore_mem>>) src(%dma_wait3A_436 : memref<10000x64xf32, #tpu.memory_space<hbm>>) dst(%dma_wait3A_431 : memref<64x64xf32, #tpu.memory_space<vmem>>)
      %jit3A_437 = arith.constant 2 : i32
      %div3A_438 = arith.divsi %scan3A_392, %jit3A_437 : i32
      %sign3A_439 = arith.constant 0 : i32
      %sign3A_440 = arith.cmpi sgt, %scan3A_392, %sign3A_439 : i32
      %sign3A_441 = arith.extui %sign3A_440 : i1 to i32
      %sign3A_442 = arith.constant 0 : i32
      %sign3A_443 = arith.cmpi slt, %scan3A_392, %sign3A_442 : i32
      %sign3A_444 = arith.extui %sign3A_443 : i1 to i32
      %sign3A_445 = arith.subi %sign3A_441, %sign3A_444 : i32
      %sign3A_446 = arith.constant 0 : i32
      %sign3A_447 = arith.cmpi sgt, %jit3A_437, %sign3A_446 : i32
      %sign3A_448 = arith.extui %sign3A_447 : i1 to i32
      %sign3A_449 = arith.constant 0 : i32
      %sign3A_450 = arith.cmpi slt, %jit3A_437, %sign3A_449 : i32
      %sign3A_451 = arith.extui %sign3A_450 : i1 to i32
      %sign3A_452 = arith.subi %sign3A_448, %sign3A_451 : i32
      %ne3A_453 = arith.cmpi ne, %sign3A_445, %sign3A_452 : i32
      %rem3A_454 = arith.remsi %scan3A_392, %jit3A_437 : i32
      %ne3A_455 = arith.constant 0 : i32
      %ne3A_456 = arith.cmpi ne, %rem3A_454, %ne3A_455 : i32
      %and3A_457 = arith.andi %ne3A_453, %ne3A_456 : i1
      %sub3A_458 = arith.constant 1 : i32
      %sub3A_459 = arith.subi %div3A_438, %sub3A_458 : i32
      %select_n3A_460 = arith.select %and3A_457, %sub3A_459, %div3A_438 : i32
      %jit3A_461 = arith.constant 2 : i32
      %eq3A_462 = arith.constant 0 : i32
      %eq3A_463 = arith.cmpi eq, %jit3A_461, %eq3A_462 : i32
      %jit3A_464 = arith.constant 1 : i32
      %select_n3A_465 = arith.select %eq3A_463, %jit3A_464, %jit3A_461 : i32
      %rem3A_466 = arith.remsi %scan3A_392, %select_n3A_465 : i32
      %ne3A_467 = arith.constant 0 : i32
      %ne3A_468 = arith.cmpi ne, %rem3A_466, %ne3A_467 : i32
      %lt3A_469 = arith.constant 0 : i32
      %lt3A_470 = arith.cmpi slt, %rem3A_466, %lt3A_469 : i32
      %lt3A_471 = arith.constant 0 : i32
      %lt3A_472 = arith.cmpi slt, %select_n3A_465, %lt3A_471 : i32
      %ne3A_473 = arith.xori %lt3A_470, %lt3A_472 : i1
      %and3A_474 = arith.andi %ne3A_473, %ne3A_468 : i1
      %add3A_475 = arith.addi %rem3A_466, %select_n3A_465 : i32
      %select_n3A_476 = arith.select %and3A_474, %add3A_475, %rem3A_466 : i32
      %mul3A_477 = arith.constant 64 : i32
      %mul3A_478 = arith.muli %select_n3A_476, %mul3A_477 : i32
      %dma_start3A_479 = arith.constant 0 : i32
      %dma_start3A_480 = arith.constant 0 : i32
      %dma_start3A_481 = tpu.memref_slice %arg9[%rem3A_394, %dma_start3A_479, %dma_start3A_480] : memref<8x64x64xf32, #tpu.memory_space<vmem>> -> memref<1x64x64xf32, #tpu.memory_space<vmem>>
      %dma_start3A_482 = tpu.memref_squeeze %dma_start3A_481 : memref<1x64x64xf32, #tpu.memory_space<vmem>> -> memref<64x64xf32, #tpu.memory_space<vmem>>
      %dma_start3A_483 = tpu.memref_slice %arg8[%select_n3A_460, %mul3A_478] : memref<40x128xi32, #tpu.memory_space<vmem>> -> memref<1x64xi32, #tpu.memory_space<vmem>>
      %dma_start3A_484 = tpu.memref_squeeze %dma_start3A_483 : memref<1x64xi32, #tpu.memory_space<vmem>> -> memref<64xi32, #tpu.memory_space<vmem>>
      %dma_start3A_485 = arith.constant 0 : i32
      %dma_start3A_486 = arith.constant 0 : i32
      %dma_start3A_487 = tpu.memref_slice %arg10[%dma_start3A_485, %dma_start3A_486] : memref<10240x64xf32, #tpu.memory_space<vmem_shared>> -> memref<10240x64xf32, #tpu.memory_space<vmem_shared>>
      tpu.enqueue_indirect_dma source(%dma_start3A_482 : memref<64x64xf32, #tpu.memory_space<vmem>>) target(%dma_start3A_487 : memref<10240x64xf32, #tpu.memory_space<vmem_shared>>) offsets(%dma_start3A_484 : memref<64xi32, #tpu.memory_space<vmem>>) semaphore(%arg12 : memref<!tpu.dma_semaphore, #tpu.memory_space<semaphore_mem>>) {add = true}
      %sub3A_488 = arith.constant 1 : i32
      %sub3A_489 = arith.subi %scan3A_392, %sub3A_488 : i32
      %sub3A_490 = arith.constant 1 : i32
      %sub3A_491 = arith.subi %scan3A_392, %sub3A_490 : i32
      %rem3A_492 = arith.constant 8 : i32
      %rem3A_493 = arith.remsi %sub3A_491, %rem3A_492 : i32
      %jit3A_494 = arith.constant 2 : i32
      %div3A_495 = arith.divsi %sub3A_489, %jit3A_494 : i32
      %sign3A_496 = arith.constant 0 : i32
      %sign3A_497 = arith.cmpi sgt, %sub3A_489, %sign3A_496 : i32
      %sign3A_498 = arith.extui %sign3A_497 : i1 to i32
      %sign3A_499 = arith.constant 0 : i32
      %sign3A_500 = arith.cmpi slt, %sub3A_489, %sign3A_499 : i32
      %sign3A_501 = arith.extui %sign3A_500 : i1 to i32
      %sign3A_502 = arith.subi %sign3A_498, %sign3A_501 : i32
      %sign3A_503 = arith.constant 0 : i32
      %sign3A_504 = arith.cmpi sgt, %jit3A_494, %sign3A_503 : i32
      %sign3A_505 = arith.extui %sign3A_504 : i1 to i32
      %sign3A_506 = arith.constant 0 : i32
      %sign3A_507 = arith.cmpi slt, %jit3A_494, %sign3A_506 : i32
      %sign3A_508 = arith.extui %sign3A_507 : i1 to i32
      %sign3A_509 = arith.subi %sign3A_505, %sign3A_508 : i32
      %ne3A_510 = arith.cmpi ne, %sign3A_502, %sign3A_509 : i32
      %rem3A_511 = arith.remsi %sub3A_489, %jit3A_494 : i32
      %ne3A_512 = arith.constant 0 : i32
      %ne3A_513 = arith.cmpi ne, %rem3A_511, %ne3A_512 : i32
      %and3A_514 = arith.andi %ne3A_510, %ne3A_513 : i1
      %sub3A_515 = arith.constant 1 : i32
      %sub3A_516 = arith.subi %div3A_495, %sub3A_515 : i32
      %select_n3A_517 = arith.select %and3A_514, %sub3A_516, %div3A_495 : i32
      %jit3A_518 = arith.constant 2 : i32
      %eq3A_519 = arith.constant 0 : i32
      %eq3A_520 = arith.cmpi eq, %jit3A_518, %eq3A_519 : i32
      %jit3A_521 = arith.constant 1 : i32
      %select_n3A_522 = arith.select %eq3A_520, %jit3A_521, %jit3A_518 : i32
      %rem3A_523 = arith.remsi %sub3A_489, %select_n3A_522 : i32
      %ne3A_524 = arith.constant 0 : i32
      %ne3A_525 = arith.cmpi ne, %rem3A_523, %ne3A_524 : i32
      %lt3A_526 = arith.constant 0 : i32
      %lt3A_527 = arith.cmpi slt, %rem3A_523, %lt3A_526 : i32
      %lt3A_528 = arith.constant 0 : i32
      %lt3A_529 = arith.cmpi slt, %select_n3A_522, %lt3A_528 : i32
      %ne3A_530 = arith.xori %lt3A_527, %lt3A_529 : i1
      %and3A_531 = arith.andi %ne3A_530, %ne3A_525 : i1
      %add3A_532 = arith.addi %rem3A_523, %select_n3A_522 : i32
      %select_n3A_533 = arith.select %and3A_531, %add3A_532, %rem3A_523 : i32
      %mul3A_534 = arith.constant 64 : i32
      %mul3A_535 = arith.muli %select_n3A_533, %mul3A_534 : i32
      %dma_wait3A_536 = arith.constant 0 : i32
      %dma_wait3A_537 = arith.constant 0 : i32
      %dma_wait3A_538 = tpu.memref_slice %arg9[%rem3A_493, %dma_wait3A_536, %dma_wait3A_537] : memref<8x64x64xf32, #tpu.memory_space<vmem>> -> memref<1x64x64xf32, #tpu.memory_space<vmem>>
      %dma_wait3A_539 = tpu.memref_squeeze %dma_wait3A_538 : memref<1x64x64xf32, #tpu.memory_space<vmem>> -> memref<64x64xf32, #tpu.memory_space<vmem>>
      %dma_wait3A_540 = tpu.memref_slice %arg8[%select_n3A_517, %mul3A_535] : memref<40x128xi32, #tpu.memory_space<vmem>> -> memref<1x64xi32, #tpu.memory_space<vmem>>
      %dma_wait3A_541 = tpu.memref_squeeze %dma_wait3A_540 : memref<1x64xi32, #tpu.memory_space<vmem>> -> memref<64xi32, #tpu.memory_space<vmem>>
      %dma_wait3A_542 = arith.constant 0 : i32
      %dma_wait3A_543 = arith.constant 0 : i32
      %dma_wait3A_544 = tpu.memref_slice %arg10[%dma_wait3A_542, %dma_wait3A_543] : memref<10240x64xf32, #tpu.memory_space<vmem_shared>> -> memref<10240x64xf32, #tpu.memory_space<vmem_shared>>
      tpu.wait_indirect_dma semaphore(%arg12 : memref<!tpu.dma_semaphore, #tpu.memory_space<semaphore_mem>>) src(%dma_wait3A_539 : memref<64x64xf32, #tpu.memory_space<vmem>>) dst(%dma_wait3A_544 : memref<10240x64xf32, #tpu.memory_space<vmem_shared>>)
      %add3A_545 = arith.constant 8 : i32
      %add3A_546 = arith.addi %scan3A_392, %add3A_545 : i32
      %sub3A_547 = arith.constant 1 : i32
      %sub3A_548 = arith.subi %add3A_546, %sub3A_547 : i32
      %add3A_549 = arith.constant 8 : i32
      %add3A_550 = arith.addi %scan3A_392, %add3A_549 : i32
      %sub3A_551 = arith.constant 1 : i32
      %sub3A_552 = arith.subi %add3A_550, %sub3A_551 : i32
      %rem3A_553 = arith.constant 8 : i32
      %rem3A_554 = arith.remsi %sub3A_552, %rem3A_553 : i32
      %jit3A_555 = arith.constant 2 : i32
      %div3A_556 = arith.divsi %sub3A_548, %jit3A_555 : i32
      %sign3A_557 = arith.constant 0 : i32
      %sign3A_558 = arith.cmpi sgt, %sub3A_548, %sign3A_557 : i32
      %sign3A_559 = arith.extui %sign3A_558 : i1 to i32
      %sign3A_560 = arith.constant 0 : i32
      %sign3A_561 = arith.cmpi slt, %sub3A_548, %sign3A_560 : i32
      %sign3A_562 = arith.extui %sign3A_561 : i1 to i32
      %sign3A_563 = arith.subi %sign3A_559, %sign3A_562 : i32
      %sign3A_564 = arith.constant 0 : i32
      %sign3A_565 = arith.cmpi sgt, %jit3A_555, %sign3A_564 : i32
      %sign3A_566 = arith.extui %sign3A_565 : i1 to i32
      %sign3A_567 = arith.constant 0 : i32
      %sign3A_568 = arith.cmpi slt, %jit3A_555, %sign3A_567 : i32
      %sign3A_569 = arith.extui %sign3A_568 : i1 to i32
      %sign3A_570 = arith.subi %sign3A_566, %sign3A_569 : i32
      %ne3A_571 = arith.cmpi ne, %sign3A_563, %sign3A_570 : i32
      %rem3A_572 = arith.remsi %sub3A_548, %jit3A_555 : i32
      %ne3A_573 = arith.constant 0 : i32
      %ne3A_574 = arith.cmpi ne, %rem3A_572, %ne3A_573 : i32
      %and3A_575 = arith.andi %ne3A_571, %ne3A_574 : i1
      %sub3A_576 = arith.constant 1 : i32
      %sub3A_577 = arith.subi %div3A_556, %sub3A_576 : i32
      %select_n3A_578 = arith.select %and3A_575, %sub3A_577, %div3A_556 : i32
      %jit3A_579 = arith.constant 2 : i32
      %eq3A_580 = arith.constant 0 : i32
      %eq3A_581 = arith.cmpi eq, %jit3A_579, %eq3A_580 : i32
      %jit3A_582 = arith.constant 1 : i32
      %select_n3A_583 = arith.select %eq3A_581, %jit3A_582, %jit3A_579 : i32
      %rem3A_584 = arith.remsi %sub3A_548, %select_n3A_583 : i32
      %ne3A_585 = arith.constant 0 : i32
      %ne3A_586 = arith.cmpi ne, %rem3A_584, %ne3A_585 : i32
      %lt3A_587 = arith.constant 0 : i32
      %lt3A_588 = arith.cmpi slt, %rem3A_584, %lt3A_587 : i32
      %lt3A_589 = arith.constant 0 : i32
      %lt3A_590 = arith.cmpi slt, %select_n3A_583, %lt3A_589 : i32
      %ne3A_591 = arith.xori %lt3A_588, %lt3A_590 : i1
      %and3A_592 = arith.andi %ne3A_591, %ne3A_586 : i1
      %add3A_593 = arith.addi %rem3A_584, %select_n3A_583 : i32
      %select_n3A_594 = arith.select %and3A_592, %add3A_593, %rem3A_584 : i32
      %mul3A_595 = arith.constant 64 : i32
      %mul3A_596 = arith.muli %select_n3A_594, %mul3A_595 : i32
      %dma_start3A_597 = arith.constant 0 : i32
      %dma_start3A_598 = arith.constant 0 : i32
      %dma_start3A_599 = tpu.memref_slice %arg9[%rem3A_554, %dma_start3A_597, %dma_start3A_598] : memref<8x64x64xf32, #tpu.memory_space<vmem>> -> memref<1x64x64xf32, #tpu.memory_space<vmem>>
      %dma_start3A_600 = tpu.memref_squeeze %dma_start3A_599 : memref<1x64x64xf32, #tpu.memory_space<vmem>> -> memref<64x64xf32, #tpu.memory_space<vmem>>
      %dma_start3A_601 = tpu.memref_slice %arg7[%select_n3A_578, %mul3A_596] : memref<40x128xi32, #tpu.memory_space<vmem>> -> memref<1x64xi32, #tpu.memory_space<vmem>>
      %dma_start3A_602 = tpu.memref_squeeze %dma_start3A_601 : memref<1x64xi32, #tpu.memory_space<vmem>> -> memref<64xi32, #tpu.memory_space<vmem>>
      %dma_start3A_603 = arith.constant 0 : i32
      %dma_start3A_604 = arith.constant 0 : i32
      %dma_start3A_605 = tpu.memref_slice %arg2[%dma_start3A_603, %dma_start3A_604] : memref<10000x64xf32, #tpu.memory_space<hbm>> -> memref<10000x64xf32, #tpu.memory_space<hbm>>
      tpu.enqueue_indirect_dma source(%dma_start3A_605 : memref<10000x64xf32, #tpu.memory_space<hbm>>) target(%dma_start3A_600 : memref<64x64xf32, #tpu.memory_space<vmem>>) offsets(%dma_start3A_602 : memref<64xi32, #tpu.memory_space<vmem>>) semaphore(%arg11 : memref<!tpu.dma_semaphore, #tpu.memory_space<semaphore_mem>>)
      %scan3A_606 = arith.constant 0 : i32
      scf.yield %scan3A_606 : i32
    }
    %scan3A_126 = arith.constant 72 : i32
    %dma_wait3A_127 = arith.constant 36 : i32
    %dma_wait3A_128 = arith.constant 1 : i32
    %dma_wait3A_129 = arith.constant 0 : i32
    %dma_wait3A_130 = arith.constant 0 : i32
    %dma_wait3A_131 = tpu.memref_slice %arg9[%dma_wait3A_128, %dma_wait3A_129, %dma_wait3A_130] : memref<8x64x64xf32, #tpu.memory_space<vmem>> -> memref<1x64x64xf32, #tpu.memory_space<vmem>>
    %dma_wait3A_132 = tpu.memref_squeeze %dma_wait3A_131 : memref<1x64x64xf32, #tpu.memory_space<vmem>> -> memref<64x64xf32, #tpu.memory_space<vmem>>
    %dma_wait3A_133 = arith.constant 64 : i32
    %dma_wait3A_134 = tpu.memref_slice %arg7[%dma_wait3A_127, %dma_wait3A_133] : memref<40x128xi32, #tpu.memory_space<vmem>> -> memref<1x64xi32, #tpu.memory_space<vmem>>
    %dma_wait3A_135 = tpu.memref_squeeze %dma_wait3A_134 : memref<1x64xi32, #tpu.memory_space<vmem>> -> memref<64xi32, #tpu.memory_space<vmem>>
    %dma_wait3A_136 = arith.constant 0 : i32
    %dma_wait3A_137 = arith.constant 0 : i32
    %dma_wait3A_138 = tpu.memref_slice %arg2[%dma_wait3A_136, %dma_wait3A_137] : memref<10000x64xf32, #tpu.memory_space<hbm>> -> memref<10000x64xf32, #tpu.memory_space<hbm>>
    tpu.wait_indirect_dma semaphore(%arg11 : memref<!tpu.dma_semaphore, #tpu.memory_space<semaphore_mem>>) src(%dma_wait3A_138 : memref<10000x64xf32, #tpu.memory_space<hbm>>) dst(%dma_wait3A_132 : memref<64x64xf32, #tpu.memory_space<vmem>>)
    %dma_start3A_139 = arith.constant 1 : i32
    %dma_start3A_140 = arith.constant 36 : i32
    %dma_start3A_141 = arith.constant 0 : i32
    %dma_start3A_142 = arith.constant 0 : i32
    %dma_start3A_143 = tpu.memref_slice %arg9[%dma_start3A_139, %dma_start3A_141, %dma_start3A_142] : memref<8x64x64xf32, #tpu.memory_space<vmem>> -> memref<1x64x64xf32, #tpu.memory_space<vmem>>
    %dma_start3A_144 = tpu.memref_squeeze %dma_start3A_143 : memref<1x64x64xf32, #tpu.memory_space<vmem>> -> memref<64x64xf32, #tpu.memory_space<vmem>>
    %dma_start3A_145 = arith.constant 64 : i32
    %dma_start3A_146 = tpu.memref_slice %arg8[%dma_start3A_140, %dma_start3A_145] : memref<40x128xi32, #tpu.memory_space<vmem>> -> memref<1x64xi32, #tpu.memory_space<vmem>>
    %dma_start3A_147 = tpu.memref_squeeze %dma_start3A_146 : memref<1x64xi32, #tpu.memory_space<vmem>> -> memref<64xi32, #tpu.memory_space<vmem>>
    %dma_start3A_148 = arith.constant 0 : i32
    %dma_start3A_149 = arith.constant 0 : i32
    %dma_start3A_150 = tpu.memref_slice %arg10[%dma_start3A_148, %dma_start3A_149] : memref<10240x64xf32, #tpu.memory_space<vmem_shared>> -> memref<10240x64xf32, #tpu.memory_space<vmem_shared>>
    tpu.enqueue_indirect_dma source(%dma_start3A_144 : memref<64x64xf32, #tpu.memory_space<vmem>>) target(%dma_start3A_150 : memref<10240x64xf32, #tpu.memory_space<vmem_shared>>) offsets(%dma_start3A_147 : memref<64xi32, #tpu.memory_space<vmem>>) semaphore(%arg12 : memref<!tpu.dma_semaphore, #tpu.memory_space<semaphore_mem>>) {add = true}
    %dma_wait3A_151 = arith.constant 0 : i32
    %dma_wait3A_152 = arith.constant 36 : i32
    %dma_wait3A_153 = arith.constant 0 : i32
    %dma_wait3A_154 = arith.constant 0 : i32
    %dma_wait3A_155 = tpu.memref_slice %arg9[%dma_wait3A_151, %dma_wait3A_153, %dma_wait3A_154] : memref<8x64x64xf32, #tpu.memory_space<vmem>> -> memref<1x64x64xf32, #tpu.memory_space<vmem>>
    %dma_wait3A_156 = tpu.memref_squeeze %dma_wait3A_155 : memref<1x64x64xf32, #tpu.memory_space<vmem>> -> memref<64x64xf32, #tpu.memory_space<vmem>>
    %dma_wait3A_157 = arith.constant 0 : i32
    %dma_wait3A_158 = tpu.memref_slice %arg8[%dma_wait3A_152, %dma_wait3A_157] : memref<40x128xi32, #tpu.memory_space<vmem>> -> memref<1x64xi32, #tpu.memory_space<vmem>>
    %dma_wait3A_159 = tpu.memref_squeeze %dma_wait3A_158 : memref<1x64xi32, #tpu.memory_space<vmem>> -> memref<64xi32, #tpu.memory_space<vmem>>
    %dma_wait3A_160 = arith.constant 0 : i32
    %dma_wait3A_161 = arith.constant 0 : i32
    %dma_wait3A_162 = tpu.memref_slice %arg10[%dma_wait3A_160, %dma_wait3A_161] : memref<10240x64xf32, #tpu.memory_space<vmem_shared>> -> memref<10240x64xf32, #tpu.memory_space<vmem_shared>>
    tpu.wait_indirect_dma semaphore(%arg12 : memref<!tpu.dma_semaphore, #tpu.memory_space<semaphore_mem>>) src(%dma_wait3A_156 : memref<64x64xf32, #tpu.memory_space<vmem>>) dst(%dma_wait3A_162 : memref<10240x64xf32, #tpu.memory_space<vmem_shared>>)
    %dma_wait3A_163 = arith.constant 37 : i32
    %dma_wait3A_164 = arith.constant 2 : i32
    %dma_wait3A_165 = arith.constant 0 : i32
    %dma_wait3A_166 = arith.constant 0 : i32
    %dma_wait3A_167 = tpu.memref_slice %arg9[%dma_wait3A_164, %dma_wait3A_165, %dma_wait3A_166] : memref<8x64x64xf32, #tpu.memory_space<vmem>> -> memref<1x64x64xf32, #tpu.memory_space<vmem>>
    %dma_wait3A_168 = tpu.memref_squeeze %dma_wait3A_167 : memref<1x64x64xf32, #tpu.memory_space<vmem>> -> memref<64x64xf32, #tpu.memory_space<vmem>>
    %dma_wait3A_169 = arith.constant 0 : i32
    %dma_wait3A_170 = tpu.memref_slice %arg7[%dma_wait3A_163, %dma_wait3A_169] : memref<40x128xi32, #tpu.memory_space<vmem>> -> memref<1x64xi32, #tpu.memory_space<vmem>>
    %dma_wait3A_171 = tpu.memref_squeeze %dma_wait3A_170 : memref<1x64xi32, #tpu.memory_space<vmem>> -> memref<64xi32, #tpu.memory_space<vmem>>
    %dma_wait3A_172 = arith.constant 0 : i32
    %dma_wait3A_173 = arith.constant 0 : i32
    %dma_wait3A_174 = tpu.memref_slice %arg2[%dma_wait3A_172, %dma_wait3A_173] : memref<10000x64xf32, #tpu.memory_space<hbm>> -> memref<10000x64xf32, #tpu.memory_space<hbm>>
    tpu.wait_indirect_dma semaphore(%arg11 : memref<!tpu.dma_semaphore, #tpu.memory_space<semaphore_mem>>) src(%dma_wait3A_174 : memref<10000x64xf32, #tpu.memory_space<hbm>>) dst(%dma_wait3A_168 : memref<64x64xf32, #tpu.memory_space<vmem>>)
    %dma_start3A_175 = arith.constant 2 : i32
    %dma_start3A_176 = arith.constant 37 : i32
    %dma_start3A_177 = arith.constant 0 : i32
    %dma_start3A_178 = arith.constant 0 : i32
    %dma_start3A_179 = tpu.memref_slice %arg9[%dma_start3A_175, %dma_start3A_177, %dma_start3A_178] : memref<8x64x64xf32, #tpu.memory_space<vmem>> -> memref<1x64x64xf32, #tpu.memory_space<vmem>>
    %dma_start3A_180 = tpu.memref_squeeze %dma_start3A_179 : memref<1x64x64xf32, #tpu.memory_space<vmem>> -> memref<64x64xf32, #tpu.memory_space<vmem>>
    %dma_start3A_181 = arith.constant 0 : i32
    %dma_start3A_182 = tpu.memref_slice %arg8[%dma_start3A_176, %dma_start3A_181] : memref<40x128xi32, #tpu.memory_space<vmem>> -> memref<1x64xi32, #tpu.memory_space<vmem>>
    %dma_start3A_183 = tpu.memref_squeeze %dma_start3A_182 : memref<1x64xi32, #tpu.memory_space<vmem>> -> memref<64xi32, #tpu.memory_space<vmem>>
    %dma_start3A_184 = arith.constant 0 : i32
    %dma_start3A_185 = arith.constant 0 : i32
    %dma_start3A_186 = tpu.memref_slice %arg10[%dma_start3A_184, %dma_start3A_185] : memref<10240x64xf32, #tpu.memory_space<vmem_shared>> -> memref<10240x64xf32, #tpu.memory_space<vmem_shared>>
    tpu.enqueue_indirect_dma source(%dma_start3A_180 : memref<64x64xf32, #tpu.memory_space<vmem>>) target(%dma_start3A_186 : memref<10240x64xf32, #tpu.memory_space<vmem_shared>>) offsets(%dma_start3A_183 : memref<64xi32, #tpu.memory_space<vmem>>) semaphore(%arg12 : memref<!tpu.dma_semaphore, #tpu.memory_space<semaphore_mem>>) {add = true}
    %dma_wait3A_187 = arith.constant 1 : i32
    %dma_wait3A_188 = arith.constant 36 : i32
    %dma_wait3A_189 = arith.constant 0 : i32
    %dma_wait3A_190 = arith.constant 0 : i32
    %dma_wait3A_191 = tpu.memref_slice %arg9[%dma_wait3A_187, %dma_wait3A_189, %dma_wait3A_190] : memref<8x64x64xf32, #tpu.memory_space<vmem>> -> memref<1x64x64xf32, #tpu.memory_space<vmem>>
    %dma_wait3A_192 = tpu.memref_squeeze %dma_wait3A_191 : memref<1x64x64xf32, #tpu.memory_space<vmem>> -> memref<64x64xf32, #tpu.memory_space<vmem>>
    %dma_wait3A_193 = arith.constant 64 : i32
    %dma_wait3A_194 = tpu.memref_slice %arg8[%dma_wait3A_188, %dma_wait3A_193] : memref<40x128xi32, #tpu.memory_space<vmem>> -> memref<1x64xi32, #tpu.memory_space<vmem>>
    %dma_wait3A_195 = tpu.memref_squeeze %dma_wait3A_194 : memref<1x64xi32, #tpu.memory_space<vmem>> -> memref<64xi32, #tpu.memory_space<vmem>>
    %dma_wait3A_196 = arith.constant 0 : i32
    %dma_wait3A_197 = arith.constant 0 : i32
    %dma_wait3A_198 = tpu.memref_slice %arg10[%dma_wait3A_196, %dma_wait3A_197] : memref<10240x64xf32, #tpu.memory_space<vmem_shared>> -> memref<10240x64xf32, #tpu.memory_space<vmem_shared>>
    tpu.wait_indirect_dma semaphore(%arg12 : memref<!tpu.dma_semaphore, #tpu.memory_space<semaphore_mem>>) src(%dma_wait3A_192 : memref<64x64xf32, #tpu.memory_space<vmem>>) dst(%dma_wait3A_198 : memref<10240x64xf32, #tpu.memory_space<vmem_shared>>)
    %dma_wait3A_199 = arith.constant 37 : i32
    %dma_wait3A_200 = arith.constant 3 : i32
    %dma_wait3A_201 = arith.constant 0 : i32
    %dma_wait3A_202 = arith.constant 0 : i32
    %dma_wait3A_203 = tpu.memref_slice %arg9[%dma_wait3A_200, %dma_wait3A_201, %dma_wait3A_202] : memref<8x64x64xf32, #tpu.memory_space<vmem>> -> memref<1x64x64xf32, #tpu.memory_space<vmem>>
    %dma_wait3A_204 = tpu.memref_squeeze %dma_wait3A_203 : memref<1x64x64xf32, #tpu.memory_space<vmem>> -> memref<64x64xf32, #tpu.memory_space<vmem>>
    %dma_wait3A_205 = arith.constant 64 : i32
    %dma_wait3A_206 = tpu.memref_slice %arg7[%dma_wait3A_199, %dma_wait3A_205] : memref<40x128xi32, #tpu.memory_space<vmem>> -> memref<1x64xi32, #tpu.memory_space<vmem>>
    %dma_wait3A_207 = tpu.memref_squeeze %dma_wait3A_206 : memref<1x64xi32, #tpu.memory_space<vmem>> -> memref<64xi32, #tpu.memory_space<vmem>>
    %dma_wait3A_208 = arith.constant 0 : i32
    %dma_wait3A_209 = arith.constant 0 : i32
    %dma_wait3A_210 = tpu.memref_slice %arg2[%dma_wait3A_208, %dma_wait3A_209] : memref<10000x64xf32, #tpu.memory_space<hbm>> -> memref<10000x64xf32, #tpu.memory_space<hbm>>
    tpu.wait_indirect_dma semaphore(%arg11 : memref<!tpu.dma_semaphore, #tpu.memory_space<semaphore_mem>>) src(%dma_wait3A_210 : memref<10000x64xf32, #tpu.memory_space<hbm>>) dst(%dma_wait3A_204 : memref<64x64xf32, #tpu.memory_space<vmem>>)
    %dma_start3A_211 = arith.constant 3 : i32
    %dma_start3A_212 = arith.constant 37 : i32
    %dma_start3A_213 = arith.constant 0 : i32
    %dma_start3A_214 = arith.constant 0 : i32
    %dma_start3A_215 = tpu.memref_slice %arg9[%dma_start3A_211, %dma_start3A_213, %dma_start3A_214] : memref<8x64x64xf32, #tpu.memory_space<vmem>> -> memref<1x64x64xf32, #tpu.memory_space<vmem>>
    %dma_start3A_216 = tpu.memref_squeeze %dma_start3A_215 : memref<1x64x64xf32, #tpu.memory_space<vmem>> -> memref<64x64xf32, #tpu.memory_space<vmem>>
    %dma_start3A_217 = arith.constant 64 : i32
    %dma_start3A_218 = tpu.memref_slice %arg8[%dma_start3A_212, %dma_start3A_217] : memref<40x128xi32, #tpu.memory_space<vmem>> -> memref<1x64xi32, #tpu.memory_space<vmem>>
    %dma_start3A_219 = tpu.memref_squeeze %dma_start3A_218 : memref<1x64xi32, #tpu.memory_space<vmem>> -> memref<64xi32, #tpu.memory_space<vmem>>
    %dma_start3A_220 = arith.constant 0 : i32
    %dma_start3A_221 = arith.constant 0 : i32
    %dma_start3A_222 = tpu.memref_slice %arg10[%dma_start3A_220, %dma_start3A_221] : memref<10240x64xf32, #tpu.memory_space<vmem_shared>> -> memref<10240x64xf32, #tpu.memory_space<vmem_shared>>
    tpu.enqueue_indirect_dma source(%dma_start3A_216 : memref<64x64xf32, #tpu.memory_space<vmem>>) target(%dma_start3A_222 : memref<10240x64xf32, #tpu.memory_space<vmem_shared>>) offsets(%dma_start3A_219 : memref<64xi32, #tpu.memory_space<vmem>>) semaphore(%arg12 : memref<!tpu.dma_semaphore, #tpu.memory_space<semaphore_mem>>) {add = true}
    %dma_wait3A_223 = arith.constant 2 : i32
    %dma_wait3A_224 = arith.constant 37 : i32
    %dma_wait3A_225 = arith.constant 0 : i32
    %dma_wait3A_226 = arith.constant 0 : i32
    %dma_wait3A_227 = tpu.memref_slice %arg9[%dma_wait3A_223, %dma_wait3A_225, %dma_wait3A_226] : memref<8x64x64xf32, #tpu.memory_space<vmem>> -> memref<1x64x64xf32, #tpu.memory_space<vmem>>
    %dma_wait3A_228 = tpu.memref_squeeze %dma_wait3A_227 : memref<1x64x64xf32, #tpu.memory_space<vmem>> -> memref<64x64xf32, #tpu.memory_space<vmem>>
    %dma_wait3A_229 = arith.constant 0 : i32
    %dma_wait3A_230 = tpu.memref_slice %arg8[%dma_wait3A_224, %dma_wait3A_229] : memref<40x128xi32, #tpu.memory_space<vmem>> -> memref<1x64xi32, #tpu.memory_space<vmem>>
    %dma_wait3A_231 = tpu.memref_squeeze %dma_wait3A_230 : memref<1x64xi32, #tpu.memory_space<vmem>> -> memref<64xi32, #tpu.memory_space<vmem>>
    %dma_wait3A_232 = arith.constant 0 : i32
    %dma_wait3A_233 = arith.constant 0 : i32
    %dma_wait3A_234 = tpu.memref_slice %arg10[%dma_wait3A_232, %dma_wait3A_233] : memref<10240x64xf32, #tpu.memory_space<vmem_shared>> -> memref<10240x64xf32, #tpu.memory_space<vmem_shared>>
    tpu.wait_indirect_dma semaphore(%arg12 : memref<!tpu.dma_semaphore, #tpu.memory_space<semaphore_mem>>) src(%dma_wait3A_228 : memref<64x64xf32, #tpu.memory_space<vmem>>) dst(%dma_wait3A_234 : memref<10240x64xf32, #tpu.memory_space<vmem_shared>>)
    %dma_wait3A_235 = arith.constant 38 : i32
    %dma_wait3A_236 = arith.constant 4 : i32
    %dma_wait3A_237 = arith.constant 0 : i32
    %dma_wait3A_238 = arith.constant 0 : i32
    %dma_wait3A_239 = tpu.memref_slice %arg9[%dma_wait3A_236, %dma_wait3A_237, %dma_wait3A_238] : memref<8x64x64xf32, #tpu.memory_space<vmem>> -> memref<1x64x64xf32, #tpu.memory_space<vmem>>
    %dma_wait3A_240 = tpu.memref_squeeze %dma_wait3A_239 : memref<1x64x64xf32, #tpu.memory_space<vmem>> -> memref<64x64xf32, #tpu.memory_space<vmem>>
    %dma_wait3A_241 = arith.constant 0 : i32
    %dma_wait3A_242 = tpu.memref_slice %arg7[%dma_wait3A_235, %dma_wait3A_241] : memref<40x128xi32, #tpu.memory_space<vmem>> -> memref<1x64xi32, #tpu.memory_space<vmem>>
    %dma_wait3A_243 = tpu.memref_squeeze %dma_wait3A_242 : memref<1x64xi32, #tpu.memory_space<vmem>> -> memref<64xi32, #tpu.memory_space<vmem>>
    %dma_wait3A_244 = arith.constant 0 : i32
    %dma_wait3A_245 = arith.constant 0 : i32
    %dma_wait3A_246 = tpu.memref_slice %arg2[%dma_wait3A_244, %dma_wait3A_245] : memref<10000x64xf32, #tpu.memory_space<hbm>> -> memref<10000x64xf32, #tpu.memory_space<hbm>>
    tpu.wait_indirect_dma semaphore(%arg11 : memref<!tpu.dma_semaphore, #tpu.memory_space<semaphore_mem>>) src(%dma_wait3A_246 : memref<10000x64xf32, #tpu.memory_space<hbm>>) dst(%dma_wait3A_240 : memref<64x64xf32, #tpu.memory_space<vmem>>)
    %dma_start3A_247 = arith.constant 4 : i32
    %dma_start3A_248 = arith.constant 38 : i32
    %dma_start3A_249 = arith.constant 0 : i32
    %dma_start3A_250 = arith.constant 0 : i32
    %dma_start3A_251 = tpu.memref_slice %arg9[%dma_start3A_247, %dma_start3A_249, %dma_start3A_250] : memref<8x64x64xf32, #tpu.memory_space<vmem>> -> memref<1x64x64xf32, #tpu.memory_space<vmem>>
    %dma_start3A_252 = tpu.memref_squeeze %dma_start3A_251 : memref<1x64x64xf32, #tpu.memory_space<vmem>> -> memref<64x64xf32, #tpu.memory_space<vmem>>
    %dma_start3A_253 = arith.constant 0 : i32
    %dma_start3A_254 = tpu.memref_slice %arg8[%dma_start3A_248, %dma_start3A_253] : memref<40x128xi32, #tpu.memory_space<vmem>> -> memref<1x64xi32, #tpu.memory_space<vmem>>
    %dma_start3A_255 = tpu.memref_squeeze %dma_start3A_254 : memref<1x64xi32, #tpu.memory_space<vmem>> -> memref<64xi32, #tpu.memory_space<vmem>>
    %dma_start3A_256 = arith.constant 0 : i32
    %dma_start3A_257 = arith.constant 0 : i32
    %dma_start3A_258 = tpu.memref_slice %arg10[%dma_start3A_256, %dma_start3A_257] : memref<10240x64xf32, #tpu.memory_space<vmem_shared>> -> memref<10240x64xf32, #tpu.memory_space<vmem_shared>>
    tpu.enqueue_indirect_dma source(%dma_start3A_252 : memref<64x64xf32, #tpu.memory_space<vmem>>) target(%dma_start3A_258 : memref<10240x64xf32, #tpu.memory_space<vmem_shared>>) offsets(%dma_start3A_255 : memref<64xi32, #tpu.memory_space<vmem>>) semaphore(%arg12 : memref<!tpu.dma_semaphore, #tpu.memory_space<semaphore_mem>>) {add = true}
    %dma_wait3A_259 = arith.constant 3 : i32
    %dma_wait3A_260 = arith.constant 37 : i32
    %dma_wait3A_261 = arith.constant 0 : i32
    %dma_wait3A_262 = arith.constant 0 : i32
    %dma_wait3A_263 = tpu.memref_slice %arg9[%dma_wait3A_259, %dma_wait3A_261, %dma_wait3A_262] : memref<8x64x64xf32, #tpu.memory_space<vmem>> -> memref<1x64x64xf32, #tpu.memory_space<vmem>>
    %dma_wait3A_264 = tpu.memref_squeeze %dma_wait3A_263 : memref<1x64x64xf32, #tpu.memory_space<vmem>> -> memref<64x64xf32, #tpu.memory_space<vmem>>
    %dma_wait3A_265 = arith.constant 64 : i32
    %dma_wait3A_266 = tpu.memref_slice %arg8[%dma_wait3A_260, %dma_wait3A_265] : memref<40x128xi32, #tpu.memory_space<vmem>> -> memref<1x64xi32, #tpu.memory_space<vmem>>
    %dma_wait3A_267 = tpu.memref_squeeze %dma_wait3A_266 : memref<1x64xi32, #tpu.memory_space<vmem>> -> memref<64xi32, #tpu.memory_space<vmem>>
    %dma_wait3A_268 = arith.constant 0 : i32
    %dma_wait3A_269 = arith.constant 0 : i32
    %dma_wait3A_270 = tpu.memref_slice %arg10[%dma_wait3A_268, %dma_wait3A_269] : memref<10240x64xf32, #tpu.memory_space<vmem_shared>> -> memref<10240x64xf32, #tpu.memory_space<vmem_shared>>
    tpu.wait_indirect_dma semaphore(%arg12 : memref<!tpu.dma_semaphore, #tpu.memory_space<semaphore_mem>>) src(%dma_wait3A_264 : memref<64x64xf32, #tpu.memory_space<vmem>>) dst(%dma_wait3A_270 : memref<10240x64xf32, #tpu.memory_space<vmem_shared>>)
    %dma_wait3A_271 = arith.constant 38 : i32
    %dma_wait3A_272 = arith.constant 5 : i32
    %dma_wait3A_273 = arith.constant 0 : i32
    %dma_wait3A_274 = arith.constant 0 : i32
    %dma_wait3A_275 = tpu.memref_slice %arg9[%dma_wait3A_272, %dma_wait3A_273, %dma_wait3A_274] : memref<8x64x64xf32, #tpu.memory_space<vmem>> -> memref<1x64x64xf32, #tpu.memory_space<vmem>>
    %dma_wait3A_276 = tpu.memref_squeeze %dma_wait3A_275 : memref<1x64x64xf32, #tpu.memory_space<vmem>> -> memref<64x64xf32, #tpu.memory_space<vmem>>
    %dma_wait3A_277 = arith.constant 64 : i32
    %dma_wait3A_278 = tpu.memref_slice %arg7[%dma_wait3A_271, %dma_wait3A_277] : memref<40x128xi32, #tpu.memory_space<vmem>> -> memref<1x64xi32, #tpu.memory_space<vmem>>
    %dma_wait3A_279 = tpu.memref_squeeze %dma_wait3A_278 : memref<1x64xi32, #tpu.memory_space<vmem>> -> memref<64xi32, #tpu.memory_space<vmem>>
    %dma_wait3A_280 = arith.constant 0 : i32
    %dma_wait3A_281 = arith.constant 0 : i32
    %dma_wait3A_282 = tpu.memref_slice %arg2[%dma_wait3A_280, %dma_wait3A_281] : memref<10000x64xf32, #tpu.memory_space<hbm>> -> memref<10000x64xf32, #tpu.memory_space<hbm>>
    tpu.wait_indirect_dma semaphore(%arg11 : memref<!tpu.dma_semaphore, #tpu.memory_space<semaphore_mem>>) src(%dma_wait3A_282 : memref<10000x64xf32, #tpu.memory_space<hbm>>) dst(%dma_wait3A_276 : memref<64x64xf32, #tpu.memory_space<vmem>>)
    %dma_start3A_283 = arith.constant 5 : i32
    %dma_start3A_284 = arith.constant 38 : i32
    %dma_start3A_285 = arith.constant 0 : i32
    %dma_start3A_286 = arith.constant 0 : i32
    %dma_start3A_287 = tpu.memref_slice %arg9[%dma_start3A_283, %dma_start3A_285, %dma_start3A_286] : memref<8x64x64xf32, #tpu.memory_space<vmem>> -> memref<1x64x64xf32, #tpu.memory_space<vmem>>
    %dma_start3A_288 = tpu.memref_squeeze %dma_start3A_287 : memref<1x64x64xf32, #tpu.memory_space<vmem>> -> memref<64x64xf32, #tpu.memory_space<vmem>>
    %dma_start3A_289 = arith.constant 64 : i32
    %dma_start3A_290 = tpu.memref_slice %arg8[%dma_start3A_284, %dma_start3A_289] : memref<40x128xi32, #tpu.memory_space<vmem>> -> memref<1x64xi32, #tpu.memory_space<vmem>>
    %dma_start3A_291 = tpu.memref_squeeze %dma_start3A_290 : memref<1x64xi32, #tpu.memory_space<vmem>> -> memref<64xi32, #tpu.memory_space<vmem>>
    %dma_start3A_292 = arith.constant 0 : i32
    %dma_start3A_293 = arith.constant 0 : i32
    %dma_start3A_294 = tpu.memref_slice %arg10[%dma_start3A_292, %dma_start3A_293] : memref<10240x64xf32, #tpu.memory_space<vmem_shared>> -> memref<10240x64xf32, #tpu.memory_space<vmem_shared>>
    tpu.enqueue_indirect_dma source(%dma_start3A_288 : memref<64x64xf32, #tpu.memory_space<vmem>>) target(%dma_start3A_294 : memref<10240x64xf32, #tpu.memory_space<vmem_shared>>) offsets(%dma_start3A_291 : memref<64xi32, #tpu.memory_space<vmem>>) semaphore(%arg12 : memref<!tpu.dma_semaphore, #tpu.memory_space<semaphore_mem>>) {add = true}
    %dma_wait3A_295 = arith.constant 4 : i32
    %dma_wait3A_296 = arith.constant 38 : i32
    %dma_wait3A_297 = arith.constant 0 : i32
    %dma_wait3A_298 = arith.constant 0 : i32
    %dma_wait3A_299 = tpu.memref_slice %arg9[%dma_wait3A_295, %dma_wait3A_297, %dma_wait3A_298] : memref<8x64x64xf32, #tpu.memory_space<vmem>> -> memref<1x64x64xf32, #tpu.memory_space<vmem>>
    %dma_wait3A_300 = tpu.memref_squeeze %dma_wait3A_299 : memref<1x64x64xf32, #tpu.memory_space<vmem>> -> memref<64x64xf32, #tpu.memory_space<vmem>>
    %dma_wait3A_301 = arith.constant 0 : i32
    %dma_wait3A_302 = tpu.memref_slice %arg8[%dma_wait3A_296, %dma_wait3A_301] : memref<40x128xi32, #tpu.memory_space<vmem>> -> memref<1x64xi32, #tpu.memory_space<vmem>>
    %dma_wait3A_303 = tpu.memref_squeeze %dma_wait3A_302 : memref<1x64xi32, #tpu.memory_space<vmem>> -> memref<64xi32, #tpu.memory_space<vmem>>
    %dma_wait3A_304 = arith.constant 0 : i32
    %dma_wait3A_305 = arith.constant 0 : i32
    %dma_wait3A_306 = tpu.memref_slice %arg10[%dma_wait3A_304, %dma_wait3A_305] : memref<10240x64xf32, #tpu.memory_space<vmem_shared>> -> memref<10240x64xf32, #tpu.memory_space<vmem_shared>>
    tpu.wait_indirect_dma semaphore(%arg12 : memref<!tpu.dma_semaphore, #tpu.memory_space<semaphore_mem>>) src(%dma_wait3A_300 : memref<64x64xf32, #tpu.memory_space<vmem>>) dst(%dma_wait3A_306 : memref<10240x64xf32, #tpu.memory_space<vmem_shared>>)
    %dma_wait3A_307 = arith.constant 39 : i32
    %dma_wait3A_308 = arith.constant 6 : i32
    %dma_wait3A_309 = arith.constant 0 : i32
    %dma_wait3A_310 = arith.constant 0 : i32
    %dma_wait3A_311 = tpu.memref_slice %arg9[%dma_wait3A_308, %dma_wait3A_309, %dma_wait3A_310] : memref<8x64x64xf32, #tpu.memory_space<vmem>> -> memref<1x64x64xf32, #tpu.memory_space<vmem>>
    %dma_wait3A_312 = tpu.memref_squeeze %dma_wait3A_311 : memref<1x64x64xf32, #tpu.memory_space<vmem>> -> memref<64x64xf32, #tpu.memory_space<vmem>>
    %dma_wait3A_313 = arith.constant 0 : i32
    %dma_wait3A_314 = tpu.memref_slice %arg7[%dma_wait3A_307, %dma_wait3A_313] : memref<40x128xi32, #tpu.memory_space<vmem>> -> memref<1x64xi32, #tpu.memory_space<vmem>>
    %dma_wait3A_315 = tpu.memref_squeeze %dma_wait3A_314 : memref<1x64xi32, #tpu.memory_space<vmem>> -> memref<64xi32, #tpu.memory_space<vmem>>
    %dma_wait3A_316 = arith.constant 0 : i32
    %dma_wait3A_317 = arith.constant 0 : i32
    %dma_wait3A_318 = tpu.memref_slice %arg2[%dma_wait3A_316, %dma_wait3A_317] : memref<10000x64xf32, #tpu.memory_space<hbm>> -> memref<10000x64xf32, #tpu.memory_space<hbm>>
    tpu.wait_indirect_dma semaphore(%arg11 : memref<!tpu.dma_semaphore, #tpu.memory_space<semaphore_mem>>) src(%dma_wait3A_318 : memref<10000x64xf32, #tpu.memory_space<hbm>>) dst(%dma_wait3A_312 : memref<64x64xf32, #tpu.memory_space<vmem>>)
    %dma_start3A_319 = arith.constant 6 : i32
    %dma_start3A_320 = arith.constant 39 : i32
    %dma_start3A_321 = arith.constant 0 : i32
    %dma_start3A_322 = arith.constant 0 : i32
    %dma_start3A_323 = tpu.memref_slice %arg9[%dma_start3A_319, %dma_start3A_321, %dma_start3A_322] : memref<8x64x64xf32, #tpu.memory_space<vmem>> -> memref<1x64x64xf32, #tpu.memory_space<vmem>>
    %dma_start3A_324 = tpu.memref_squeeze %dma_start3A_323 : memref<1x64x64xf32, #tpu.memory_space<vmem>> -> memref<64x64xf32, #tpu.memory_space<vmem>>
    %dma_start3A_325 = arith.constant 0 : i32
    %dma_start3A_326 = tpu.memref_slice %arg8[%dma_start3A_320, %dma_start3A_325] : memref<40x128xi32, #tpu.memory_space<vmem>> -> memref<1x64xi32, #tpu.memory_space<vmem>>
    %dma_start3A_327 = tpu.memref_squeeze %dma_start3A_326 : memref<1x64xi32, #tpu.memory_space<vmem>> -> memref<64xi32, #tpu.memory_space<vmem>>
    %dma_start3A_328 = arith.constant 0 : i32
    %dma_start3A_329 = arith.constant 0 : i32
    %dma_start3A_330 = tpu.memref_slice %arg10[%dma_start3A_328, %dma_start3A_329] : memref<10240x64xf32, #tpu.memory_space<vmem_shared>> -> memref<10240x64xf32, #tpu.memory_space<vmem_shared>>
    tpu.enqueue_indirect_dma source(%dma_start3A_324 : memref<64x64xf32, #tpu.memory_space<vmem>>) target(%dma_start3A_330 : memref<10240x64xf32, #tpu.memory_space<vmem_shared>>) offsets(%dma_start3A_327 : memref<64xi32, #tpu.memory_space<vmem>>) semaphore(%arg12 : memref<!tpu.dma_semaphore, #tpu.memory_space<semaphore_mem>>) {add = true}
    %dma_wait3A_331 = arith.constant 5 : i32
    %dma_wait3A_332 = arith.constant 38 : i32
    %dma_wait3A_333 = arith.constant 0 : i32
    %dma_wait3A_334 = arith.constant 0 : i32
    %dma_wait3A_335 = tpu.memref_slice %arg9[%dma_wait3A_331, %dma_wait3A_333, %dma_wait3A_334] : memref<8x64x64xf32, #tpu.memory_space<vmem>> -> memref<1x64x64xf32, #tpu.memory_space<vmem>>
    %dma_wait3A_336 = tpu.memref_squeeze %dma_wait3A_335 : memref<1x64x64xf32, #tpu.memory_space<vmem>> -> memref<64x64xf32, #tpu.memory_space<vmem>>
    %dma_wait3A_337 = arith.constant 64 : i32
    %dma_wait3A_338 = tpu.memref_slice %arg8[%dma_wait3A_332, %dma_wait3A_337] : memref<40x128xi32, #tpu.memory_space<vmem>> -> memref<1x64xi32, #tpu.memory_space<vmem>>
    %dma_wait3A_339 = tpu.memref_squeeze %dma_wait3A_338 : memref<1x64xi32, #tpu.memory_space<vmem>> -> memref<64xi32, #tpu.memory_space<vmem>>
    %dma_wait3A_340 = arith.constant 0 : i32
    %dma_wait3A_341 = arith.constant 0 : i32
    %dma_wait3A_342 = tpu.memref_slice %arg10[%dma_wait3A_340, %dma_wait3A_341] : memref<10240x64xf32, #tpu.memory_space<vmem_shared>> -> memref<10240x64xf32, #tpu.memory_space<vmem_shared>>
    tpu.wait_indirect_dma semaphore(%arg12 : memref<!tpu.dma_semaphore, #tpu.memory_space<semaphore_mem>>) src(%dma_wait3A_336 : memref<64x64xf32, #tpu.memory_space<vmem>>) dst(%dma_wait3A_342 : memref<10240x64xf32, #tpu.memory_space<vmem_shared>>)
    %dma_wait3A_343 = arith.constant 39 : i32
    %dma_wait3A_344 = arith.constant 7 : i32
    %dma_wait3A_345 = arith.constant 0 : i32
    %dma_wait3A_346 = arith.constant 0 : i32
    %dma_wait3A_347 = tpu.memref_slice %arg9[%dma_wait3A_344, %dma_wait3A_345, %dma_wait3A_346] : memref<8x64x64xf32, #tpu.memory_space<vmem>> -> memref<1x64x64xf32, #tpu.memory_space<vmem>>
    %dma_wait3A_348 = tpu.memref_squeeze %dma_wait3A_347 : memref<1x64x64xf32, #tpu.memory_space<vmem>> -> memref<64x64xf32, #tpu.memory_space<vmem>>
    %dma_wait3A_349 = arith.constant 64 : i32
    %dma_wait3A_350 = tpu.memref_slice %arg7[%dma_wait3A_343, %dma_wait3A_349] : memref<40x128xi32, #tpu.memory_space<vmem>> -> memref<1x64xi32, #tpu.memory_space<vmem>>
    %dma_wait3A_351 = tpu.memref_squeeze %dma_wait3A_350 : memref<1x64xi32, #tpu.memory_space<vmem>> -> memref<64xi32, #tpu.memory_space<vmem>>
    %dma_wait3A_352 = arith.constant 0 : i32
    %dma_wait3A_353 = arith.constant 0 : i32
    %dma_wait3A_354 = tpu.memref_slice %arg2[%dma_wait3A_352, %dma_wait3A_353] : memref<10000x64xf32, #tpu.memory_space<hbm>> -> memref<10000x64xf32, #tpu.memory_space<hbm>>
    tpu.wait_indirect_dma semaphore(%arg11 : memref<!tpu.dma_semaphore, #tpu.memory_space<semaphore_mem>>) src(%dma_wait3A_354 : memref<10000x64xf32, #tpu.memory_space<hbm>>) dst(%dma_wait3A_348 : memref<64x64xf32, #tpu.memory_space<vmem>>)
    %dma_start3A_355 = arith.constant 7 : i32
    %dma_start3A_356 = arith.constant 39 : i32
    %dma_start3A_357 = arith.constant 0 : i32
    %dma_start3A_358 = arith.constant 0 : i32
    %dma_start3A_359 = tpu.memref_slice %arg9[%dma_start3A_355, %dma_start3A_357, %dma_start3A_358] : memref<8x64x64xf32, #tpu.memory_space<vmem>> -> memref<1x64x64xf32, #tpu.memory_space<vmem>>
    %dma_start3A_360 = tpu.memref_squeeze %dma_start3A_359 : memref<1x64x64xf32, #tpu.memory_space<vmem>> -> memref<64x64xf32, #tpu.memory_space<vmem>>
    %dma_start3A_361 = arith.constant 64 : i32
    %dma_start3A_362 = tpu.memref_slice %arg8[%dma_start3A_356, %dma_start3A_361] : memref<40x128xi32, #tpu.memory_space<vmem>> -> memref<1x64xi32, #tpu.memory_space<vmem>>
    %dma_start3A_363 = tpu.memref_squeeze %dma_start3A_362 : memref<1x64xi32, #tpu.memory_space<vmem>> -> memref<64xi32, #tpu.memory_space<vmem>>
    %dma_start3A_364 = arith.constant 0 : i32
    %dma_start3A_365 = arith.constant 0 : i32
    %dma_start3A_366 = tpu.memref_slice %arg10[%dma_start3A_364, %dma_start3A_365] : memref<10240x64xf32, #tpu.memory_space<vmem_shared>> -> memref<10240x64xf32, #tpu.memory_space<vmem_shared>>
    tpu.enqueue_indirect_dma source(%dma_start3A_360 : memref<64x64xf32, #tpu.memory_space<vmem>>) target(%dma_start3A_366 : memref<10240x64xf32, #tpu.memory_space<vmem_shared>>) offsets(%dma_start3A_363 : memref<64xi32, #tpu.memory_space<vmem>>) semaphore(%arg12 : memref<!tpu.dma_semaphore, #tpu.memory_space<semaphore_mem>>) {add = true}
    %dma_wait3A_367 = arith.constant 6 : i32
    %dma_wait3A_368 = arith.constant 39 : i32
    %dma_wait3A_369 = arith.constant 0 : i32
    %dma_wait3A_370 = arith.constant 0 : i32
    %dma_wait3A_371 = tpu.memref_slice %arg9[%dma_wait3A_367, %dma_wait3A_369, %dma_wait3A_370] : memref<8x64x64xf32, #tpu.memory_space<vmem>> -> memref<1x64x64xf32, #tpu.memory_space<vmem>>
    %dma_wait3A_372 = tpu.memref_squeeze %dma_wait3A_371 : memref<1x64x64xf32, #tpu.memory_space<vmem>> -> memref<64x64xf32, #tpu.memory_space<vmem>>
    %dma_wait3A_373 = arith.constant 0 : i32
    %dma_wait3A_374 = tpu.memref_slice %arg8[%dma_wait3A_368, %dma_wait3A_373] : memref<40x128xi32, #tpu.memory_space<vmem>> -> memref<1x64xi32, #tpu.memory_space<vmem>>
    %dma_wait3A_375 = tpu.memref_squeeze %dma_wait3A_374 : memref<1x64xi32, #tpu.memory_space<vmem>> -> memref<64xi32, #tpu.memory_space<vmem>>
    %dma_wait3A_376 = arith.constant 0 : i32
    %dma_wait3A_377 = arith.constant 0 : i32
    %dma_wait3A_378 = tpu.memref_slice %arg10[%dma_wait3A_376, %dma_wait3A_377] : memref<10240x64xf32, #tpu.memory_space<vmem_shared>> -> memref<10240x64xf32, #tpu.memory_space<vmem_shared>>
    tpu.wait_indirect_dma semaphore(%arg12 : memref<!tpu.dma_semaphore, #tpu.memory_space<semaphore_mem>>) src(%dma_wait3A_372 : memref<64x64xf32, #tpu.memory_space<vmem>>) dst(%dma_wait3A_378 : memref<10240x64xf32, #tpu.memory_space<vmem_shared>>)
    %dma_wait3A_379 = arith.constant 7 : i32
    %dma_wait3A_380 = arith.constant 39 : i32
    %dma_wait3A_381 = arith.constant 0 : i32
    %dma_wait3A_382 = arith.constant 0 : i32
    %dma_wait3A_383 = tpu.memref_slice %arg9[%dma_wait3A_379, %dma_wait3A_381, %dma_wait3A_382] : memref<8x64x64xf32, #tpu.memory_space<vmem>> -> memref<1x64x64xf32, #tpu.memory_space<vmem>>
    %dma_wait3A_384 = tpu.memref_squeeze %dma_wait3A_383 : memref<1x64x64xf32, #tpu.memory_space<vmem>> -> memref<64x64xf32, #tpu.memory_space<vmem>>
    %dma_wait3A_385 = arith.constant 64 : i32
    %dma_wait3A_386 = tpu.memref_slice %arg8[%dma_wait3A_380, %dma_wait3A_385] : memref<40x128xi32, #tpu.memory_space<vmem>> -> memref<1x64xi32, #tpu.memory_space<vmem>>
    %dma_wait3A_387 = tpu.memref_squeeze %dma_wait3A_386 : memref<1x64xi32, #tpu.memory_space<vmem>> -> memref<64xi32, #tpu.memory_space<vmem>>
    %dma_wait3A_388 = arith.constant 0 : i32
    %dma_wait3A_389 = arith.constant 0 : i32
    %dma_wait3A_390 = tpu.memref_slice %arg10[%dma_wait3A_388, %dma_wait3A_389] : memref<10240x64xf32, #tpu.memory_space<vmem_shared>> -> memref<10240x64xf32, #tpu.memory_space<vmem_shared>>
    tpu.wait_indirect_dma semaphore(%arg12 : memref<!tpu.dma_semaphore, #tpu.memory_space<semaphore_mem>>) src(%dma_wait3A_384 : memref<64x64xf32, #tpu.memory_space<vmem>>) dst(%dma_wait3A_390 : memref<10240x64xf32, #tpu.memory_space<vmem_shared>>)
    %barrier3A_391 = arith.constant 0 : index
    tpu.barrier barrier_id(%barrier3A_391)
    "tpu.region"() ({
      %run_scoped3A = tpu.sem_alloc : memref<!tpu.dma_semaphore, #tpu.memory_space<semaphore_mem>>
      %dma_start3A_392 = arith.constant 0 : i32
      %dma_start3A_393 = tpu.memref_slice %arg6[%arg0, %mul3A_2, %dma_start3A_392] : memref<2x10240x64xf32, #tpu.memory_space<hbm>> -> memref<1x640x64xf32, #tpu.memory_space<hbm>>
      %dma_start3A_394 = tpu.memref_squeeze %dma_start3A_393 : memref<1x640x64xf32, #tpu.memory_space<hbm>> -> memref<640x64xf32, #tpu.memory_space<hbm>>
      %dma_start3A_395 = arith.constant 0 : i32
      %dma_start3A_396 = tpu.memref_slice %arg10[%mul3A_2, %dma_start3A_395] : memref<10240x64xf32, #tpu.memory_space<vmem_shared>> -> memref<640x64xf32, #tpu.memory_space<vmem_shared>>
      tpu.enqueue_dma source(%dma_start3A_396 : memref<640x64xf32, #tpu.memory_space<vmem_shared>>) target(%dma_start3A_394 : memref<640x64xf32, #tpu.memory_space<hbm>>) target_semaphore(%run_scoped3A : memref<!tpu.dma_semaphore, #tpu.memory_space<semaphore_mem>>)
      %dma_wait3A_397 = arith.constant 0 : i32
      %dma_wait3A_398 = tpu.memref_slice %arg6[%arg0, %mul3A_2, %dma_wait3A_397] : memref<2x10240x64xf32, #tpu.memory_space<hbm>> -> memref<1x640x64xf32, #tpu.memory_space<hbm>>
      %dma_wait3A_399 = tpu.memref_squeeze %dma_wait3A_398 : memref<1x640x64xf32, #tpu.memory_space<hbm>> -> memref<640x64xf32, #tpu.memory_space<hbm>>
      %dma_wait3A_400 = arith.constant 0 : i32
      %dma_wait3A_401 = tpu.memref_slice %arg10[%mul3A_2, %dma_wait3A_400] : memref<10240x64xf32, #tpu.memory_space<vmem_shared>> -> memref<640x64xf32, #tpu.memory_space<vmem_shared>>
      tpu.wait_dma2 semaphore(%run_scoped3A : memref<!tpu.dma_semaphore, #tpu.memory_space<semaphore_mem>>) src(%dma_wait3A_401 : memref<640x64xf32, #tpu.memory_space<vmem_shared>>) dst(%dma_wait3A_399 : memref<640x64xf32, #tpu.memory_space<hbm>>)
      tpu.yield
    }) : () -> ()
    return
  }
}

#map = affine_map<(d0, d1) -> (0, 0)>
#map1 = affine_map<(d0, d1) -> (0, 0, 0)>
module attributes {stable_mosaic.version = 14 : i64} {
  func.func @scat_kernel(%arg0: i32, %arg1: i32, %arg2: memref<10000x128xf32, #tpu.memory_space<hbm>>, %arg3: memref<32x40x128xi32, #tpu.memory_space<hbm>>, %arg4: memref<32x40x128xi32, #tpu.memory_space<hbm>>, %arg5: memref<640x128xf32, #tpu.memory_space<hbm>>, %arg6: memref<2x10240x128xf32, #tpu.memory_space<hbm>>, %arg7: memref<40x128xi32, #tpu.memory_space<vmem>>, %arg8: memref<40x128xi32, #tpu.memory_space<vmem>>, %arg9: memref<8x32x128xf32, #tpu.memory_space<vmem>>, %arg10: memref<10240x128xf32, #tpu.memory_space<vmem_shared>>, %arg11: memref<!tpu.dma_semaphore, #tpu.memory_space<semaphore_mem>>, %arg12: memref<!tpu.dma_semaphore, #tpu.memory_space<semaphore_mem>>) attributes {dimension_semantics = [#tpu.dimension_semantics<core_parallel>, #tpu.dimension_semantics<subcore_parallel>], iteration_bounds = array<i64: 2, 16>, scalar_prefetch = 0 : i64, scratch_operands = 6 : i64, tpu.core_type = #tpu.core_type<sc_vector_subcore>, window_params = [{transform_indices = #map}, {transform_indices = #map1}, {transform_indices = #map1}, {transform_indices = #map}, {transform_indices = #map1}]} {
    %mul3A = arith.constant 2 : i32
    %mul3A_0 = arith.muli %arg1, %mul3A : i32
    %add3A = arith.addi %mul3A_0, %arg0 : i32
    %mul3A_1 = arith.constant 640 : i32
    %mul3A_2 = arith.muli %arg1, %mul3A_1 : i32
    "tpu.region"() ({
      %run_scoped3A = tpu.sem_alloc : memref<!tpu.dma_semaphore, #tpu.memory_space<semaphore_mem>>
      %dma_start3A_392 = arith.constant 0 : i32
      %dma_start3A_393 = tpu.memref_slice %arg10[%mul3A_2, %dma_start3A_392] : memref<10240x128xf32, #tpu.memory_space<vmem_shared>> -> memref<640x128xf32, #tpu.memory_space<vmem_shared>>
      tpu.enqueue_dma source(%arg5 : memref<640x128xf32, #tpu.memory_space<hbm>>) target(%dma_start3A_393 : memref<640x128xf32, #tpu.memory_space<vmem_shared>>) target_semaphore(%run_scoped3A : memref<!tpu.dma_semaphore, #tpu.memory_space<semaphore_mem>>)
      %dma_wait3A_394 = arith.constant 0 : i32
      %dma_wait3A_395 = tpu.memref_slice %arg10[%mul3A_2, %dma_wait3A_394] : memref<10240x128xf32, #tpu.memory_space<vmem_shared>> -> memref<640x128xf32, #tpu.memory_space<vmem_shared>>
      tpu.wait_dma2 semaphore(%run_scoped3A : memref<!tpu.dma_semaphore, #tpu.memory_space<semaphore_mem>>) src(%arg5 : memref<640x128xf32, #tpu.memory_space<hbm>>) dst(%dma_wait3A_395 : memref<640x128xf32, #tpu.memory_space<vmem_shared>>)
      tpu.yield
    }) : () -> ()
    "tpu.region"() ({
      %run_scoped3A = tpu.sem_alloc : memref<!tpu.dma_semaphore, #tpu.memory_space<semaphore_mem>>
      %dma_start3A_392 = arith.constant 0 : i32
      %dma_start3A_393 = arith.constant 0 : i32
      %dma_start3A_394 = tpu.memref_slice %arg3[%add3A, %dma_start3A_392, %dma_start3A_393] : memref<32x40x128xi32, #tpu.memory_space<hbm>> -> memref<1x40x128xi32, #tpu.memory_space<hbm>>
      %dma_start3A_395 = tpu.memref_squeeze %dma_start3A_394 : memref<1x40x128xi32, #tpu.memory_space<hbm>> -> memref<40x128xi32, #tpu.memory_space<hbm>>
      %dma_start3A_396 = arith.constant 0 : i32
      %dma_start3A_397 = arith.constant 0 : i32
      %dma_start3A_398 = tpu.memref_slice %arg3[%add3A, %dma_start3A_396, %dma_start3A_397] : memref<32x40x128xi32, #tpu.memory_space<hbm>> -> memref<1x40x128xi32, #tpu.memory_space<hbm>>
      %dma_start3A_399 = tpu.memref_squeeze %dma_start3A_398 : memref<1x40x128xi32, #tpu.memory_space<hbm>> -> memref<40x128xi32, #tpu.memory_space<hbm>>
      tpu.enqueue_dma source(%dma_start3A_399 : memref<40x128xi32, #tpu.memory_space<hbm>>) target(%arg7 : memref<40x128xi32, #tpu.memory_space<vmem>>) target_semaphore(%run_scoped3A : memref<!tpu.dma_semaphore, #tpu.memory_space<semaphore_mem>>)
      %dma_wait3A_400 = arith.constant 0 : i32
      %dma_wait3A_401 = arith.constant 0 : i32
      %dma_wait3A_402 = tpu.memref_slice %arg3[%add3A, %dma_wait3A_400, %dma_wait3A_401] : memref<32x40x128xi32, #tpu.memory_space<hbm>> -> memref<1x40x128xi32, #tpu.memory_space<hbm>>
      %dma_wait3A_403 = tpu.memref_squeeze %dma_wait3A_402 : memref<1x40x128xi32, #tpu.memory_space<hbm>> -> memref<40x128xi32, #tpu.memory_space<hbm>>
      %dma_wait3A_404 = arith.constant 0 : i32
      %dma_wait3A_405 = arith.constant 0 : i32
      %dma_wait3A_406 = tpu.memref_slice %arg3[%add3A, %dma_wait3A_404, %dma_wait3A_405] : memref<32x40x128xi32, #tpu.memory_space<hbm>> -> memref<1x40x128xi32, #tpu.memory_space<hbm>>
      %dma_wait3A_407 = tpu.memref_squeeze %dma_wait3A_406 : memref<1x40x128xi32, #tpu.memory_space<hbm>> -> memref<40x128xi32, #tpu.memory_space<hbm>>
      tpu.wait_dma2 semaphore(%run_scoped3A : memref<!tpu.dma_semaphore, #tpu.memory_space<semaphore_mem>>) src(%dma_wait3A_407 : memref<40x128xi32, #tpu.memory_space<hbm>>) dst(%arg7 : memref<40x128xi32, #tpu.memory_space<vmem>>)
      tpu.yield
    }) : () -> ()
    "tpu.region"() ({
      %run_scoped3A = tpu.sem_alloc : memref<!tpu.dma_semaphore, #tpu.memory_space<semaphore_mem>>
      %dma_start3A_392 = arith.constant 0 : i32
      %dma_start3A_393 = arith.constant 0 : i32
      %dma_start3A_394 = tpu.memref_slice %arg4[%add3A, %dma_start3A_392, %dma_start3A_393] : memref<32x40x128xi32, #tpu.memory_space<hbm>> -> memref<1x40x128xi32, #tpu.memory_space<hbm>>
      %dma_start3A_395 = tpu.memref_squeeze %dma_start3A_394 : memref<1x40x128xi32, #tpu.memory_space<hbm>> -> memref<40x128xi32, #tpu.memory_space<hbm>>
      %dma_start3A_396 = arith.constant 0 : i32
      %dma_start3A_397 = arith.constant 0 : i32
      %dma_start3A_398 = tpu.memref_slice %arg4[%add3A, %dma_start3A_396, %dma_start3A_397] : memref<32x40x128xi32, #tpu.memory_space<hbm>> -> memref<1x40x128xi32, #tpu.memory_space<hbm>>
      %dma_start3A_399 = tpu.memref_squeeze %dma_start3A_398 : memref<1x40x128xi32, #tpu.memory_space<hbm>> -> memref<40x128xi32, #tpu.memory_space<hbm>>
      tpu.enqueue_dma source(%dma_start3A_399 : memref<40x128xi32, #tpu.memory_space<hbm>>) target(%arg8 : memref<40x128xi32, #tpu.memory_space<vmem>>) target_semaphore(%run_scoped3A : memref<!tpu.dma_semaphore, #tpu.memory_space<semaphore_mem>>)
      %dma_wait3A_400 = arith.constant 0 : i32
      %dma_wait3A_401 = arith.constant 0 : i32
      %dma_wait3A_402 = tpu.memref_slice %arg4[%add3A, %dma_wait3A_400, %dma_wait3A_401] : memref<32x40x128xi32, #tpu.memory_space<hbm>> -> memref<1x40x128xi32, #tpu.memory_space<hbm>>
      %dma_wait3A_403 = tpu.memref_squeeze %dma_wait3A_402 : memref<1x40x128xi32, #tpu.memory_space<hbm>> -> memref<40x128xi32, #tpu.memory_space<hbm>>
      %dma_wait3A_404 = arith.constant 0 : i32
      %dma_wait3A_405 = arith.constant 0 : i32
      %dma_wait3A_406 = tpu.memref_slice %arg4[%add3A, %dma_wait3A_404, %dma_wait3A_405] : memref<32x40x128xi32, #tpu.memory_space<hbm>> -> memref<1x40x128xi32, #tpu.memory_space<hbm>>
      %dma_wait3A_407 = tpu.memref_squeeze %dma_wait3A_406 : memref<1x40x128xi32, #tpu.memory_space<hbm>> -> memref<40x128xi32, #tpu.memory_space<hbm>>
      tpu.wait_dma2 semaphore(%run_scoped3A : memref<!tpu.dma_semaphore, #tpu.memory_space<semaphore_mem>>) src(%dma_wait3A_407 : memref<40x128xi32, #tpu.memory_space<hbm>>) dst(%arg8 : memref<40x128xi32, #tpu.memory_space<vmem>>)
      tpu.yield
    }) : () -> ()
    %barrier3A = arith.constant 0 : index
    tpu.barrier barrier_id(%barrier3A)
    %dma_start3A = arith.constant 0 : i32
    %dma_start3A_3 = arith.constant 0 : i32
    %dma_start3A_4 = arith.constant 0 : i32
    %dma_start3A_5 = arith.constant 0 : i32
    %dma_start3A_6 = tpu.memref_slice %arg9[%dma_start3A_3, %dma_start3A_4, %dma_start3A_5] : memref<8x32x128xf32, #tpu.memory_space<vmem>> -> memref<1x32x128xf32, #tpu.memory_space<vmem>>
    %dma_start3A_7 = tpu.memref_squeeze %dma_start3A_6 : memref<1x32x128xf32, #tpu.memory_space<vmem>> -> memref<32x128xf32, #tpu.memory_space<vmem>>
    %dma_start3A_8 = arith.constant 0 : i32
    %dma_start3A_9 = tpu.memref_slice %arg7[%dma_start3A, %dma_start3A_8] : memref<40x128xi32, #tpu.memory_space<vmem>> -> memref<1x32xi32, #tpu.memory_space<vmem>>
    %dma_start3A_10 = tpu.memref_squeeze %dma_start3A_9 : memref<1x32xi32, #tpu.memory_space<vmem>> -> memref<32xi32, #tpu.memory_space<vmem>>
    %dma_start3A_11 = arith.constant 0 : i32
    %dma_start3A_12 = arith.constant 0 : i32
    %dma_start3A_13 = tpu.memref_slice %arg2[%dma_start3A_11, %dma_start3A_12] : memref<10000x128xf32, #tpu.memory_space<hbm>> -> memref<10000x128xf32, #tpu.memory_space<hbm>>
    tpu.enqueue_indirect_dma source(%dma_start3A_13 : memref<10000x128xf32, #tpu.memory_space<hbm>>) target(%dma_start3A_7 : memref<32x128xf32, #tpu.memory_space<vmem>>) offsets(%dma_start3A_10 : memref<32xi32, #tpu.memory_space<vmem>>) semaphore(%arg11 : memref<!tpu.dma_semaphore, #tpu.memory_space<semaphore_mem>>)
    %dma_start3A_14 = arith.constant 0 : i32
    %dma_start3A_15 = arith.constant 1 : i32
    %dma_start3A_16 = arith.constant 0 : i32
    %dma_start3A_17 = arith.constant 0 : i32
    %dma_start3A_18 = tpu.memref_slice %arg9[%dma_start3A_15, %dma_start3A_16, %dma_start3A_17] : memref<8x32x128xf32, #tpu.memory_space<vmem>> -> memref<1x32x128xf32, #tpu.memory_space<vmem>>
    %dma_start3A_19 = tpu.memref_squeeze %dma_start3A_18 : memref<1x32x128xf32, #tpu.memory_space<vmem>> -> memref<32x128xf32, #tpu.memory_space<vmem>>
    %dma_start3A_20 = arith.constant 32 : i32
    %dma_start3A_21 = tpu.memref_slice %arg7[%dma_start3A_14, %dma_start3A_20] : memref<40x128xi32, #tpu.memory_space<vmem>> -> memref<1x32xi32, #tpu.memory_space<vmem>>
    %dma_start3A_22 = tpu.memref_squeeze %dma_start3A_21 : memref<1x32xi32, #tpu.memory_space<vmem>> -> memref<32xi32, #tpu.memory_space<vmem>>
    %dma_start3A_23 = arith.constant 0 : i32
    %dma_start3A_24 = arith.constant 0 : i32
    %dma_start3A_25 = tpu.memref_slice %arg2[%dma_start3A_23, %dma_start3A_24] : memref<10000x128xf32, #tpu.memory_space<hbm>> -> memref<10000x128xf32, #tpu.memory_space<hbm>>
    tpu.enqueue_indirect_dma source(%dma_start3A_25 : memref<10000x128xf32, #tpu.memory_space<hbm>>) target(%dma_start3A_19 : memref<32x128xf32, #tpu.memory_space<vmem>>) offsets(%dma_start3A_22 : memref<32xi32, #tpu.memory_space<vmem>>) semaphore(%arg11 : memref<!tpu.dma_semaphore, #tpu.memory_space<semaphore_mem>>)
    %dma_start3A_26 = arith.constant 0 : i32
    %dma_start3A_27 = arith.constant 2 : i32
    %dma_start3A_28 = arith.constant 0 : i32
    %dma_start3A_29 = arith.constant 0 : i32
    %dma_start3A_30 = tpu.memref_slice %arg9[%dma_start3A_27, %dma_start3A_28, %dma_start3A_29] : memref<8x32x128xf32, #tpu.memory_space<vmem>> -> memref<1x32x128xf32, #tpu.memory_space<vmem>>
    %dma_start3A_31 = tpu.memref_squeeze %dma_start3A_30 : memref<1x32x128xf32, #tpu.memory_space<vmem>> -> memref<32x128xf32, #tpu.memory_space<vmem>>
    %dma_start3A_32 = arith.constant 64 : i32
    %dma_start3A_33 = tpu.memref_slice %arg7[%dma_start3A_26, %dma_start3A_32] : memref<40x128xi32, #tpu.memory_space<vmem>> -> memref<1x32xi32, #tpu.memory_space<vmem>>
    %dma_start3A_34 = tpu.memref_squeeze %dma_start3A_33 : memref<1x32xi32, #tpu.memory_space<vmem>> -> memref<32xi32, #tpu.memory_space<vmem>>
    %dma_start3A_35 = arith.constant 0 : i32
    %dma_start3A_36 = arith.constant 0 : i32
    %dma_start3A_37 = tpu.memref_slice %arg2[%dma_start3A_35, %dma_start3A_36] : memref<10000x128xf32, #tpu.memory_space<hbm>> -> memref<10000x128xf32, #tpu.memory_space<hbm>>
    tpu.enqueue_indirect_dma source(%dma_start3A_37 : memref<10000x128xf32, #tpu.memory_space<hbm>>) target(%dma_start3A_31 : memref<32x128xf32, #tpu.memory_space<vmem>>) offsets(%dma_start3A_34 : memref<32xi32, #tpu.memory_space<vmem>>) semaphore(%arg11 : memref<!tpu.dma_semaphore, #tpu.memory_space<semaphore_mem>>)
    %dma_start3A_38 = arith.constant 0 : i32
    %dma_start3A_39 = arith.constant 3 : i32
    %dma_start3A_40 = arith.constant 0 : i32
    %dma_start3A_41 = arith.constant 0 : i32
    %dma_start3A_42 = tpu.memref_slice %arg9[%dma_start3A_39, %dma_start3A_40, %dma_start3A_41] : memref<8x32x128xf32, #tpu.memory_space<vmem>> -> memref<1x32x128xf32, #tpu.memory_space<vmem>>
    %dma_start3A_43 = tpu.memref_squeeze %dma_start3A_42 : memref<1x32x128xf32, #tpu.memory_space<vmem>> -> memref<32x128xf32, #tpu.memory_space<vmem>>
    %dma_start3A_44 = arith.constant 96 : i32
    %dma_start3A_45 = tpu.memref_slice %arg7[%dma_start3A_38, %dma_start3A_44] : memref<40x128xi32, #tpu.memory_space<vmem>> -> memref<1x32xi32, #tpu.memory_space<vmem>>
    %dma_start3A_46 = tpu.memref_squeeze %dma_start3A_45 : memref<1x32xi32, #tpu.memory_space<vmem>> -> memref<32xi32, #tpu.memory_space<vmem>>
    %dma_start3A_47 = arith.constant 0 : i32
    %dma_start3A_48 = arith.constant 0 : i32
    %dma_start3A_49 = tpu.memref_slice %arg2[%dma_start3A_47, %dma_start3A_48] : memref<10000x128xf32, #tpu.memory_space<hbm>> -> memref<10000x128xf32, #tpu.memory_space<hbm>>
    tpu.enqueue_indirect_dma source(%dma_start3A_49 : memref<10000x128xf32, #tpu.memory_space<hbm>>) target(%dma_start3A_43 : memref<32x128xf32, #tpu.memory_space<vmem>>) offsets(%dma_start3A_46 : memref<32xi32, #tpu.memory_space<vmem>>) semaphore(%arg11 : memref<!tpu.dma_semaphore, #tpu.memory_space<semaphore_mem>>)
    %dma_start3A_50 = arith.constant 1 : i32
    %dma_start3A_51 = arith.constant 4 : i32
    %dma_start3A_52 = arith.constant 0 : i32
    %dma_start3A_53 = arith.constant 0 : i32
    %dma_start3A_54 = tpu.memref_slice %arg9[%dma_start3A_51, %dma_start3A_52, %dma_start3A_53] : memref<8x32x128xf32, #tpu.memory_space<vmem>> -> memref<1x32x128xf32, #tpu.memory_space<vmem>>
    %dma_start3A_55 = tpu.memref_squeeze %dma_start3A_54 : memref<1x32x128xf32, #tpu.memory_space<vmem>> -> memref<32x128xf32, #tpu.memory_space<vmem>>
    %dma_start3A_56 = arith.constant 0 : i32
    %dma_start3A_57 = tpu.memref_slice %arg7[%dma_start3A_50, %dma_start3A_56] : memref<40x128xi32, #tpu.memory_space<vmem>> -> memref<1x32xi32, #tpu.memory_space<vmem>>
    %dma_start3A_58 = tpu.memref_squeeze %dma_start3A_57 : memref<1x32xi32, #tpu.memory_space<vmem>> -> memref<32xi32, #tpu.memory_space<vmem>>
    %dma_start3A_59 = arith.constant 0 : i32
    %dma_start3A_60 = arith.constant 0 : i32
    %dma_start3A_61 = tpu.memref_slice %arg2[%dma_start3A_59, %dma_start3A_60] : memref<10000x128xf32, #tpu.memory_space<hbm>> -> memref<10000x128xf32, #tpu.memory_space<hbm>>
    tpu.enqueue_indirect_dma source(%dma_start3A_61 : memref<10000x128xf32, #tpu.memory_space<hbm>>) target(%dma_start3A_55 : memref<32x128xf32, #tpu.memory_space<vmem>>) offsets(%dma_start3A_58 : memref<32xi32, #tpu.memory_space<vmem>>) semaphore(%arg11 : memref<!tpu.dma_semaphore, #tpu.memory_space<semaphore_mem>>)
    %dma_start3A_62 = arith.constant 1 : i32
    %dma_start3A_63 = arith.constant 5 : i32
    %dma_start3A_64 = arith.constant 0 : i32
    %dma_start3A_65 = arith.constant 0 : i32
    %dma_start3A_66 = tpu.memref_slice %arg9[%dma_start3A_63, %dma_start3A_64, %dma_start3A_65] : memref<8x32x128xf32, #tpu.memory_space<vmem>> -> memref<1x32x128xf32, #tpu.memory_space<vmem>>
    %dma_start3A_67 = tpu.memref_squeeze %dma_start3A_66 : memref<1x32x128xf32, #tpu.memory_space<vmem>> -> memref<32x128xf32, #tpu.memory_space<vmem>>
    %dma_start3A_68 = arith.constant 32 : i32
    %dma_start3A_69 = tpu.memref_slice %arg7[%dma_start3A_62, %dma_start3A_68] : memref<40x128xi32, #tpu.memory_space<vmem>> -> memref<1x32xi32, #tpu.memory_space<vmem>>
    %dma_start3A_70 = tpu.memref_squeeze %dma_start3A_69 : memref<1x32xi32, #tpu.memory_space<vmem>> -> memref<32xi32, #tpu.memory_space<vmem>>
    %dma_start3A_71 = arith.constant 0 : i32
    %dma_start3A_72 = arith.constant 0 : i32
    %dma_start3A_73 = tpu.memref_slice %arg2[%dma_start3A_71, %dma_start3A_72] : memref<10000x128xf32, #tpu.memory_space<hbm>> -> memref<10000x128xf32, #tpu.memory_space<hbm>>
    tpu.enqueue_indirect_dma source(%dma_start3A_73 : memref<10000x128xf32, #tpu.memory_space<hbm>>) target(%dma_start3A_67 : memref<32x128xf32, #tpu.memory_space<vmem>>) offsets(%dma_start3A_70 : memref<32xi32, #tpu.memory_space<vmem>>) semaphore(%arg11 : memref<!tpu.dma_semaphore, #tpu.memory_space<semaphore_mem>>)
    %dma_start3A_74 = arith.constant 1 : i32
    %dma_start3A_75 = arith.constant 6 : i32
    %dma_start3A_76 = arith.constant 0 : i32
    %dma_start3A_77 = arith.constant 0 : i32
    %dma_start3A_78 = tpu.memref_slice %arg9[%dma_start3A_75, %dma_start3A_76, %dma_start3A_77] : memref<8x32x128xf32, #tpu.memory_space<vmem>> -> memref<1x32x128xf32, #tpu.memory_space<vmem>>
    %dma_start3A_79 = tpu.memref_squeeze %dma_start3A_78 : memref<1x32x128xf32, #tpu.memory_space<vmem>> -> memref<32x128xf32, #tpu.memory_space<vmem>>
    %dma_start3A_80 = arith.constant 64 : i32
    %dma_start3A_81 = tpu.memref_slice %arg7[%dma_start3A_74, %dma_start3A_80] : memref<40x128xi32, #tpu.memory_space<vmem>> -> memref<1x32xi32, #tpu.memory_space<vmem>>
    %dma_start3A_82 = tpu.memref_squeeze %dma_start3A_81 : memref<1x32xi32, #tpu.memory_space<vmem>> -> memref<32xi32, #tpu.memory_space<vmem>>
    %dma_start3A_83 = arith.constant 0 : i32
    %dma_start3A_84 = arith.constant 0 : i32
    %dma_start3A_85 = tpu.memref_slice %arg2[%dma_start3A_83, %dma_start3A_84] : memref<10000x128xf32, #tpu.memory_space<hbm>> -> memref<10000x128xf32, #tpu.memory_space<hbm>>
    tpu.enqueue_indirect_dma source(%dma_start3A_85 : memref<10000x128xf32, #tpu.memory_space<hbm>>) target(%dma_start3A_79 : memref<32x128xf32, #tpu.memory_space<vmem>>) offsets(%dma_start3A_82 : memref<32xi32, #tpu.memory_space<vmem>>) semaphore(%arg11 : memref<!tpu.dma_semaphore, #tpu.memory_space<semaphore_mem>>)
    %dma_wait3A = arith.constant 0 : i32
    %dma_wait3A_86 = arith.constant 0 : i32
    %dma_wait3A_87 = arith.constant 0 : i32
    %dma_wait3A_88 = arith.constant 0 : i32
    %dma_wait3A_89 = tpu.memref_slice %arg9[%dma_wait3A_86, %dma_wait3A_87, %dma_wait3A_88] : memref<8x32x128xf32, #tpu.memory_space<vmem>> -> memref<1x32x128xf32, #tpu.memory_space<vmem>>
    %dma_wait3A_90 = tpu.memref_squeeze %dma_wait3A_89 : memref<1x32x128xf32, #tpu.memory_space<vmem>> -> memref<32x128xf32, #tpu.memory_space<vmem>>
    %dma_wait3A_91 = arith.constant 0 : i32
    %dma_wait3A_92 = tpu.memref_slice %arg7[%dma_wait3A, %dma_wait3A_91] : memref<40x128xi32, #tpu.memory_space<vmem>> -> memref<1x32xi32, #tpu.memory_space<vmem>>
    %dma_wait3A_93 = tpu.memref_squeeze %dma_wait3A_92 : memref<1x32xi32, #tpu.memory_space<vmem>> -> memref<32xi32, #tpu.memory_space<vmem>>
    %dma_wait3A_94 = arith.constant 0 : i32
    %dma_wait3A_95 = arith.constant 0 : i32
    %dma_wait3A_96 = tpu.memref_slice %arg2[%dma_wait3A_94, %dma_wait3A_95] : memref<10000x128xf32, #tpu.memory_space<hbm>> -> memref<10000x128xf32, #tpu.memory_space<hbm>>
    tpu.wait_indirect_dma semaphore(%arg11 : memref<!tpu.dma_semaphore, #tpu.memory_space<semaphore_mem>>) src(%dma_wait3A_96 : memref<10000x128xf32, #tpu.memory_space<hbm>>) dst(%dma_wait3A_90 : memref<32x128xf32, #tpu.memory_space<vmem>>)
    %dma_start3A_97 = arith.constant 0 : i32
    %dma_start3A_98 = arith.constant 0 : i32
    %dma_start3A_99 = arith.constant 0 : i32
    %dma_start3A_100 = arith.constant 0 : i32
    %dma_start3A_101 = tpu.memref_slice %arg9[%dma_start3A_97, %dma_start3A_99, %dma_start3A_100] : memref<8x32x128xf32, #tpu.memory_space<vmem>> -> memref<1x32x128xf32, #tpu.memory_space<vmem>>
    %dma_start3A_102 = tpu.memref_squeeze %dma_start3A_101 : memref<1x32x128xf32, #tpu.memory_space<vmem>> -> memref<32x128xf32, #tpu.memory_space<vmem>>
    %dma_start3A_103 = arith.constant 0 : i32
    %dma_start3A_104 = tpu.memref_slice %arg8[%dma_start3A_98, %dma_start3A_103] : memref<40x128xi32, #tpu.memory_space<vmem>> -> memref<1x32xi32, #tpu.memory_space<vmem>>
    %dma_start3A_105 = tpu.memref_squeeze %dma_start3A_104 : memref<1x32xi32, #tpu.memory_space<vmem>> -> memref<32xi32, #tpu.memory_space<vmem>>
    %dma_start3A_106 = arith.constant 0 : i32
    %dma_start3A_107 = arith.constant 0 : i32
    %dma_start3A_108 = tpu.memref_slice %arg10[%dma_start3A_106, %dma_start3A_107] : memref<10240x128xf32, #tpu.memory_space<vmem_shared>> -> memref<10240x128xf32, #tpu.memory_space<vmem_shared>>
    tpu.enqueue_indirect_dma source(%dma_start3A_102 : memref<32x128xf32, #tpu.memory_space<vmem>>) target(%dma_start3A_108 : memref<10240x128xf32, #tpu.memory_space<vmem_shared>>) offsets(%dma_start3A_105 : memref<32xi32, #tpu.memory_space<vmem>>) semaphore(%arg12 : memref<!tpu.dma_semaphore, #tpu.memory_space<semaphore_mem>>) {add = true}
    %dma_start3A_109 = arith.constant 1 : i32
    %dma_start3A_110 = arith.constant 7 : i32
    %dma_start3A_111 = arith.constant 0 : i32
    %dma_start3A_112 = arith.constant 0 : i32
    %dma_start3A_113 = tpu.memref_slice %arg9[%dma_start3A_110, %dma_start3A_111, %dma_start3A_112] : memref<8x32x128xf32, #tpu.memory_space<vmem>> -> memref<1x32x128xf32, #tpu.memory_space<vmem>>
    %dma_start3A_114 = tpu.memref_squeeze %dma_start3A_113 : memref<1x32x128xf32, #tpu.memory_space<vmem>> -> memref<32x128xf32, #tpu.memory_space<vmem>>
    %dma_start3A_115 = arith.constant 96 : i32
    %dma_start3A_116 = tpu.memref_slice %arg7[%dma_start3A_109, %dma_start3A_115] : memref<40x128xi32, #tpu.memory_space<vmem>> -> memref<1x32xi32, #tpu.memory_space<vmem>>
    %dma_start3A_117 = tpu.memref_squeeze %dma_start3A_116 : memref<1x32xi32, #tpu.memory_space<vmem>> -> memref<32xi32, #tpu.memory_space<vmem>>
    %dma_start3A_118 = arith.constant 0 : i32
    %dma_start3A_119 = arith.constant 0 : i32
    %dma_start3A_120 = tpu.memref_slice %arg2[%dma_start3A_118, %dma_start3A_119] : memref<10000x128xf32, #tpu.memory_space<hbm>> -> memref<10000x128xf32, #tpu.memory_space<hbm>>
    tpu.enqueue_indirect_dma source(%dma_start3A_120 : memref<10000x128xf32, #tpu.memory_space<hbm>>) target(%dma_start3A_114 : memref<32x128xf32, #tpu.memory_space<vmem>>) offsets(%dma_start3A_117 : memref<32xi32, #tpu.memory_space<vmem>>) semaphore(%arg11 : memref<!tpu.dma_semaphore, #tpu.memory_space<semaphore_mem>>)
    %scan3A = arith.constant 0 : i32
    %scan3A_121 = arith.constant 1 : i32
    %scan3A_122 = arith.constant 152 : i32
    %scan3A_123 = arith.addi %scan3A_121, %scan3A_122 : i32
    %scan3A_124 = arith.constant 1 : i32
    %scan3A_125 = scf.for %scan3A_392 = %scan3A_121 to %scan3A_123 step %scan3A_124 iter_args(%scan3A_393 = %scan3A) -> (i32)  : i32 {
      %rem3A = arith.constant 8 : i32
      %rem3A_394 = arith.remsi %scan3A_392, %rem3A : i32
      %jit3A = arith.constant 4 : i32
      %div3A = arith.divsi %scan3A_392, %jit3A : i32
      %sign3A = arith.constant 0 : i32
      %sign3A_395 = arith.cmpi sgt, %scan3A_392, %sign3A : i32
      %sign3A_396 = arith.extui %sign3A_395 : i1 to i32
      %sign3A_397 = arith.constant 0 : i32
      %sign3A_398 = arith.cmpi slt, %scan3A_392, %sign3A_397 : i32
      %sign3A_399 = arith.extui %sign3A_398 : i1 to i32
      %sign3A_400 = arith.subi %sign3A_396, %sign3A_399 : i32
      %sign3A_401 = arith.constant 0 : i32
      %sign3A_402 = arith.cmpi sgt, %jit3A, %sign3A_401 : i32
      %sign3A_403 = arith.extui %sign3A_402 : i1 to i32
      %sign3A_404 = arith.constant 0 : i32
      %sign3A_405 = arith.cmpi slt, %jit3A, %sign3A_404 : i32
      %sign3A_406 = arith.extui %sign3A_405 : i1 to i32
      %sign3A_407 = arith.subi %sign3A_403, %sign3A_406 : i32
      %ne3A = arith.cmpi ne, %sign3A_400, %sign3A_407 : i32
      %rem3A_408 = arith.remsi %scan3A_392, %jit3A : i32
      %ne3A_409 = arith.constant 0 : i32
      %ne3A_410 = arith.cmpi ne, %rem3A_408, %ne3A_409 : i32
      %and3A = arith.andi %ne3A, %ne3A_410 : i1
      %sub3A = arith.constant 1 : i32
      %sub3A_411 = arith.subi %div3A, %sub3A : i32
      %select_n3A = arith.select %and3A, %sub3A_411, %div3A : i32
      %jit3A_412 = arith.constant 4 : i32
      %eq3A = arith.constant 0 : i32
      %eq3A_413 = arith.cmpi eq, %jit3A_412, %eq3A : i32
      %jit3A_414 = arith.constant 1 : i32
      %select_n3A_415 = arith.select %eq3A_413, %jit3A_414, %jit3A_412 : i32
      %rem3A_416 = arith.remsi %scan3A_392, %select_n3A_415 : i32
      %ne3A_417 = arith.constant 0 : i32
      %ne3A_418 = arith.cmpi ne, %rem3A_416, %ne3A_417 : i32
      %lt3A = arith.constant 0 : i32
      %lt3A_419 = arith.cmpi slt, %rem3A_416, %lt3A : i32
      %lt3A_420 = arith.constant 0 : i32
      %lt3A_421 = arith.cmpi slt, %select_n3A_415, %lt3A_420 : i32
      %ne3A_422 = arith.xori %lt3A_419, %lt3A_421 : i1
      %and3A_423 = arith.andi %ne3A_422, %ne3A_418 : i1
      %add3A_424 = arith.addi %rem3A_416, %select_n3A_415 : i32
      %select_n3A_425 = arith.select %and3A_423, %add3A_424, %rem3A_416 : i32
      %mul3A_426 = arith.constant 32 : i32
      %mul3A_427 = arith.muli %select_n3A_425, %mul3A_426 : i32
      %dma_wait3A_428 = arith.constant 0 : i32
      %dma_wait3A_429 = arith.constant 0 : i32
      %dma_wait3A_430 = tpu.memref_slice %arg9[%rem3A_394, %dma_wait3A_428, %dma_wait3A_429] : memref<8x32x128xf32, #tpu.memory_space<vmem>> -> memref<1x32x128xf32, #tpu.memory_space<vmem>>
      %dma_wait3A_431 = tpu.memref_squeeze %dma_wait3A_430 : memref<1x32x128xf32, #tpu.memory_space<vmem>> -> memref<32x128xf32, #tpu.memory_space<vmem>>
      %dma_wait3A_432 = tpu.memref_slice %arg7[%select_n3A, %mul3A_427] : memref<40x128xi32, #tpu.memory_space<vmem>> -> memref<1x32xi32, #tpu.memory_space<vmem>>
      %dma_wait3A_433 = tpu.memref_squeeze %dma_wait3A_432 : memref<1x32xi32, #tpu.memory_space<vmem>> -> memref<32xi32, #tpu.memory_space<vmem>>
      %dma_wait3A_434 = arith.constant 0 : i32
      %dma_wait3A_435 = arith.constant 0 : i32
      %dma_wait3A_436 = tpu.memref_slice %arg2[%dma_wait3A_434, %dma_wait3A_435] : memref<10000x128xf32, #tpu.memory_space<hbm>> -> memref<10000x128xf32, #tpu.memory_space<hbm>>
      tpu.wait_indirect_dma semaphore(%arg11 : memref<!tpu.dma_semaphore, #tpu.memory_space<semaphore_mem>>) src(%dma_wait3A_436 : memref<10000x128xf32, #tpu.memory_space<hbm>>) dst(%dma_wait3A_431 : memref<32x128xf32, #tpu.memory_space<vmem>>)
      %jit3A_437 = arith.constant 4 : i32
      %div3A_438 = arith.divsi %scan3A_392, %jit3A_437 : i32
      %sign3A_439 = arith.constant 0 : i32
      %sign3A_440 = arith.cmpi sgt, %scan3A_392, %sign3A_439 : i32
      %sign3A_441 = arith.extui %sign3A_440 : i1 to i32
      %sign3A_442 = arith.constant 0 : i32
      %sign3A_443 = arith.cmpi slt, %scan3A_392, %sign3A_442 : i32
      %sign3A_444 = arith.extui %sign3A_443 : i1 to i32
      %sign3A_445 = arith.subi %sign3A_441, %sign3A_444 : i32
      %sign3A_446 = arith.constant 0 : i32
      %sign3A_447 = arith.cmpi sgt, %jit3A_437, %sign3A_446 : i32
      %sign3A_448 = arith.extui %sign3A_447 : i1 to i32
      %sign3A_449 = arith.constant 0 : i32
      %sign3A_450 = arith.cmpi slt, %jit3A_437, %sign3A_449 : i32
      %sign3A_451 = arith.extui %sign3A_450 : i1 to i32
      %sign3A_452 = arith.subi %sign3A_448, %sign3A_451 : i32
      %ne3A_453 = arith.cmpi ne, %sign3A_445, %sign3A_452 : i32
      %rem3A_454 = arith.remsi %scan3A_392, %jit3A_437 : i32
      %ne3A_455 = arith.constant 0 : i32
      %ne3A_456 = arith.cmpi ne, %rem3A_454, %ne3A_455 : i32
      %and3A_457 = arith.andi %ne3A_453, %ne3A_456 : i1
      %sub3A_458 = arith.constant 1 : i32
      %sub3A_459 = arith.subi %div3A_438, %sub3A_458 : i32
      %select_n3A_460 = arith.select %and3A_457, %sub3A_459, %div3A_438 : i32
      %jit3A_461 = arith.constant 4 : i32
      %eq3A_462 = arith.constant 0 : i32
      %eq3A_463 = arith.cmpi eq, %jit3A_461, %eq3A_462 : i32
      %jit3A_464 = arith.constant 1 : i32
      %select_n3A_465 = arith.select %eq3A_463, %jit3A_464, %jit3A_461 : i32
      %rem3A_466 = arith.remsi %scan3A_392, %select_n3A_465 : i32
      %ne3A_467 = arith.constant 0 : i32
      %ne3A_468 = arith.cmpi ne, %rem3A_466, %ne3A_467 : i32
      %lt3A_469 = arith.constant 0 : i32
      %lt3A_470 = arith.cmpi slt, %rem3A_466, %lt3A_469 : i32
      %lt3A_471 = arith.constant 0 : i32
      %lt3A_472 = arith.cmpi slt, %select_n3A_465, %lt3A_471 : i32
      %ne3A_473 = arith.xori %lt3A_470, %lt3A_472 : i1
      %and3A_474 = arith.andi %ne3A_473, %ne3A_468 : i1
      %add3A_475 = arith.addi %rem3A_466, %select_n3A_465 : i32
      %select_n3A_476 = arith.select %and3A_474, %add3A_475, %rem3A_466 : i32
      %mul3A_477 = arith.constant 32 : i32
      %mul3A_478 = arith.muli %select_n3A_476, %mul3A_477 : i32
      %dma_start3A_479 = arith.constant 0 : i32
      %dma_start3A_480 = arith.constant 0 : i32
      %dma_start3A_481 = tpu.memref_slice %arg9[%rem3A_394, %dma_start3A_479, %dma_start3A_480] : memref<8x32x128xf32, #tpu.memory_space<vmem>> -> memref<1x32x128xf32, #tpu.memory_space<vmem>>
      %dma_start3A_482 = tpu.memref_squeeze %dma_start3A_481 : memref<1x32x128xf32, #tpu.memory_space<vmem>> -> memref<32x128xf32, #tpu.memory_space<vmem>>
      %dma_start3A_483 = tpu.memref_slice %arg8[%select_n3A_460, %mul3A_478] : memref<40x128xi32, #tpu.memory_space<vmem>> -> memref<1x32xi32, #tpu.memory_space<vmem>>
      %dma_start3A_484 = tpu.memref_squeeze %dma_start3A_483 : memref<1x32xi32, #tpu.memory_space<vmem>> -> memref<32xi32, #tpu.memory_space<vmem>>
      %dma_start3A_485 = arith.constant 0 : i32
      %dma_start3A_486 = arith.constant 0 : i32
      %dma_start3A_487 = tpu.memref_slice %arg10[%dma_start3A_485, %dma_start3A_486] : memref<10240x128xf32, #tpu.memory_space<vmem_shared>> -> memref<10240x128xf32, #tpu.memory_space<vmem_shared>>
      tpu.enqueue_indirect_dma source(%dma_start3A_482 : memref<32x128xf32, #tpu.memory_space<vmem>>) target(%dma_start3A_487 : memref<10240x128xf32, #tpu.memory_space<vmem_shared>>) offsets(%dma_start3A_484 : memref<32xi32, #tpu.memory_space<vmem>>) semaphore(%arg12 : memref<!tpu.dma_semaphore, #tpu.memory_space<semaphore_mem>>) {add = true}
      %sub3A_488 = arith.constant 1 : i32
      %sub3A_489 = arith.subi %scan3A_392, %sub3A_488 : i32
      %sub3A_490 = arith.constant 1 : i32
      %sub3A_491 = arith.subi %scan3A_392, %sub3A_490 : i32
      %rem3A_492 = arith.constant 8 : i32
      %rem3A_493 = arith.remsi %sub3A_491, %rem3A_492 : i32
      %jit3A_494 = arith.constant 4 : i32
      %div3A_495 = arith.divsi %sub3A_489, %jit3A_494 : i32
      %sign3A_496 = arith.constant 0 : i32
      %sign3A_497 = arith.cmpi sgt, %sub3A_489, %sign3A_496 : i32
      %sign3A_498 = arith.extui %sign3A_497 : i1 to i32
      %sign3A_499 = arith.constant 0 : i32
      %sign3A_500 = arith.cmpi slt, %sub3A_489, %sign3A_499 : i32
      %sign3A_501 = arith.extui %sign3A_500 : i1 to i32
      %sign3A_502 = arith.subi %sign3A_498, %sign3A_501 : i32
      %sign3A_503 = arith.constant 0 : i32
      %sign3A_504 = arith.cmpi sgt, %jit3A_494, %sign3A_503 : i32
      %sign3A_505 = arith.extui %sign3A_504 : i1 to i32
      %sign3A_506 = arith.constant 0 : i32
      %sign3A_507 = arith.cmpi slt, %jit3A_494, %sign3A_506 : i32
      %sign3A_508 = arith.extui %sign3A_507 : i1 to i32
      %sign3A_509 = arith.subi %sign3A_505, %sign3A_508 : i32
      %ne3A_510 = arith.cmpi ne, %sign3A_502, %sign3A_509 : i32
      %rem3A_511 = arith.remsi %sub3A_489, %jit3A_494 : i32
      %ne3A_512 = arith.constant 0 : i32
      %ne3A_513 = arith.cmpi ne, %rem3A_511, %ne3A_512 : i32
      %and3A_514 = arith.andi %ne3A_510, %ne3A_513 : i1
      %sub3A_515 = arith.constant 1 : i32
      %sub3A_516 = arith.subi %div3A_495, %sub3A_515 : i32
      %select_n3A_517 = arith.select %and3A_514, %sub3A_516, %div3A_495 : i32
      %jit3A_518 = arith.constant 4 : i32
      %eq3A_519 = arith.constant 0 : i32
      %eq3A_520 = arith.cmpi eq, %jit3A_518, %eq3A_519 : i32
      %jit3A_521 = arith.constant 1 : i32
      %select_n3A_522 = arith.select %eq3A_520, %jit3A_521, %jit3A_518 : i32
      %rem3A_523 = arith.remsi %sub3A_489, %select_n3A_522 : i32
      %ne3A_524 = arith.constant 0 : i32
      %ne3A_525 = arith.cmpi ne, %rem3A_523, %ne3A_524 : i32
      %lt3A_526 = arith.constant 0 : i32
      %lt3A_527 = arith.cmpi slt, %rem3A_523, %lt3A_526 : i32
      %lt3A_528 = arith.constant 0 : i32
      %lt3A_529 = arith.cmpi slt, %select_n3A_522, %lt3A_528 : i32
      %ne3A_530 = arith.xori %lt3A_527, %lt3A_529 : i1
      %and3A_531 = arith.andi %ne3A_530, %ne3A_525 : i1
      %add3A_532 = arith.addi %rem3A_523, %select_n3A_522 : i32
      %select_n3A_533 = arith.select %and3A_531, %add3A_532, %rem3A_523 : i32
      %mul3A_534 = arith.constant 32 : i32
      %mul3A_535 = arith.muli %select_n3A_533, %mul3A_534 : i32
      %dma_wait3A_536 = arith.constant 0 : i32
      %dma_wait3A_537 = arith.constant 0 : i32
      %dma_wait3A_538 = tpu.memref_slice %arg9[%rem3A_493, %dma_wait3A_536, %dma_wait3A_537] : memref<8x32x128xf32, #tpu.memory_space<vmem>> -> memref<1x32x128xf32, #tpu.memory_space<vmem>>
      %dma_wait3A_539 = tpu.memref_squeeze %dma_wait3A_538 : memref<1x32x128xf32, #tpu.memory_space<vmem>> -> memref<32x128xf32, #tpu.memory_space<vmem>>
      %dma_wait3A_540 = tpu.memref_slice %arg8[%select_n3A_517, %mul3A_535] : memref<40x128xi32, #tpu.memory_space<vmem>> -> memref<1x32xi32, #tpu.memory_space<vmem>>
      %dma_wait3A_541 = tpu.memref_squeeze %dma_wait3A_540 : memref<1x32xi32, #tpu.memory_space<vmem>> -> memref<32xi32, #tpu.memory_space<vmem>>
      %dma_wait3A_542 = arith.constant 0 : i32
      %dma_wait3A_543 = arith.constant 0 : i32
      %dma_wait3A_544 = tpu.memref_slice %arg10[%dma_wait3A_542, %dma_wait3A_543] : memref<10240x128xf32, #tpu.memory_space<vmem_shared>> -> memref<10240x128xf32, #tpu.memory_space<vmem_shared>>
      tpu.wait_indirect_dma semaphore(%arg12 : memref<!tpu.dma_semaphore, #tpu.memory_space<semaphore_mem>>) src(%dma_wait3A_539 : memref<32x128xf32, #tpu.memory_space<vmem>>) dst(%dma_wait3A_544 : memref<10240x128xf32, #tpu.memory_space<vmem_shared>>)
      %add3A_545 = arith.constant 8 : i32
      %add3A_546 = arith.addi %scan3A_392, %add3A_545 : i32
      %sub3A_547 = arith.constant 1 : i32
      %sub3A_548 = arith.subi %add3A_546, %sub3A_547 : i32
      %add3A_549 = arith.constant 8 : i32
      %add3A_550 = arith.addi %scan3A_392, %add3A_549 : i32
      %sub3A_551 = arith.constant 1 : i32
      %sub3A_552 = arith.subi %add3A_550, %sub3A_551 : i32
      %rem3A_553 = arith.constant 8 : i32
      %rem3A_554 = arith.remsi %sub3A_552, %rem3A_553 : i32
      %jit3A_555 = arith.constant 4 : i32
      %div3A_556 = arith.divsi %sub3A_548, %jit3A_555 : i32
      %sign3A_557 = arith.constant 0 : i32
      %sign3A_558 = arith.cmpi sgt, %sub3A_548, %sign3A_557 : i32
      %sign3A_559 = arith.extui %sign3A_558 : i1 to i32
      %sign3A_560 = arith.constant 0 : i32
      %sign3A_561 = arith.cmpi slt, %sub3A_548, %sign3A_560 : i32
      %sign3A_562 = arith.extui %sign3A_561 : i1 to i32
      %sign3A_563 = arith.subi %sign3A_559, %sign3A_562 : i32
      %sign3A_564 = arith.constant 0 : i32
      %sign3A_565 = arith.cmpi sgt, %jit3A_555, %sign3A_564 : i32
      %sign3A_566 = arith.extui %sign3A_565 : i1 to i32
      %sign3A_567 = arith.constant 0 : i32
      %sign3A_568 = arith.cmpi slt, %jit3A_555, %sign3A_567 : i32
      %sign3A_569 = arith.extui %sign3A_568 : i1 to i32
      %sign3A_570 = arith.subi %sign3A_566, %sign3A_569 : i32
      %ne3A_571 = arith.cmpi ne, %sign3A_563, %sign3A_570 : i32
      %rem3A_572 = arith.remsi %sub3A_548, %jit3A_555 : i32
      %ne3A_573 = arith.constant 0 : i32
      %ne3A_574 = arith.cmpi ne, %rem3A_572, %ne3A_573 : i32
      %and3A_575 = arith.andi %ne3A_571, %ne3A_574 : i1
      %sub3A_576 = arith.constant 1 : i32
      %sub3A_577 = arith.subi %div3A_556, %sub3A_576 : i32
      %select_n3A_578 = arith.select %and3A_575, %sub3A_577, %div3A_556 : i32
      %jit3A_579 = arith.constant 4 : i32
      %eq3A_580 = arith.constant 0 : i32
      %eq3A_581 = arith.cmpi eq, %jit3A_579, %eq3A_580 : i32
      %jit3A_582 = arith.constant 1 : i32
      %select_n3A_583 = arith.select %eq3A_581, %jit3A_582, %jit3A_579 : i32
      %rem3A_584 = arith.remsi %sub3A_548, %select_n3A_583 : i32
      %ne3A_585 = arith.constant 0 : i32
      %ne3A_586 = arith.cmpi ne, %rem3A_584, %ne3A_585 : i32
      %lt3A_587 = arith.constant 0 : i32
      %lt3A_588 = arith.cmpi slt, %rem3A_584, %lt3A_587 : i32
      %lt3A_589 = arith.constant 0 : i32
      %lt3A_590 = arith.cmpi slt, %select_n3A_583, %lt3A_589 : i32
      %ne3A_591 = arith.xori %lt3A_588, %lt3A_590 : i1
      %and3A_592 = arith.andi %ne3A_591, %ne3A_586 : i1
      %add3A_593 = arith.addi %rem3A_584, %select_n3A_583 : i32
      %select_n3A_594 = arith.select %and3A_592, %add3A_593, %rem3A_584 : i32
      %mul3A_595 = arith.constant 32 : i32
      %mul3A_596 = arith.muli %select_n3A_594, %mul3A_595 : i32
      %dma_start3A_597 = arith.constant 0 : i32
      %dma_start3A_598 = arith.constant 0 : i32
      %dma_start3A_599 = tpu.memref_slice %arg9[%rem3A_554, %dma_start3A_597, %dma_start3A_598] : memref<8x32x128xf32, #tpu.memory_space<vmem>> -> memref<1x32x128xf32, #tpu.memory_space<vmem>>
      %dma_start3A_600 = tpu.memref_squeeze %dma_start3A_599 : memref<1x32x128xf32, #tpu.memory_space<vmem>> -> memref<32x128xf32, #tpu.memory_space<vmem>>
      %dma_start3A_601 = tpu.memref_slice %arg7[%select_n3A_578, %mul3A_596] : memref<40x128xi32, #tpu.memory_space<vmem>> -> memref<1x32xi32, #tpu.memory_space<vmem>>
      %dma_start3A_602 = tpu.memref_squeeze %dma_start3A_601 : memref<1x32xi32, #tpu.memory_space<vmem>> -> memref<32xi32, #tpu.memory_space<vmem>>
      %dma_start3A_603 = arith.constant 0 : i32
      %dma_start3A_604 = arith.constant 0 : i32
      %dma_start3A_605 = tpu.memref_slice %arg2[%dma_start3A_603, %dma_start3A_604] : memref<10000x128xf32, #tpu.memory_space<hbm>> -> memref<10000x128xf32, #tpu.memory_space<hbm>>
      tpu.enqueue_indirect_dma source(%dma_start3A_605 : memref<10000x128xf32, #tpu.memory_space<hbm>>) target(%dma_start3A_600 : memref<32x128xf32, #tpu.memory_space<vmem>>) offsets(%dma_start3A_602 : memref<32xi32, #tpu.memory_space<vmem>>) semaphore(%arg11 : memref<!tpu.dma_semaphore, #tpu.memory_space<semaphore_mem>>)
      %scan3A_606 = arith.constant 0 : i32
      scf.yield %scan3A_606 : i32
    }
    %scan3A_126 = arith.constant 152 : i32
    %dma_wait3A_127 = arith.constant 38 : i32
    %dma_wait3A_128 = arith.constant 1 : i32
    %dma_wait3A_129 = arith.constant 0 : i32
    %dma_wait3A_130 = arith.constant 0 : i32
    %dma_wait3A_131 = tpu.memref_slice %arg9[%dma_wait3A_128, %dma_wait3A_129, %dma_wait3A_130] : memref<8x32x128xf32, #tpu.memory_space<vmem>> -> memref<1x32x128xf32, #tpu.memory_space<vmem>>
    %dma_wait3A_132 = tpu.memref_squeeze %dma_wait3A_131 : memref<1x32x128xf32, #tpu.memory_space<vmem>> -> memref<32x128xf32, #tpu.memory_space<vmem>>
    %dma_wait3A_133 = arith.constant 32 : i32
    %dma_wait3A_134 = tpu.memref_slice %arg7[%dma_wait3A_127, %dma_wait3A_133] : memref<40x128xi32, #tpu.memory_space<vmem>> -> memref<1x32xi32, #tpu.memory_space<vmem>>
    %dma_wait3A_135 = tpu.memref_squeeze %dma_wait3A_134 : memref<1x32xi32, #tpu.memory_space<vmem>> -> memref<32xi32, #tpu.memory_space<vmem>>
    %dma_wait3A_136 = arith.constant 0 : i32
    %dma_wait3A_137 = arith.constant 0 : i32
    %dma_wait3A_138 = tpu.memref_slice %arg2[%dma_wait3A_136, %dma_wait3A_137] : memref<10000x128xf32, #tpu.memory_space<hbm>> -> memref<10000x128xf32, #tpu.memory_space<hbm>>
    tpu.wait_indirect_dma semaphore(%arg11 : memref<!tpu.dma_semaphore, #tpu.memory_space<semaphore_mem>>) src(%dma_wait3A_138 : memref<10000x128xf32, #tpu.memory_space<hbm>>) dst(%dma_wait3A_132 : memref<32x128xf32, #tpu.memory_space<vmem>>)
    %dma_start3A_139 = arith.constant 1 : i32
    %dma_start3A_140 = arith.constant 38 : i32
    %dma_start3A_141 = arith.constant 0 : i32
    %dma_start3A_142 = arith.constant 0 : i32
    %dma_start3A_143 = tpu.memref_slice %arg9[%dma_start3A_139, %dma_start3A_141, %dma_start3A_142] : memref<8x32x128xf32, #tpu.memory_space<vmem>> -> memref<1x32x128xf32, #tpu.memory_space<vmem>>
    %dma_start3A_144 = tpu.memref_squeeze %dma_start3A_143 : memref<1x32x128xf32, #tpu.memory_space<vmem>> -> memref<32x128xf32, #tpu.memory_space<vmem>>
    %dma_start3A_145 = arith.constant 32 : i32
    %dma_start3A_146 = tpu.memref_slice %arg8[%dma_start3A_140, %dma_start3A_145] : memref<40x128xi32, #tpu.memory_space<vmem>> -> memref<1x32xi32, #tpu.memory_space<vmem>>
    %dma_start3A_147 = tpu.memref_squeeze %dma_start3A_146 : memref<1x32xi32, #tpu.memory_space<vmem>> -> memref<32xi32, #tpu.memory_space<vmem>>
    %dma_start3A_148 = arith.constant 0 : i32
    %dma_start3A_149 = arith.constant 0 : i32
    %dma_start3A_150 = tpu.memref_slice %arg10[%dma_start3A_148, %dma_start3A_149] : memref<10240x128xf32, #tpu.memory_space<vmem_shared>> -> memref<10240x128xf32, #tpu.memory_space<vmem_shared>>
    tpu.enqueue_indirect_dma source(%dma_start3A_144 : memref<32x128xf32, #tpu.memory_space<vmem>>) target(%dma_start3A_150 : memref<10240x128xf32, #tpu.memory_space<vmem_shared>>) offsets(%dma_start3A_147 : memref<32xi32, #tpu.memory_space<vmem>>) semaphore(%arg12 : memref<!tpu.dma_semaphore, #tpu.memory_space<semaphore_mem>>) {add = true}
    %dma_wait3A_151 = arith.constant 0 : i32
    %dma_wait3A_152 = arith.constant 38 : i32
    %dma_wait3A_153 = arith.constant 0 : i32
    %dma_wait3A_154 = arith.constant 0 : i32
    %dma_wait3A_155 = tpu.memref_slice %arg9[%dma_wait3A_151, %dma_wait3A_153, %dma_wait3A_154] : memref<8x32x128xf32, #tpu.memory_space<vmem>> -> memref<1x32x128xf32, #tpu.memory_space<vmem>>
    %dma_wait3A_156 = tpu.memref_squeeze %dma_wait3A_155 : memref<1x32x128xf32, #tpu.memory_space<vmem>> -> memref<32x128xf32, #tpu.memory_space<vmem>>
    %dma_wait3A_157 = arith.constant 0 : i32
    %dma_wait3A_158 = tpu.memref_slice %arg8[%dma_wait3A_152, %dma_wait3A_157] : memref<40x128xi32, #tpu.memory_space<vmem>> -> memref<1x32xi32, #tpu.memory_space<vmem>>
    %dma_wait3A_159 = tpu.memref_squeeze %dma_wait3A_158 : memref<1x32xi32, #tpu.memory_space<vmem>> -> memref<32xi32, #tpu.memory_space<vmem>>
    %dma_wait3A_160 = arith.constant 0 : i32
    %dma_wait3A_161 = arith.constant 0 : i32
    %dma_wait3A_162 = tpu.memref_slice %arg10[%dma_wait3A_160, %dma_wait3A_161] : memref<10240x128xf32, #tpu.memory_space<vmem_shared>> -> memref<10240x128xf32, #tpu.memory_space<vmem_shared>>
    tpu.wait_indirect_dma semaphore(%arg12 : memref<!tpu.dma_semaphore, #tpu.memory_space<semaphore_mem>>) src(%dma_wait3A_156 : memref<32x128xf32, #tpu.memory_space<vmem>>) dst(%dma_wait3A_162 : memref<10240x128xf32, #tpu.memory_space<vmem_shared>>)
    %dma_wait3A_163 = arith.constant 38 : i32
    %dma_wait3A_164 = arith.constant 2 : i32
    %dma_wait3A_165 = arith.constant 0 : i32
    %dma_wait3A_166 = arith.constant 0 : i32
    %dma_wait3A_167 = tpu.memref_slice %arg9[%dma_wait3A_164, %dma_wait3A_165, %dma_wait3A_166] : memref<8x32x128xf32, #tpu.memory_space<vmem>> -> memref<1x32x128xf32, #tpu.memory_space<vmem>>
    %dma_wait3A_168 = tpu.memref_squeeze %dma_wait3A_167 : memref<1x32x128xf32, #tpu.memory_space<vmem>> -> memref<32x128xf32, #tpu.memory_space<vmem>>
    %dma_wait3A_169 = arith.constant 64 : i32
    %dma_wait3A_170 = tpu.memref_slice %arg7[%dma_wait3A_163, %dma_wait3A_169] : memref<40x128xi32, #tpu.memory_space<vmem>> -> memref<1x32xi32, #tpu.memory_space<vmem>>
    %dma_wait3A_171 = tpu.memref_squeeze %dma_wait3A_170 : memref<1x32xi32, #tpu.memory_space<vmem>> -> memref<32xi32, #tpu.memory_space<vmem>>
    %dma_wait3A_172 = arith.constant 0 : i32
    %dma_wait3A_173 = arith.constant 0 : i32
    %dma_wait3A_174 = tpu.memref_slice %arg2[%dma_wait3A_172, %dma_wait3A_173] : memref<10000x128xf32, #tpu.memory_space<hbm>> -> memref<10000x128xf32, #tpu.memory_space<hbm>>
    tpu.wait_indirect_dma semaphore(%arg11 : memref<!tpu.dma_semaphore, #tpu.memory_space<semaphore_mem>>) src(%dma_wait3A_174 : memref<10000x128xf32, #tpu.memory_space<hbm>>) dst(%dma_wait3A_168 : memref<32x128xf32, #tpu.memory_space<vmem>>)
    %dma_start3A_175 = arith.constant 2 : i32
    %dma_start3A_176 = arith.constant 38 : i32
    %dma_start3A_177 = arith.constant 0 : i32
    %dma_start3A_178 = arith.constant 0 : i32
    %dma_start3A_179 = tpu.memref_slice %arg9[%dma_start3A_175, %dma_start3A_177, %dma_start3A_178] : memref<8x32x128xf32, #tpu.memory_space<vmem>> -> memref<1x32x128xf32, #tpu.memory_space<vmem>>
    %dma_start3A_180 = tpu.memref_squeeze %dma_start3A_179 : memref<1x32x128xf32, #tpu.memory_space<vmem>> -> memref<32x128xf32, #tpu.memory_space<vmem>>
    %dma_start3A_181 = arith.constant 64 : i32
    %dma_start3A_182 = tpu.memref_slice %arg8[%dma_start3A_176, %dma_start3A_181] : memref<40x128xi32, #tpu.memory_space<vmem>> -> memref<1x32xi32, #tpu.memory_space<vmem>>
    %dma_start3A_183 = tpu.memref_squeeze %dma_start3A_182 : memref<1x32xi32, #tpu.memory_space<vmem>> -> memref<32xi32, #tpu.memory_space<vmem>>
    %dma_start3A_184 = arith.constant 0 : i32
    %dma_start3A_185 = arith.constant 0 : i32
    %dma_start3A_186 = tpu.memref_slice %arg10[%dma_start3A_184, %dma_start3A_185] : memref<10240x128xf32, #tpu.memory_space<vmem_shared>> -> memref<10240x128xf32, #tpu.memory_space<vmem_shared>>
    tpu.enqueue_indirect_dma source(%dma_start3A_180 : memref<32x128xf32, #tpu.memory_space<vmem>>) target(%dma_start3A_186 : memref<10240x128xf32, #tpu.memory_space<vmem_shared>>) offsets(%dma_start3A_183 : memref<32xi32, #tpu.memory_space<vmem>>) semaphore(%arg12 : memref<!tpu.dma_semaphore, #tpu.memory_space<semaphore_mem>>) {add = true}
    %dma_wait3A_187 = arith.constant 1 : i32
    %dma_wait3A_188 = arith.constant 38 : i32
    %dma_wait3A_189 = arith.constant 0 : i32
    %dma_wait3A_190 = arith.constant 0 : i32
    %dma_wait3A_191 = tpu.memref_slice %arg9[%dma_wait3A_187, %dma_wait3A_189, %dma_wait3A_190] : memref<8x32x128xf32, #tpu.memory_space<vmem>> -> memref<1x32x128xf32, #tpu.memory_space<vmem>>
    %dma_wait3A_192 = tpu.memref_squeeze %dma_wait3A_191 : memref<1x32x128xf32, #tpu.memory_space<vmem>> -> memref<32x128xf32, #tpu.memory_space<vmem>>
    %dma_wait3A_193 = arith.constant 32 : i32
    %dma_wait3A_194 = tpu.memref_slice %arg8[%dma_wait3A_188, %dma_wait3A_193] : memref<40x128xi32, #tpu.memory_space<vmem>> -> memref<1x32xi32, #tpu.memory_space<vmem>>
    %dma_wait3A_195 = tpu.memref_squeeze %dma_wait3A_194 : memref<1x32xi32, #tpu.memory_space<vmem>> -> memref<32xi32, #tpu.memory_space<vmem>>
    %dma_wait3A_196 = arith.constant 0 : i32
    %dma_wait3A_197 = arith.constant 0 : i32
    %dma_wait3A_198 = tpu.memref_slice %arg10[%dma_wait3A_196, %dma_wait3A_197] : memref<10240x128xf32, #tpu.memory_space<vmem_shared>> -> memref<10240x128xf32, #tpu.memory_space<vmem_shared>>
    tpu.wait_indirect_dma semaphore(%arg12 : memref<!tpu.dma_semaphore, #tpu.memory_space<semaphore_mem>>) src(%dma_wait3A_192 : memref<32x128xf32, #tpu.memory_space<vmem>>) dst(%dma_wait3A_198 : memref<10240x128xf32, #tpu.memory_space<vmem_shared>>)
    %dma_wait3A_199 = arith.constant 38 : i32
    %dma_wait3A_200 = arith.constant 3 : i32
    %dma_wait3A_201 = arith.constant 0 : i32
    %dma_wait3A_202 = arith.constant 0 : i32
    %dma_wait3A_203 = tpu.memref_slice %arg9[%dma_wait3A_200, %dma_wait3A_201, %dma_wait3A_202] : memref<8x32x128xf32, #tpu.memory_space<vmem>> -> memref<1x32x128xf32, #tpu.memory_space<vmem>>
    %dma_wait3A_204 = tpu.memref_squeeze %dma_wait3A_203 : memref<1x32x128xf32, #tpu.memory_space<vmem>> -> memref<32x128xf32, #tpu.memory_space<vmem>>
    %dma_wait3A_205 = arith.constant 96 : i32
    %dma_wait3A_206 = tpu.memref_slice %arg7[%dma_wait3A_199, %dma_wait3A_205] : memref<40x128xi32, #tpu.memory_space<vmem>> -> memref<1x32xi32, #tpu.memory_space<vmem>>
    %dma_wait3A_207 = tpu.memref_squeeze %dma_wait3A_206 : memref<1x32xi32, #tpu.memory_space<vmem>> -> memref<32xi32, #tpu.memory_space<vmem>>
    %dma_wait3A_208 = arith.constant 0 : i32
    %dma_wait3A_209 = arith.constant 0 : i32
    %dma_wait3A_210 = tpu.memref_slice %arg2[%dma_wait3A_208, %dma_wait3A_209] : memref<10000x128xf32, #tpu.memory_space<hbm>> -> memref<10000x128xf32, #tpu.memory_space<hbm>>
    tpu.wait_indirect_dma semaphore(%arg11 : memref<!tpu.dma_semaphore, #tpu.memory_space<semaphore_mem>>) src(%dma_wait3A_210 : memref<10000x128xf32, #tpu.memory_space<hbm>>) dst(%dma_wait3A_204 : memref<32x128xf32, #tpu.memory_space<vmem>>)
    %dma_start3A_211 = arith.constant 3 : i32
    %dma_start3A_212 = arith.constant 38 : i32
    %dma_start3A_213 = arith.constant 0 : i32
    %dma_start3A_214 = arith.constant 0 : i32
    %dma_start3A_215 = tpu.memref_slice %arg9[%dma_start3A_211, %dma_start3A_213, %dma_start3A_214] : memref<8x32x128xf32, #tpu.memory_space<vmem>> -> memref<1x32x128xf32, #tpu.memory_space<vmem>>
    %dma_start3A_216 = tpu.memref_squeeze %dma_start3A_215 : memref<1x32x128xf32, #tpu.memory_space<vmem>> -> memref<32x128xf32, #tpu.memory_space<vmem>>
    %dma_start3A_217 = arith.constant 96 : i32
    %dma_start3A_218 = tpu.memref_slice %arg8[%dma_start3A_212, %dma_start3A_217] : memref<40x128xi32, #tpu.memory_space<vmem>> -> memref<1x32xi32, #tpu.memory_space<vmem>>
    %dma_start3A_219 = tpu.memref_squeeze %dma_start3A_218 : memref<1x32xi32, #tpu.memory_space<vmem>> -> memref<32xi32, #tpu.memory_space<vmem>>
    %dma_start3A_220 = arith.constant 0 : i32
    %dma_start3A_221 = arith.constant 0 : i32
    %dma_start3A_222 = tpu.memref_slice %arg10[%dma_start3A_220, %dma_start3A_221] : memref<10240x128xf32, #tpu.memory_space<vmem_shared>> -> memref<10240x128xf32, #tpu.memory_space<vmem_shared>>
    tpu.enqueue_indirect_dma source(%dma_start3A_216 : memref<32x128xf32, #tpu.memory_space<vmem>>) target(%dma_start3A_222 : memref<10240x128xf32, #tpu.memory_space<vmem_shared>>) offsets(%dma_start3A_219 : memref<32xi32, #tpu.memory_space<vmem>>) semaphore(%arg12 : memref<!tpu.dma_semaphore, #tpu.memory_space<semaphore_mem>>) {add = true}
    %dma_wait3A_223 = arith.constant 2 : i32
    %dma_wait3A_224 = arith.constant 38 : i32
    %dma_wait3A_225 = arith.constant 0 : i32
    %dma_wait3A_226 = arith.constant 0 : i32
    %dma_wait3A_227 = tpu.memref_slice %arg9[%dma_wait3A_223, %dma_wait3A_225, %dma_wait3A_226] : memref<8x32x128xf32, #tpu.memory_space<vmem>> -> memref<1x32x128xf32, #tpu.memory_space<vmem>>
    %dma_wait3A_228 = tpu.memref_squeeze %dma_wait3A_227 : memref<1x32x128xf32, #tpu.memory_space<vmem>> -> memref<32x128xf32, #tpu.memory_space<vmem>>
    %dma_wait3A_229 = arith.constant 64 : i32
    %dma_wait3A_230 = tpu.memref_slice %arg8[%dma_wait3A_224, %dma_wait3A_229] : memref<40x128xi32, #tpu.memory_space<vmem>> -> memref<1x32xi32, #tpu.memory_space<vmem>>
    %dma_wait3A_231 = tpu.memref_squeeze %dma_wait3A_230 : memref<1x32xi32, #tpu.memory_space<vmem>> -> memref<32xi32, #tpu.memory_space<vmem>>
    %dma_wait3A_232 = arith.constant 0 : i32
    %dma_wait3A_233 = arith.constant 0 : i32
    %dma_wait3A_234 = tpu.memref_slice %arg10[%dma_wait3A_232, %dma_wait3A_233] : memref<10240x128xf32, #tpu.memory_space<vmem_shared>> -> memref<10240x128xf32, #tpu.memory_space<vmem_shared>>
    tpu.wait_indirect_dma semaphore(%arg12 : memref<!tpu.dma_semaphore, #tpu.memory_space<semaphore_mem>>) src(%dma_wait3A_228 : memref<32x128xf32, #tpu.memory_space<vmem>>) dst(%dma_wait3A_234 : memref<10240x128xf32, #tpu.memory_space<vmem_shared>>)
    %dma_wait3A_235 = arith.constant 39 : i32
    %dma_wait3A_236 = arith.constant 4 : i32
    %dma_wait3A_237 = arith.constant 0 : i32
    %dma_wait3A_238 = arith.constant 0 : i32
    %dma_wait3A_239 = tpu.memref_slice %arg9[%dma_wait3A_236, %dma_wait3A_237, %dma_wait3A_238] : memref<8x32x128xf32, #tpu.memory_space<vmem>> -> memref<1x32x128xf32, #tpu.memory_space<vmem>>
    %dma_wait3A_240 = tpu.memref_squeeze %dma_wait3A_239 : memref<1x32x128xf32, #tpu.memory_space<vmem>> -> memref<32x128xf32, #tpu.memory_space<vmem>>
    %dma_wait3A_241 = arith.constant 0 : i32
    %dma_wait3A_242 = tpu.memref_slice %arg7[%dma_wait3A_235, %dma_wait3A_241] : memref<40x128xi32, #tpu.memory_space<vmem>> -> memref<1x32xi32, #tpu.memory_space<vmem>>
    %dma_wait3A_243 = tpu.memref_squeeze %dma_wait3A_242 : memref<1x32xi32, #tpu.memory_space<vmem>> -> memref<32xi32, #tpu.memory_space<vmem>>
    %dma_wait3A_244 = arith.constant 0 : i32
    %dma_wait3A_245 = arith.constant 0 : i32
    %dma_wait3A_246 = tpu.memref_slice %arg2[%dma_wait3A_244, %dma_wait3A_245] : memref<10000x128xf32, #tpu.memory_space<hbm>> -> memref<10000x128xf32, #tpu.memory_space<hbm>>
    tpu.wait_indirect_dma semaphore(%arg11 : memref<!tpu.dma_semaphore, #tpu.memory_space<semaphore_mem>>) src(%dma_wait3A_246 : memref<10000x128xf32, #tpu.memory_space<hbm>>) dst(%dma_wait3A_240 : memref<32x128xf32, #tpu.memory_space<vmem>>)
    %dma_start3A_247 = arith.constant 4 : i32
    %dma_start3A_248 = arith.constant 39 : i32
    %dma_start3A_249 = arith.constant 0 : i32
    %dma_start3A_250 = arith.constant 0 : i32
    %dma_start3A_251 = tpu.memref_slice %arg9[%dma_start3A_247, %dma_start3A_249, %dma_start3A_250] : memref<8x32x128xf32, #tpu.memory_space<vmem>> -> memref<1x32x128xf32, #tpu.memory_space<vmem>>
    %dma_start3A_252 = tpu.memref_squeeze %dma_start3A_251 : memref<1x32x128xf32, #tpu.memory_space<vmem>> -> memref<32x128xf32, #tpu.memory_space<vmem>>
    %dma_start3A_253 = arith.constant 0 : i32
    %dma_start3A_254 = tpu.memref_slice %arg8[%dma_start3A_248, %dma_start3A_253] : memref<40x128xi32, #tpu.memory_space<vmem>> -> memref<1x32xi32, #tpu.memory_space<vmem>>
    %dma_start3A_255 = tpu.memref_squeeze %dma_start3A_254 : memref<1x32xi32, #tpu.memory_space<vmem>> -> memref<32xi32, #tpu.memory_space<vmem>>
    %dma_start3A_256 = arith.constant 0 : i32
    %dma_start3A_257 = arith.constant 0 : i32
    %dma_start3A_258 = tpu.memref_slice %arg10[%dma_start3A_256, %dma_start3A_257] : memref<10240x128xf32, #tpu.memory_space<vmem_shared>> -> memref<10240x128xf32, #tpu.memory_space<vmem_shared>>
    tpu.enqueue_indirect_dma source(%dma_start3A_252 : memref<32x128xf32, #tpu.memory_space<vmem>>) target(%dma_start3A_258 : memref<10240x128xf32, #tpu.memory_space<vmem_shared>>) offsets(%dma_start3A_255 : memref<32xi32, #tpu.memory_space<vmem>>) semaphore(%arg12 : memref<!tpu.dma_semaphore, #tpu.memory_space<semaphore_mem>>) {add = true}
    %dma_wait3A_259 = arith.constant 3 : i32
    %dma_wait3A_260 = arith.constant 38 : i32
    %dma_wait3A_261 = arith.constant 0 : i32
    %dma_wait3A_262 = arith.constant 0 : i32
    %dma_wait3A_263 = tpu.memref_slice %arg9[%dma_wait3A_259, %dma_wait3A_261, %dma_wait3A_262] : memref<8x32x128xf32, #tpu.memory_space<vmem>> -> memref<1x32x128xf32, #tpu.memory_space<vmem>>
    %dma_wait3A_264 = tpu.memref_squeeze %dma_wait3A_263 : memref<1x32x128xf32, #tpu.memory_space<vmem>> -> memref<32x128xf32, #tpu.memory_space<vmem>>
    %dma_wait3A_265 = arith.constant 96 : i32
    %dma_wait3A_266 = tpu.memref_slice %arg8[%dma_wait3A_260, %dma_wait3A_265] : memref<40x128xi32, #tpu.memory_space<vmem>> -> memref<1x32xi32, #tpu.memory_space<vmem>>
    %dma_wait3A_267 = tpu.memref_squeeze %dma_wait3A_266 : memref<1x32xi32, #tpu.memory_space<vmem>> -> memref<32xi32, #tpu.memory_space<vmem>>
    %dma_wait3A_268 = arith.constant 0 : i32
    %dma_wait3A_269 = arith.constant 0 : i32
    %dma_wait3A_270 = tpu.memref_slice %arg10[%dma_wait3A_268, %dma_wait3A_269] : memref<10240x128xf32, #tpu.memory_space<vmem_shared>> -> memref<10240x128xf32, #tpu.memory_space<vmem_shared>>
    tpu.wait_indirect_dma semaphore(%arg12 : memref<!tpu.dma_semaphore, #tpu.memory_space<semaphore_mem>>) src(%dma_wait3A_264 : memref<32x128xf32, #tpu.memory_space<vmem>>) dst(%dma_wait3A_270 : memref<10240x128xf32, #tpu.memory_space<vmem_shared>>)
    %dma_wait3A_271 = arith.constant 39 : i32
    %dma_wait3A_272 = arith.constant 5 : i32
    %dma_wait3A_273 = arith.constant 0 : i32
    %dma_wait3A_274 = arith.constant 0 : i32
    %dma_wait3A_275 = tpu.memref_slice %arg9[%dma_wait3A_272, %dma_wait3A_273, %dma_wait3A_274] : memref<8x32x128xf32, #tpu.memory_space<vmem>> -> memref<1x32x128xf32, #tpu.memory_space<vmem>>
    %dma_wait3A_276 = tpu.memref_squeeze %dma_wait3A_275 : memref<1x32x128xf32, #tpu.memory_space<vmem>> -> memref<32x128xf32, #tpu.memory_space<vmem>>
    %dma_wait3A_277 = arith.constant 32 : i32
    %dma_wait3A_278 = tpu.memref_slice %arg7[%dma_wait3A_271, %dma_wait3A_277] : memref<40x128xi32, #tpu.memory_space<vmem>> -> memref<1x32xi32, #tpu.memory_space<vmem>>
    %dma_wait3A_279 = tpu.memref_squeeze %dma_wait3A_278 : memref<1x32xi32, #tpu.memory_space<vmem>> -> memref<32xi32, #tpu.memory_space<vmem>>
    %dma_wait3A_280 = arith.constant 0 : i32
    %dma_wait3A_281 = arith.constant 0 : i32
    %dma_wait3A_282 = tpu.memref_slice %arg2[%dma_wait3A_280, %dma_wait3A_281] : memref<10000x128xf32, #tpu.memory_space<hbm>> -> memref<10000x128xf32, #tpu.memory_space<hbm>>
    tpu.wait_indirect_dma semaphore(%arg11 : memref<!tpu.dma_semaphore, #tpu.memory_space<semaphore_mem>>) src(%dma_wait3A_282 : memref<10000x128xf32, #tpu.memory_space<hbm>>) dst(%dma_wait3A_276 : memref<32x128xf32, #tpu.memory_space<vmem>>)
    %dma_start3A_283 = arith.constant 5 : i32
    %dma_start3A_284 = arith.constant 39 : i32
    %dma_start3A_285 = arith.constant 0 : i32
    %dma_start3A_286 = arith.constant 0 : i32
    %dma_start3A_287 = tpu.memref_slice %arg9[%dma_start3A_283, %dma_start3A_285, %dma_start3A_286] : memref<8x32x128xf32, #tpu.memory_space<vmem>> -> memref<1x32x128xf32, #tpu.memory_space<vmem>>
    %dma_start3A_288 = tpu.memref_squeeze %dma_start3A_287 : memref<1x32x128xf32, #tpu.memory_space<vmem>> -> memref<32x128xf32, #tpu.memory_space<vmem>>
    %dma_start3A_289 = arith.constant 32 : i32
    %dma_start3A_290 = tpu.memref_slice %arg8[%dma_start3A_284, %dma_start3A_289] : memref<40x128xi32, #tpu.memory_space<vmem>> -> memref<1x32xi32, #tpu.memory_space<vmem>>
    %dma_start3A_291 = tpu.memref_squeeze %dma_start3A_290 : memref<1x32xi32, #tpu.memory_space<vmem>> -> memref<32xi32, #tpu.memory_space<vmem>>
    %dma_start3A_292 = arith.constant 0 : i32
    %dma_start3A_293 = arith.constant 0 : i32
    %dma_start3A_294 = tpu.memref_slice %arg10[%dma_start3A_292, %dma_start3A_293] : memref<10240x128xf32, #tpu.memory_space<vmem_shared>> -> memref<10240x128xf32, #tpu.memory_space<vmem_shared>>
    tpu.enqueue_indirect_dma source(%dma_start3A_288 : memref<32x128xf32, #tpu.memory_space<vmem>>) target(%dma_start3A_294 : memref<10240x128xf32, #tpu.memory_space<vmem_shared>>) offsets(%dma_start3A_291 : memref<32xi32, #tpu.memory_space<vmem>>) semaphore(%arg12 : memref<!tpu.dma_semaphore, #tpu.memory_space<semaphore_mem>>) {add = true}
    %dma_wait3A_295 = arith.constant 4 : i32
    %dma_wait3A_296 = arith.constant 39 : i32
    %dma_wait3A_297 = arith.constant 0 : i32
    %dma_wait3A_298 = arith.constant 0 : i32
    %dma_wait3A_299 = tpu.memref_slice %arg9[%dma_wait3A_295, %dma_wait3A_297, %dma_wait3A_298] : memref<8x32x128xf32, #tpu.memory_space<vmem>> -> memref<1x32x128xf32, #tpu.memory_space<vmem>>
    %dma_wait3A_300 = tpu.memref_squeeze %dma_wait3A_299 : memref<1x32x128xf32, #tpu.memory_space<vmem>> -> memref<32x128xf32, #tpu.memory_space<vmem>>
    %dma_wait3A_301 = arith.constant 0 : i32
    %dma_wait3A_302 = tpu.memref_slice %arg8[%dma_wait3A_296, %dma_wait3A_301] : memref<40x128xi32, #tpu.memory_space<vmem>> -> memref<1x32xi32, #tpu.memory_space<vmem>>
    %dma_wait3A_303 = tpu.memref_squeeze %dma_wait3A_302 : memref<1x32xi32, #tpu.memory_space<vmem>> -> memref<32xi32, #tpu.memory_space<vmem>>
    %dma_wait3A_304 = arith.constant 0 : i32
    %dma_wait3A_305 = arith.constant 0 : i32
    %dma_wait3A_306 = tpu.memref_slice %arg10[%dma_wait3A_304, %dma_wait3A_305] : memref<10240x128xf32, #tpu.memory_space<vmem_shared>> -> memref<10240x128xf32, #tpu.memory_space<vmem_shared>>
    tpu.wait_indirect_dma semaphore(%arg12 : memref<!tpu.dma_semaphore, #tpu.memory_space<semaphore_mem>>) src(%dma_wait3A_300 : memref<32x128xf32, #tpu.memory_space<vmem>>) dst(%dma_wait3A_306 : memref<10240x128xf32, #tpu.memory_space<vmem_shared>>)
    %dma_wait3A_307 = arith.constant 39 : i32
    %dma_wait3A_308 = arith.constant 6 : i32
    %dma_wait3A_309 = arith.constant 0 : i32
    %dma_wait3A_310 = arith.constant 0 : i32
    %dma_wait3A_311 = tpu.memref_slice %arg9[%dma_wait3A_308, %dma_wait3A_309, %dma_wait3A_310] : memref<8x32x128xf32, #tpu.memory_space<vmem>> -> memref<1x32x128xf32, #tpu.memory_space<vmem>>
    %dma_wait3A_312 = tpu.memref_squeeze %dma_wait3A_311 : memref<1x32x128xf32, #tpu.memory_space<vmem>> -> memref<32x128xf32, #tpu.memory_space<vmem>>
    %dma_wait3A_313 = arith.constant 64 : i32
    %dma_wait3A_314 = tpu.memref_slice %arg7[%dma_wait3A_307, %dma_wait3A_313] : memref<40x128xi32, #tpu.memory_space<vmem>> -> memref<1x32xi32, #tpu.memory_space<vmem>>
    %dma_wait3A_315 = tpu.memref_squeeze %dma_wait3A_314 : memref<1x32xi32, #tpu.memory_space<vmem>> -> memref<32xi32, #tpu.memory_space<vmem>>
    %dma_wait3A_316 = arith.constant 0 : i32
    %dma_wait3A_317 = arith.constant 0 : i32
    %dma_wait3A_318 = tpu.memref_slice %arg2[%dma_wait3A_316, %dma_wait3A_317] : memref<10000x128xf32, #tpu.memory_space<hbm>> -> memref<10000x128xf32, #tpu.memory_space<hbm>>
    tpu.wait_indirect_dma semaphore(%arg11 : memref<!tpu.dma_semaphore, #tpu.memory_space<semaphore_mem>>) src(%dma_wait3A_318 : memref<10000x128xf32, #tpu.memory_space<hbm>>) dst(%dma_wait3A_312 : memref<32x128xf32, #tpu.memory_space<vmem>>)
    %dma_start3A_319 = arith.constant 6 : i32
    %dma_start3A_320 = arith.constant 39 : i32
    %dma_start3A_321 = arith.constant 0 : i32
    %dma_start3A_322 = arith.constant 0 : i32
    %dma_start3A_323 = tpu.memref_slice %arg9[%dma_start3A_319, %dma_start3A_321, %dma_start3A_322] : memref<8x32x128xf32, #tpu.memory_space<vmem>> -> memref<1x32x128xf32, #tpu.memory_space<vmem>>
    %dma_start3A_324 = tpu.memref_squeeze %dma_start3A_323 : memref<1x32x128xf32, #tpu.memory_space<vmem>> -> memref<32x128xf32, #tpu.memory_space<vmem>>
    %dma_start3A_325 = arith.constant 64 : i32
    %dma_start3A_326 = tpu.memref_slice %arg8[%dma_start3A_320, %dma_start3A_325] : memref<40x128xi32, #tpu.memory_space<vmem>> -> memref<1x32xi32, #tpu.memory_space<vmem>>
    %dma_start3A_327 = tpu.memref_squeeze %dma_start3A_326 : memref<1x32xi32, #tpu.memory_space<vmem>> -> memref<32xi32, #tpu.memory_space<vmem>>
    %dma_start3A_328 = arith.constant 0 : i32
    %dma_start3A_329 = arith.constant 0 : i32
    %dma_start3A_330 = tpu.memref_slice %arg10[%dma_start3A_328, %dma_start3A_329] : memref<10240x128xf32, #tpu.memory_space<vmem_shared>> -> memref<10240x128xf32, #tpu.memory_space<vmem_shared>>
    tpu.enqueue_indirect_dma source(%dma_start3A_324 : memref<32x128xf32, #tpu.memory_space<vmem>>) target(%dma_start3A_330 : memref<10240x128xf32, #tpu.memory_space<vmem_shared>>) offsets(%dma_start3A_327 : memref<32xi32, #tpu.memory_space<vmem>>) semaphore(%arg12 : memref<!tpu.dma_semaphore, #tpu.memory_space<semaphore_mem>>) {add = true}
    %dma_wait3A_331 = arith.constant 5 : i32
    %dma_wait3A_332 = arith.constant 39 : i32
    %dma_wait3A_333 = arith.constant 0 : i32
    %dma_wait3A_334 = arith.constant 0 : i32
    %dma_wait3A_335 = tpu.memref_slice %arg9[%dma_wait3A_331, %dma_wait3A_333, %dma_wait3A_334] : memref<8x32x128xf32, #tpu.memory_space<vmem>> -> memref<1x32x128xf32, #tpu.memory_space<vmem>>
    %dma_wait3A_336 = tpu.memref_squeeze %dma_wait3A_335 : memref<1x32x128xf32, #tpu.memory_space<vmem>> -> memref<32x128xf32, #tpu.memory_space<vmem>>
    %dma_wait3A_337 = arith.constant 32 : i32
    %dma_wait3A_338 = tpu.memref_slice %arg8[%dma_wait3A_332, %dma_wait3A_337] : memref<40x128xi32, #tpu.memory_space<vmem>> -> memref<1x32xi32, #tpu.memory_space<vmem>>
    %dma_wait3A_339 = tpu.memref_squeeze %dma_wait3A_338 : memref<1x32xi32, #tpu.memory_space<vmem>> -> memref<32xi32, #tpu.memory_space<vmem>>
    %dma_wait3A_340 = arith.constant 0 : i32
    %dma_wait3A_341 = arith.constant 0 : i32
    %dma_wait3A_342 = tpu.memref_slice %arg10[%dma_wait3A_340, %dma_wait3A_341] : memref<10240x128xf32, #tpu.memory_space<vmem_shared>> -> memref<10240x128xf32, #tpu.memory_space<vmem_shared>>
    tpu.wait_indirect_dma semaphore(%arg12 : memref<!tpu.dma_semaphore, #tpu.memory_space<semaphore_mem>>) src(%dma_wait3A_336 : memref<32x128xf32, #tpu.memory_space<vmem>>) dst(%dma_wait3A_342 : memref<10240x128xf32, #tpu.memory_space<vmem_shared>>)
    %dma_wait3A_343 = arith.constant 39 : i32
    %dma_wait3A_344 = arith.constant 7 : i32
    %dma_wait3A_345 = arith.constant 0 : i32
    %dma_wait3A_346 = arith.constant 0 : i32
    %dma_wait3A_347 = tpu.memref_slice %arg9[%dma_wait3A_344, %dma_wait3A_345, %dma_wait3A_346] : memref<8x32x128xf32, #tpu.memory_space<vmem>> -> memref<1x32x128xf32, #tpu.memory_space<vmem>>
    %dma_wait3A_348 = tpu.memref_squeeze %dma_wait3A_347 : memref<1x32x128xf32, #tpu.memory_space<vmem>> -> memref<32x128xf32, #tpu.memory_space<vmem>>
    %dma_wait3A_349 = arith.constant 96 : i32
    %dma_wait3A_350 = tpu.memref_slice %arg7[%dma_wait3A_343, %dma_wait3A_349] : memref<40x128xi32, #tpu.memory_space<vmem>> -> memref<1x32xi32, #tpu.memory_space<vmem>>
    %dma_wait3A_351 = tpu.memref_squeeze %dma_wait3A_350 : memref<1x32xi32, #tpu.memory_space<vmem>> -> memref<32xi32, #tpu.memory_space<vmem>>
    %dma_wait3A_352 = arith.constant 0 : i32
    %dma_wait3A_353 = arith.constant 0 : i32
    %dma_wait3A_354 = tpu.memref_slice %arg2[%dma_wait3A_352, %dma_wait3A_353] : memref<10000x128xf32, #tpu.memory_space<hbm>> -> memref<10000x128xf32, #tpu.memory_space<hbm>>
    tpu.wait_indirect_dma semaphore(%arg11 : memref<!tpu.dma_semaphore, #tpu.memory_space<semaphore_mem>>) src(%dma_wait3A_354 : memref<10000x128xf32, #tpu.memory_space<hbm>>) dst(%dma_wait3A_348 : memref<32x128xf32, #tpu.memory_space<vmem>>)
    %dma_start3A_355 = arith.constant 7 : i32
    %dma_start3A_356 = arith.constant 39 : i32
    %dma_start3A_357 = arith.constant 0 : i32
    %dma_start3A_358 = arith.constant 0 : i32
    %dma_start3A_359 = tpu.memref_slice %arg9[%dma_start3A_355, %dma_start3A_357, %dma_start3A_358] : memref<8x32x128xf32, #tpu.memory_space<vmem>> -> memref<1x32x128xf32, #tpu.memory_space<vmem>>
    %dma_start3A_360 = tpu.memref_squeeze %dma_start3A_359 : memref<1x32x128xf32, #tpu.memory_space<vmem>> -> memref<32x128xf32, #tpu.memory_space<vmem>>
    %dma_start3A_361 = arith.constant 96 : i32
    %dma_start3A_362 = tpu.memref_slice %arg8[%dma_start3A_356, %dma_start3A_361] : memref<40x128xi32, #tpu.memory_space<vmem>> -> memref<1x32xi32, #tpu.memory_space<vmem>>
    %dma_start3A_363 = tpu.memref_squeeze %dma_start3A_362 : memref<1x32xi32, #tpu.memory_space<vmem>> -> memref<32xi32, #tpu.memory_space<vmem>>
    %dma_start3A_364 = arith.constant 0 : i32
    %dma_start3A_365 = arith.constant 0 : i32
    %dma_start3A_366 = tpu.memref_slice %arg10[%dma_start3A_364, %dma_start3A_365] : memref<10240x128xf32, #tpu.memory_space<vmem_shared>> -> memref<10240x128xf32, #tpu.memory_space<vmem_shared>>
    tpu.enqueue_indirect_dma source(%dma_start3A_360 : memref<32x128xf32, #tpu.memory_space<vmem>>) target(%dma_start3A_366 : memref<10240x128xf32, #tpu.memory_space<vmem_shared>>) offsets(%dma_start3A_363 : memref<32xi32, #tpu.memory_space<vmem>>) semaphore(%arg12 : memref<!tpu.dma_semaphore, #tpu.memory_space<semaphore_mem>>) {add = true}
    %dma_wait3A_367 = arith.constant 6 : i32
    %dma_wait3A_368 = arith.constant 39 : i32
    %dma_wait3A_369 = arith.constant 0 : i32
    %dma_wait3A_370 = arith.constant 0 : i32
    %dma_wait3A_371 = tpu.memref_slice %arg9[%dma_wait3A_367, %dma_wait3A_369, %dma_wait3A_370] : memref<8x32x128xf32, #tpu.memory_space<vmem>> -> memref<1x32x128xf32, #tpu.memory_space<vmem>>
    %dma_wait3A_372 = tpu.memref_squeeze %dma_wait3A_371 : memref<1x32x128xf32, #tpu.memory_space<vmem>> -> memref<32x128xf32, #tpu.memory_space<vmem>>
    %dma_wait3A_373 = arith.constant 64 : i32
    %dma_wait3A_374 = tpu.memref_slice %arg8[%dma_wait3A_368, %dma_wait3A_373] : memref<40x128xi32, #tpu.memory_space<vmem>> -> memref<1x32xi32, #tpu.memory_space<vmem>>
    %dma_wait3A_375 = tpu.memref_squeeze %dma_wait3A_374 : memref<1x32xi32, #tpu.memory_space<vmem>> -> memref<32xi32, #tpu.memory_space<vmem>>
    %dma_wait3A_376 = arith.constant 0 : i32
    %dma_wait3A_377 = arith.constant 0 : i32
    %dma_wait3A_378 = tpu.memref_slice %arg10[%dma_wait3A_376, %dma_wait3A_377] : memref<10240x128xf32, #tpu.memory_space<vmem_shared>> -> memref<10240x128xf32, #tpu.memory_space<vmem_shared>>
    tpu.wait_indirect_dma semaphore(%arg12 : memref<!tpu.dma_semaphore, #tpu.memory_space<semaphore_mem>>) src(%dma_wait3A_372 : memref<32x128xf32, #tpu.memory_space<vmem>>) dst(%dma_wait3A_378 : memref<10240x128xf32, #tpu.memory_space<vmem_shared>>)
    %dma_wait3A_379 = arith.constant 7 : i32
    %dma_wait3A_380 = arith.constant 39 : i32
    %dma_wait3A_381 = arith.constant 0 : i32
    %dma_wait3A_382 = arith.constant 0 : i32
    %dma_wait3A_383 = tpu.memref_slice %arg9[%dma_wait3A_379, %dma_wait3A_381, %dma_wait3A_382] : memref<8x32x128xf32, #tpu.memory_space<vmem>> -> memref<1x32x128xf32, #tpu.memory_space<vmem>>
    %dma_wait3A_384 = tpu.memref_squeeze %dma_wait3A_383 : memref<1x32x128xf32, #tpu.memory_space<vmem>> -> memref<32x128xf32, #tpu.memory_space<vmem>>
    %dma_wait3A_385 = arith.constant 96 : i32
    %dma_wait3A_386 = tpu.memref_slice %arg8[%dma_wait3A_380, %dma_wait3A_385] : memref<40x128xi32, #tpu.memory_space<vmem>> -> memref<1x32xi32, #tpu.memory_space<vmem>>
    %dma_wait3A_387 = tpu.memref_squeeze %dma_wait3A_386 : memref<1x32xi32, #tpu.memory_space<vmem>> -> memref<32xi32, #tpu.memory_space<vmem>>
    %dma_wait3A_388 = arith.constant 0 : i32
    %dma_wait3A_389 = arith.constant 0 : i32
    %dma_wait3A_390 = tpu.memref_slice %arg10[%dma_wait3A_388, %dma_wait3A_389] : memref<10240x128xf32, #tpu.memory_space<vmem_shared>> -> memref<10240x128xf32, #tpu.memory_space<vmem_shared>>
    tpu.wait_indirect_dma semaphore(%arg12 : memref<!tpu.dma_semaphore, #tpu.memory_space<semaphore_mem>>) src(%dma_wait3A_384 : memref<32x128xf32, #tpu.memory_space<vmem>>) dst(%dma_wait3A_390 : memref<10240x128xf32, #tpu.memory_space<vmem_shared>>)
    %barrier3A_391 = arith.constant 0 : index
    tpu.barrier barrier_id(%barrier3A_391)
    "tpu.region"() ({
      %run_scoped3A = tpu.sem_alloc : memref<!tpu.dma_semaphore, #tpu.memory_space<semaphore_mem>>
      %dma_start3A_392 = arith.constant 0 : i32
      %dma_start3A_393 = tpu.memref_slice %arg6[%arg0, %mul3A_2, %dma_start3A_392] : memref<2x10240x128xf32, #tpu.memory_space<hbm>> -> memref<1x640x128xf32, #tpu.memory_space<hbm>>
      %dma_start3A_394 = tpu.memref_squeeze %dma_start3A_393 : memref<1x640x128xf32, #tpu.memory_space<hbm>> -> memref<640x128xf32, #tpu.memory_space<hbm>>
      %dma_start3A_395 = arith.constant 0 : i32
      %dma_start3A_396 = tpu.memref_slice %arg10[%mul3A_2, %dma_start3A_395] : memref<10240x128xf32, #tpu.memory_space<vmem_shared>> -> memref<640x128xf32, #tpu.memory_space<vmem_shared>>
      tpu.enqueue_dma source(%dma_start3A_396 : memref<640x128xf32, #tpu.memory_space<vmem_shared>>) target(%dma_start3A_394 : memref<640x128xf32, #tpu.memory_space<hbm>>) target_semaphore(%run_scoped3A : memref<!tpu.dma_semaphore, #tpu.memory_space<semaphore_mem>>)
      %dma_wait3A_397 = arith.constant 0 : i32
      %dma_wait3A_398 = tpu.memref_slice %arg6[%arg0, %mul3A_2, %dma_wait3A_397] : memref<2x10240x128xf32, #tpu.memory_space<hbm>> -> memref<1x640x128xf32, #tpu.memory_space<hbm>>
      %dma_wait3A_399 = tpu.memref_squeeze %dma_wait3A_398 : memref<1x640x128xf32, #tpu.memory_space<hbm>> -> memref<640x128xf32, #tpu.memory_space<hbm>>
      %dma_wait3A_400 = arith.constant 0 : i32
      %dma_wait3A_401 = tpu.memref_slice %arg10[%mul3A_2, %dma_wait3A_400] : memref<10240x128xf32, #tpu.memory_space<vmem_shared>> -> memref<640x128xf32, #tpu.memory_space<vmem_shared>>
      tpu.wait_dma2 semaphore(%run_scoped3A : memref<!tpu.dma_semaphore, #tpu.memory_space<semaphore_mem>>) src(%dma_wait3A_401 : memref<640x128xf32, #tpu.memory_space<vmem_shared>>) dst(%dma_wait3A_399 : memref<640x128xf32, #tpu.memory_space<hbm>>)
      tpu.yield
    }) : () -> ()
    return
  }
}

module attributes {stable_mosaic.version = 14 : i64} {
  func.func @_mm_scale_kernel(%arg0: i32, %arg1: memref<1x400x1xf32, #tpu.memory_space<vmem>>, %arg2: memref<1x400x1xf32, #tpu.memory_space<vmem>>, %arg3: memref<400x256xf32, #tpu.memory_space<vmem>>, %arg4: memref<256x128xf32, #tpu.memory_space<vmem>>, %arg5: memref<400x128xf32, #tpu.memory_space<vmem>>, %arg6: memref<400x1xf32, #tpu.memory_space<vmem>>) attributes {dimension_semantics = [#tpu.dimension_semantics<arbitrary>], iteration_bounds = array<i64: 25>, scalar_prefetch = 0 : i64, scratch_operands = 0 : i64, tpu.core_type = #tpu.core_type<tc>, window_params = [{transform_indices = @transform_0, window_bounds = array<i64: 1, 400, 1>}, {transform_indices = @transform_1, window_bounds = array<i64: 1, 400, 1>}, {transform_indices = @transform_2, window_bounds = array<i64: 400, 256>}, {pipeline_mode = #tpu.pipeline_mode<synchronous>, transform_indices = @transform_3, window_bounds = array<i64: 256, 128>}, {transform_indices = @transform_4, window_bounds = array<i64: 400, 128>}, {transform_indices = @transform_5, window_bounds = array<i64: 400, 1>}]} {
    %get3A = arith.constant 0 : index
    %get3A_0 = arith.constant 0 : index
    %get3A_1 = arith.constant 0 : index
    %get3A_2 = vector.load %arg1[%get3A, %get3A_0, %get3A_1] : memref<1x400x1xf32, #tpu.memory_space<vmem>>, vector<1x400x1xf32>
    %get3A_3 = vector.shape_cast %get3A_2 : vector<1x400x1xf32> to vector<400x1xf32>
    %get3A_4 = arith.constant 0 : index
    %get3A_5 = arith.constant 0 : index
    %get3A_6 = arith.constant 0 : index
    %get3A_7 = vector.load %arg2[%get3A_4, %get3A_5, %get3A_6] : memref<1x400x1xf32, #tpu.memory_space<vmem>>, vector<1x400x1xf32>
    %get3A_8 = vector.shape_cast %get3A_7 : vector<1x400x1xf32> to vector<400x1xf32>
    %add3A = arith.addf %get3A_3, %get3A_8 : vector<400x1xf32>
    %rsqrt3A = math.rsqrt %add3A : vector<400x1xf32>
    %get3A_9 = arith.constant 0 : index
    %get3A_10 = arith.constant 0 : index
    %get3A_11 = vector.load %arg3[%get3A_9, %get3A_10] : memref<400x256xf32, #tpu.memory_space<vmem>>, vector<400x256xf32>
    %get3A_12 = arith.constant 0 : index
    %get3A_13 = arith.constant 0 : index
    %get3A_14 = vector.load %arg4[%get3A_12, %get3A_13] : memref<256x128xf32, #tpu.memory_space<vmem>>, vector<256x128xf32>
    %dot_general3A = arith.constant dense<0.000000e+00> : vector<400x128xf32>
    %dot_general3A_15 = tpu.matmul %get3A_11, %get3A_14, %dot_general3A {dimension_numbers = #tpu.dot_dimension_numbers<[1], [0], [0], [1], [0, 0, 1, 1], [], []>, transpose_lhs_hint = false} : vector<400x256xf32>, vector<256x128xf32>, vector<400x128xf32> -> vector<400x128xf32>
    %mul3A = vector.broadcast %rsqrt3A : vector<400x1xf32> to vector<400x128xf32>
    %mul3A_16 = arith.mulf %dot_general3A_15, %mul3A : vector<400x128xf32>
    %swap3A = arith.constant 0 : index
    %swap3A_17 = arith.constant 0 : index
    %swap3A_18 = vector.load %arg5[%swap3A, %swap3A_17] : memref<400x128xf32, #tpu.memory_space<vmem>>, vector<400x128xf32>
    tpu.vector_store %arg5[%swap3A, %swap3A_17], %mul3A_16 {strides = array<i32>} : memref<400x128xf32, #tpu.memory_space<vmem>>, vector<400x128xf32>,
    %swap3A_19 = arith.constant 0 : index
    %swap3A_20 = arith.constant 0 : index
    %swap3A_21 = vector.load %arg6[%swap3A_19, %swap3A_20] : memref<400x1xf32, #tpu.memory_space<vmem>>, vector<400x1xf32>
    tpu.vector_store %arg6[%swap3A_19, %swap3A_20], %rsqrt3A {strides = array<i32>} : memref<400x1xf32, #tpu.memory_space<vmem>>, vector<400x1xf32>,
    return
  }
  func.func @transform_0(%arg0: i32) -> (i32, i32, i32) {
    %c0_i32 = arith.constant 0 : i32
    %c0_i32_0 = arith.constant 0 : i32
    %c0_i32_1 = arith.constant 0 : i32
    return %c0_i32, %arg0, %c0_i32_0 : i32, i32, i32
  }
  func.func @transform_1(%arg0: i32) -> (i32, i32, i32) {
    %c1_i32 = arith.constant 1 : i32
    %c0_i32 = arith.constant 0 : i32
    %c0_i32_0 = arith.constant 0 : i32
    return %c1_i32, %arg0, %c0_i32 : i32, i32, i32
  }
  func.func @transform_2(%arg0: i32) -> (i32, i32) {
    %c0_i32 = arith.constant 0 : i32
    %c0_i32_0 = arith.constant 0 : i32
    return %arg0, %c0_i32 : i32, i32
  }
  func.func @transform_3(%arg0: i32) -> (i32, i32) {
    %c0_i32 = arith.constant 0 : i32
    %c0_i32_0 = arith.constant 0 : i32
    %c0_i32_1 = arith.constant 0 : i32
    return %c0_i32, %c0_i32_0 : i32, i32
  }
  func.func @transform_4(%arg0: i32) -> (i32, i32) {
    %c0_i32 = arith.constant 0 : i32
    %c0_i32_0 = arith.constant 0 : i32
    return %arg0, %c0_i32 : i32, i32
  }
  func.func @transform_5(%arg0: i32) -> (i32, i32) {
    %c0_i32 = arith.constant 0 : i32
    %c0_i32_0 = arith.constant 0 : i32
    return %arg0, %c0_i32 : i32, i32
  }
}

module attributes {stable_mosaic.version = 14 : i64} {
  func.func @_mid_kernel(%arg0: i32, %arg1: memref<1x400x128xf32, #tpu.memory_space<vmem>>, %arg2: memref<1x400x128xf32, #tpu.memory_space<vmem>>, %arg3: memref<400x128xf32, #tpu.memory_space<vmem>>, %arg4: memref<400x1xf32, #tpu.memory_space<vmem>>, %arg5: memref<1x128xf32, #tpu.memory_space<vmem>>, %arg6: memref<128x64xf32, #tpu.memory_space<vmem>>, %arg7: memref<400x64xf32, #tpu.memory_space<vmem>>) attributes {dimension_semantics = [#tpu.dimension_semantics<arbitrary>], iteration_bounds = array<i64: 25>, scalar_prefetch = 0 : i64, scratch_operands = 0 : i64, tpu.core_type = #tpu.core_type<tc>, window_params = [{transform_indices = @transform_0, window_bounds = array<i64: 1, 400, 128>}, {transform_indices = @transform_1, window_bounds = array<i64: 1, 400, 128>}, {transform_indices = @transform_2, window_bounds = array<i64: 400, 128>}, {transform_indices = @transform_3, window_bounds = array<i64: 400, 1>}, {pipeline_mode = #tpu.pipeline_mode<synchronous>, transform_indices = @transform_4, window_bounds = array<i64: 1, 128>}, {pipeline_mode = #tpu.pipeline_mode<synchronous>, transform_indices = @transform_5, window_bounds = array<i64: 128, 64>}, {transform_indices = @transform_6, window_bounds = array<i64: 400, 64>}]} {
    %get3A = arith.constant 0 : index
    %get3A_0 = arith.constant 0 : index
    %get3A_1 = vector.load %arg4[%get3A, %get3A_0] : memref<400x1xf32, #tpu.memory_space<vmem>>, vector<400x1xf32>
    %get3A_2 = arith.constant 0 : index
    %get3A_3 = arith.constant 0 : index
    %get3A_4 = arith.constant 0 : index
    %get3A_5 = vector.load %arg1[%get3A_2, %get3A_3, %get3A_4] : memref<1x400x128xf32, #tpu.memory_space<vmem>>, vector<1x400x128xf32>
    %get3A_6 = vector.shape_cast %get3A_5 : vector<1x400x128xf32> to vector<400x128xf32>
    %get3A_7 = arith.constant 0 : index
    %get3A_8 = arith.constant 0 : index
    %get3A_9 = arith.constant 0 : index
    %get3A_10 = vector.load %arg2[%get3A_7, %get3A_8, %get3A_9] : memref<1x400x128xf32, #tpu.memory_space<vmem>>, vector<1x400x128xf32>
    %get3A_11 = vector.shape_cast %get3A_10 : vector<1x400x128xf32> to vector<400x128xf32>
    %add3A = arith.addf %get3A_6, %get3A_11 : vector<400x128xf32>
    %get3A_12 = arith.constant 0 : index
    %get3A_13 = arith.constant 0 : index
    %get3A_14 = vector.load %arg3[%get3A_12, %get3A_13] : memref<400x128xf32, #tpu.memory_space<vmem>>, vector<400x128xf32>
    %add3A_15 = arith.addf %add3A, %get3A_14 : vector<400x128xf32>
    %mul3A = vector.broadcast %get3A_1 : vector<400x1xf32> to vector<400x128xf32>
    %mul3A_16 = arith.mulf %add3A_15, %mul3A : vector<400x128xf32>
    %get3A_17 = arith.constant 0 : index
    %get3A_18 = arith.constant 0 : index
    %get3A_19 = vector.load %arg5[%get3A_17, %get3A_18] : memref<1x128xf32, #tpu.memory_space<vmem>>, vector<1x128xf32>
    %add3A_20 = vector.broadcast %get3A_19 : vector<1x128xf32> to vector<400x128xf32>
    %add3A_21 = arith.addf %mul3A_16, %add3A_20 : vector<400x128xf32>
    %max3A = arith.constant 0.000000e+00 : f32
    %max3A_22 = vector.broadcast %max3A : f32 to vector<400x128xf32>
    %max3A_23 = arith.maximumf %add3A_21, %max3A_22 : vector<400x128xf32>
    %get3A_24 = arith.constant 0 : index
    %get3A_25 = arith.constant 0 : index
    %get3A_26 = vector.load %arg6[%get3A_24, %get3A_25] : memref<128x64xf32, #tpu.memory_space<vmem>>, vector<128x64xf32>
    %dot_general3A = arith.constant dense<0.000000e+00> : vector<400x64xf32>
    %dot_general3A_27 = tpu.matmul %max3A_23, %get3A_26, %dot_general3A {dimension_numbers = #tpu.dot_dimension_numbers<[1], [0], [0], [1], [0, 0, 1, 1], [], []>, transpose_lhs_hint = false} : vector<400x128xf32>, vector<128x64xf32>, vector<400x64xf32> -> vector<400x64xf32>
    %mul3A_28 = vector.broadcast %get3A_1 : vector<400x1xf32> to vector<400x64xf32>
    %mul3A_29 = arith.mulf %dot_general3A_27, %mul3A_28 : vector<400x64xf32>
    %swap3A = arith.constant 0 : index
    %swap3A_30 = arith.constant 0 : index
    %swap3A_31 = vector.load %arg7[%swap3A, %swap3A_30] : memref<400x64xf32, #tpu.memory_space<vmem>>, vector<400x64xf32>
    tpu.vector_store %arg7[%swap3A, %swap3A_30], %mul3A_29 {strides = array<i32>} : memref<400x64xf32, #tpu.memory_space<vmem>>, vector<400x64xf32>,
    return
  }
  func.func @transform_0(%arg0: i32) -> (i32, i32, i32) {
    %c0_i32 = arith.constant 0 : i32
    %c0_i32_0 = arith.constant 0 : i32
    %c0_i32_1 = arith.constant 0 : i32
    return %c0_i32, %arg0, %c0_i32_0 : i32, i32, i32
  }
  func.func @transform_1(%arg0: i32) -> (i32, i32, i32) {
    %c1_i32 = arith.constant 1 : i32
    %c0_i32 = arith.constant 0 : i32
    %c0_i32_0 = arith.constant 0 : i32
    return %c1_i32, %arg0, %c0_i32 : i32, i32, i32
  }
  func.func @transform_2(%arg0: i32) -> (i32, i32) {
    %c0_i32 = arith.constant 0 : i32
    %c0_i32_0 = arith.constant 0 : i32
    return %arg0, %c0_i32 : i32, i32
  }
  func.func @transform_3(%arg0: i32) -> (i32, i32) {
    %c0_i32 = arith.constant 0 : i32
    %c0_i32_0 = arith.constant 0 : i32
    return %arg0, %c0_i32 : i32, i32
  }
  func.func @transform_4(%arg0: i32) -> (i32, i32) {
    %c0_i32 = arith.constant 0 : i32
    %c0_i32_0 = arith.constant 0 : i32
    %c0_i32_1 = arith.constant 0 : i32
    return %c0_i32, %c0_i32_0 : i32, i32
  }
  func.func @transform_5(%arg0: i32) -> (i32, i32) {
    %c0_i32 = arith.constant 0 : i32
    %c0_i32_0 = arith.constant 0 : i32
    %c0_i32_1 = arith.constant 0 : i32
    return %c0_i32, %c0_i32_0 : i32, i32
  }
  func.func @transform_6(%arg0: i32) -> (i32, i32) {
    %c0_i32 = arith.constant 0 : i32
    %c0_i32_0 = arith.constant 0 : i32
    return %arg0, %c0_i32 : i32, i32
  }
}

module attributes {stable_mosaic.version = 14 : i64} {
  func.func @_final_kernel(%arg0: i32, %arg1: memref<1x400x64xf32, #tpu.memory_space<vmem>>, %arg2: memref<1x400x64xf32, #tpu.memory_space<vmem>>, %arg3: memref<400x64xf32, #tpu.memory_space<vmem>>, %arg4: memref<400x1xf32, #tpu.memory_space<vmem>>, %arg5: memref<1x64xf32, #tpu.memory_space<vmem>>, %arg6: memref<400x64xf32, #tpu.memory_space<vmem>>) attributes {dimension_semantics = [#tpu.dimension_semantics<arbitrary>], iteration_bounds = array<i64: 25>, scalar_prefetch = 0 : i64, scratch_operands = 0 : i64, tpu.core_type = #tpu.core_type<tc>, window_params = [{transform_indices = @transform_0, window_bounds = array<i64: 1, 400, 64>}, {transform_indices = @transform_1, window_bounds = array<i64: 1, 400, 64>}, {transform_indices = @transform_2, window_bounds = array<i64: 400, 64>}, {transform_indices = @transform_3, window_bounds = array<i64: 400, 1>}, {pipeline_mode = #tpu.pipeline_mode<synchronous>, transform_indices = @transform_4, window_bounds = array<i64: 1, 64>}, {transform_indices = @transform_5, window_bounds = array<i64: 400, 64>}]} {
    %get3A = arith.constant 0 : index
    %get3A_0 = arith.constant 0 : index
    %get3A_1 = arith.constant 0 : index
    %get3A_2 = vector.load %arg1[%get3A, %get3A_0, %get3A_1] : memref<1x400x64xf32, #tpu.memory_space<vmem>>, vector<1x400x64xf32>
    %get3A_3 = vector.shape_cast %get3A_2 : vector<1x400x64xf32> to vector<400x64xf32>
    %get3A_4 = arith.constant 0 : index
    %get3A_5 = arith.constant 0 : index
    %get3A_6 = arith.constant 0 : index
    %get3A_7 = vector.load %arg2[%get3A_4, %get3A_5, %get3A_6] : memref<1x400x64xf32, #tpu.memory_space<vmem>>, vector<1x400x64xf32>
    %get3A_8 = vector.shape_cast %get3A_7 : vector<1x400x64xf32> to vector<400x64xf32>
    %add3A = arith.addf %get3A_3, %get3A_8 : vector<400x64xf32>
    %get3A_9 = arith.constant 0 : index
    %get3A_10 = arith.constant 0 : index
    %get3A_11 = vector.load %arg3[%get3A_9, %get3A_10] : memref<400x64xf32, #tpu.memory_space<vmem>>, vector<400x64xf32>
    %add3A_12 = arith.addf %add3A, %get3A_11 : vector<400x64xf32>
    %get3A_13 = arith.constant 0 : index
    %get3A_14 = arith.constant 0 : index
    %get3A_15 = vector.load %arg4[%get3A_13, %get3A_14] : memref<400x1xf32, #tpu.memory_space<vmem>>, vector<400x1xf32>
    %mul3A = vector.broadcast %get3A_15 : vector<400x1xf32> to vector<400x64xf32>
    %mul3A_16 = arith.mulf %add3A_12, %mul3A : vector<400x64xf32>
    %get3A_17 = arith.constant 0 : index
    %get3A_18 = arith.constant 0 : index
    %get3A_19 = vector.load %arg5[%get3A_17, %get3A_18] : memref<1x64xf32, #tpu.memory_space<vmem>>, vector<1x64xf32>
    %add3A_20 = vector.broadcast %get3A_19 : vector<1x64xf32> to vector<400x64xf32>
    %add3A_21 = arith.addf %mul3A_16, %add3A_20 : vector<400x64xf32>
    %swap3A = arith.constant 0 : index
    %swap3A_22 = arith.constant 0 : index
    %swap3A_23 = vector.load %arg6[%swap3A, %swap3A_22] : memref<400x64xf32, #tpu.memory_space<vmem>>, vector<400x64xf32>
    tpu.vector_store %arg6[%swap3A, %swap3A_22], %add3A_21 {strides = array<i32>} : memref<400x64xf32, #tpu.memory_space<vmem>>, vector<400x64xf32>,
    return
  }
  func.func @transform_0(%arg0: i32) -> (i32, i32, i32) {
    %c0_i32 = arith.constant 0 : i32
    %c0_i32_0 = arith.constant 0 : i32
    %c0_i32_1 = arith.constant 0 : i32
    return %c0_i32, %arg0, %c0_i32_0 : i32, i32, i32
  }
  func.func @transform_1(%arg0: i32) -> (i32, i32, i32) {
    %c1_i32 = arith.constant 1 : i32
    %c0_i32 = arith.constant 0 : i32
    %c0_i32_0 = arith.constant 0 : i32
    return %c1_i32, %arg0, %c0_i32 : i32, i32, i32
  }
  func.func @transform_2(%arg0: i32) -> (i32, i32) {
    %c0_i32 = arith.constant 0 : i32
    %c0_i32_0 = arith.constant 0 : i32
    return %arg0, %c0_i32 : i32, i32
  }
  func.func @transform_3(%arg0: i32) -> (i32, i32) {
    %c0_i32 = arith.constant 0 : i32
    %c0_i32_0 = arith.constant 0 : i32
    return %arg0, %c0_i32 : i32, i32
  }
  func.func @transform_4(%arg0: i32) -> (i32, i32) {
    %c0_i32 = arith.constant 0 : i32
    %c0_i32_0 = arith.constant 0 : i32
    %c0_i32_1 = arith.constant 0 : i32
    return %c0_i32, %c0_i32_0 : i32, i32
  }
  func.func @transform_5(%arg0: i32) -> (i32, i32) {
    %c0_i32 = arith.constant 0 : i32
    %c0_i32_0 = arith.constant 0 : i32
    return %arg0, %c0_i32 : i32, i32
  }
}

</mosaic_0001>

<sc_bundles>
// kernel: kernel.11.cloned.1.call-start
scs
__scs_entry_jumppad:
0x0: {  	(pc) =	sbr.rel $0x88, $3  }
0x1: {  	(tag) =	ssettag $0x0;
	lr =	simm.s32 $0x1  }
0x2: {  	[smem:$0x3F9B] =	sst lr;
	_ =	strace $0xD0000000  }
0x3: {  	_ = 	snop  }
0x4: {  	_ = 	snop  }
0x5: {  	_ = 	snop  }
0x6: {  	_ = 	snop  }
0x7: {  	_ = 	snop  }
__scs_overlays_trampoline_lowered:
0x8: {  	[smem:$0x3FAA] =	sst s0  }
0x9: {  	[smem:$0x3FAB] =	sst s1  }
0xa: {  	[smem:$0x3FAC] =	sst s2  }
0xb: {  	[smem:$0x3FAD] =	sst s3  }
0xc: {  	[smem:$0x3FAE] =	sst s4  }
0xd: {  	[smem:$0x3FAF] =	sst s5  }
0xe: {  	[smem:$0x3FB0] =	sst s6  }
0xf: {  	[smem:$0x3FB1] =	sst s7  }
0x10: {  	[smem:$0x3FB2] =	sst s8  }
0x11: {  	[smem:$0x3FB3] =	sst s9;
	s0 =	simm.s32 @!p0 $0x0  }
0x12: {  	s1 =	sld [smem:$0x3F99];
	s0 =	simm.s32 @p0 $0x1  }
0x13: {  	[smem:$0x3FB4] =	sst s0;
	s0 =	simm.s32 @!p1 $0x0  }
0x14: {  	s2 =	sld [smem:$0x3F98];
	s0 =	simm.s32 @p1 $0x1  }
0x15: {  	[smem:$0x3FB5] =	sst s0;
	s0 =	simm.s32 @!p2 $0x0  }
0x16: {  	s3 =	sld [smem:$0x3FDB];
	s0 =	simm.s32 @p2 $0x1  }
0x17: {  	s4 =	simm.s32 $0x1BF5;
	[smem:$0x3FB7] =	sst s0  }
0x18: {  	s0 =	sld [smem:$0x3F9A];
	_ =	swait.ge [sflag:s4], $0x0  }
0x19: {  	s7 =	sld [smem:$0x3F9B]  }
0x1a: {  	s8 =	sadd.s32 $0xFFFFE003, lr  }
0x1b: {  	s9 =	sadd.s32 $0xFFFFFEF7, lr;
	s5 =	simm.s32 $0xFFFFFFFF;
	p2 =	slt.u32 s8, $0xFFFFF086  }
0x1c: {  	p1 =	slt.u32 s9, $0xF7A;
	s5 =	simm.s32 @!p2 $0x0  }
0x1d: {  	s5 =	simm.s32 @p1 $0x1;
	p0 =	seq.s32 s7, s2  }
0x1e: {  	s7 =	smul.u32 @!p0 $0xF7A, s2;
	p2 =	seq.s32 @!p0 s5, $0x0  }
0x1f: {  	s9 =	smul.u32 $0xF7A, s1;
	s8 =	simm.s32 @!p0 $0x1BF5;
	p2 =	por !p2, p0  }
0x20: {  	[sflag:s8] =	ssyncset.s32 @!p0 $0xFFFFF086;
	s6 =	sadd.s32 @!p0 s3, s7;
	s7 =	simm.s32 @!p0 $0x108  }
0x21: {  	s3 =	sadd.s32 s3, s9;
	s6 =	sadd.s32 @!p0 $0x88, s6;
	s7 =	simm.s32 @p2 $0x1082  }
0x22: {  	[simem:s7], [sflag:s8] =	dma.local @!p0 [hbm:s6], $0xF7A  }
0x23: {  	s9 =	sor.u32 $0xD0000000, s2;
	s6 =	simm.s32 $0x108;
	_ =	swait.ge @!p0 [sflag:s8], $0x0  }
0x24: {  	s3 =	sadd.s32 $0x88, s3;
	s6 =	simm.s32 @!p1 $0x1082;
	[sflag:s4] =	ssyncset.s32 $0xFFFFF086  }
0x25: {  	[simem:s6], [sflag:s4] =	dma.local [hbm:s3], $0xF7A  }
0x26: {  	[smem:$0x3F9B] =	sst s1;
	(tag) =	ssettag s2;
	_ =	strace s9  }
0x27: {  	s1 =	sld [smem:$0x3FAB]  }
0x28: {  	s2 =	sld [smem:$0x3FAC]  }
0x29: {  	s4 =	sld [smem:$0x3FAE]  }
0x2a: {  	p0 =	seq.s32 s5, $0x0;
	s5 =	sld [smem:$0x3FAF]  }
0x2b: {  	s6 =	sld [smem:$0x3FB0]  }
0x2c: {  	s7 =	sld [smem:$0x3FB1]  }
0x2d: {  	s3 =	simm.s32 $0x108;
	s8 =	sld [smem:$0x3FB2]  }
0x2e: {  	s3 =	simm.s32 @!p0 $0x1082;
	s9 =	sld [smem:$0x3FB3]  }
0x2f: {  	lr =	sadd.s32 s0, s3;
	s0 =	sld [smem:$0x3FAA]  }
0x30: {  	s3 =	sld [smem:$0x3FAD]  }
0x31: {  	[smem:$0x3FB6] =	sst s10  }
0x32: {  	s10 =	sld [smem:$0x3FB4];
	_ =	sdelay $0x3  }
0x33: {  	p0 =	seq.s32 s10, $0x1;
	s10 =	sld [smem:$0x3FB6];
	_ =	sdelay $0x3  }
0x34: {  	[smem:$0x3FB6] =	sst s10  }
0x35: {  	s10 =	sld [smem:$0x3FB5];
	_ =	sdelay $0x3  }
0x36: {  	p1 =	seq.s32 s10, $0x1;
	s10 =	sld [smem:$0x3FB6];
	_ =	sdelay $0x3  }
0x37: {  	[smem:$0x3FB6] =	sst s10  }
0x38: {  	s10 =	sld [smem:$0x3FB7]  }
0x39: {  	_ = 	snop;
	(pc) =	sbr.ind lr, $3  }
0x3a: {  	_ = 	snop  }
0x3b: {  	_ = 	snop  }
0x3c: {  	p2 =	seq.s32 s10, $0x1;
	s10 =	sld [smem:$0x3FB6]  }
0x3d: {  	_ =	shalt  }
0x3e: {  	_ =	shalt  }
0x3f: {  	_ =	shalt  }
0x40: {  	_ =	shalt  }
0x41: {  	_ =	shalt  }
0x42: {  	_ =	shalt  }
0x43: {  	_ =	shalt  }
0x44: {  	_ =	shalt  }
0x45: {  	_ =	shalt  }
0x46: {  	_ =	shalt  }
0x47: {  	_ =	shalt  }
0x48: {  	_ =	shalt  }
0x49: {  	_ =	shalt  }
0x4a: {  	_ =	shalt  }
0x4b: {  	_ =	shalt  }
0x4c: {  	_ =	shalt  }
0x4d: {  	_ =	shalt  }
0x4e: {  	_ =	shalt  }
0x4f: {  	_ =	shalt  }
0x50: {  	_ =	shalt  }
0x51: {  	_ =	shalt  }
0x52: {  	_ =	shalt  }
0x53: {  	_ =	shalt  }
0x54: {  	_ =	shalt  }
0x55: {  	_ =	shalt  }
0x56: {  	_ =	shalt  }
0x57: {  	_ =	shalt  }
0x58: {  	_ =	shalt  }
0x59: {  	_ =	shalt  }
0x5a: {  	_ =	shalt  }
0x5b: {  	_ =	shalt  }
0x5c: {  	_ =	shalt  }
0x5d: {  	_ =	shalt  }
0x5e: {  	_ =	shalt  }
0x5f: {  	_ =	shalt  }
0x60: {  	_ =	shalt  }
0x61: {  	_ =	shalt  }
0x62: {  	_ =	shalt  }
0x63: {  	_ =	shalt  }
0x64: {  	_ =	shalt  }
0x65: {  	_ =	shalt  }
0x66: {  	_ =	shalt  }
0x67: {  	_ =	shalt  }
0x68: {  	_ =	shalt  }
0x69: {  	_ =	shalt  }
0x6a: {  	_ =	shalt  }
0x6b: {  	_ =	shalt  }
0x6c: {  	_ =	shalt  }
0x6d: {  	_ =	shalt  }
0x6e: {  	_ =	shalt  }
0x6f: {  	_ =	shalt  }
0x70: {  	_ =	shalt  }
0x71: {  	_ =	shalt  }
0x72: {  	_ =	shalt  }
0x73: {  	_ =	shalt  }
0x74: {  	_ =	shalt  }
0x75: {  	_ =	shalt  }
0x76: {  	_ =	shalt  }
0x77: {  	_ =	shalt  }
0x78: {  	_ =	shalt  }
0x79: {  	_ =	shalt  }
0x7a: {  	_ =	shalt  }
0x7b: {  	_ =	shalt  }
0x7c: {  	_ =	shalt  }
0x7d: {  	_ =	shalt  }
0x7e: {  	_ =	shalt  }
0x7f: {  	_ =	shalt  }
0x80: {  	_ =	shalt  }
0x81: {  	_ =	shalt  }
0x82: {  	_ =	shalt  }
0x83: {  	_ =	shalt  }
0x84: {  	_ =	shalt  }
0x85: {  	_ =	shalt  }
0x86: {  	_ =	shalt  }
0x87: {  	_ =	shalt  }
.Lfunc_end0:
.L_simem_size_0:
called_computation.1_lowered:
.L_overlay_start_0:
0x88: {  	s2 =	sld [smem:$0x3FD9]  }
0x89: {  	s3 =	sld [smem:$0x3FFE];
	_ =	sdelay $0x1  }
0x8a: {  	s1 =	srdreg.scid  }
0x8b: {  	s0 =	sand.u32 $0x1, s1  }
0x8c: {  	s17 =	sshll.u32 s0, $0xA;
	s2 =	sadd.s32 s3, s2  }
0x8d: {  	s2 =	sadd.s32 s2, s17  }
0x8e: {  	[smem:$0x3FC2] =	sst s2  }
0x8f: {  	_ = 	snop  }
0x90: {  	s2 =	sld [smem:$0x3FD0];
	(tm) =	ssettm $0x1  }
0x91: {  	s18 =	sld [smem:$0x3FFB];
	_ =	sdelay $0x3  }
0x92: {  	_ =	strace s18  }
0x93: {  	s3 =	sld [smem:$0x3FFC];
	_ =	sdelay $0x3  }
0x94: {  	_ =	strace s3  }
0x95: {  	s3 =	sld [smem:$0x3FFD];
	_ =	sdelay $0x3  }
0x96: {  	_ =	strace s3  }
0x97: {  	_ =	strace $0x8FFFFFFF  }
0x98: {  	s19 =	sld [smem:$0x3FDB];
	_ =	sdelay $0x1  }
0x99: {  	s4 =	simm.s32 $_scs_section_size  }
0x9a: {  	s5 =	simm.s32 $_size__tile_overlayer_lowered;
	s6 =	simm.s32 $_tile_overlayer_lowered  }
0x9b: {  	s22 =	simm.s32 $0x1BFF;
	s21 =	sshll.u32 s6, $0x1;
	s3 =	sadd.s32 s4, s19  }
0x9c: {  	s7 =	simm.s32 $0x0;
	s20 =	sshll.u32 s5, $0x1;
	s5 =	sadd.s32 s21, s3  }
0x9d: {  	[timem:s7], [sflag:s22] =	dma.local [hbm:s5], s20  }
0x9e: {  	_ =	swait.ge [sflag:s22], s20  }
0x9f: {  	s4 =	ssub.s32 $0x0, s20;
	[sflag:s22] =	ssyncset.done $0x0  }
0xa0: {  	[sflag:s22] =	ssyncadd.s32 s4;
	_ =	sdelay $0x1  }
0xa1: {  	s23 =	simm.s32 $0x1B8B  }
0xa2: {  	_ =	swait.ge [sflag:s23], $0x1  }
0xa3: {  	[sflag:s23] =	ssyncset.done $0x0  }
0xa4: {  	s25 =	simm.s32 $0x1B8E;
	s24 =	sld [smem:$0x3FFE];
	[sflag:s23] =	ssyncadd.s32 $0xFFFFFFFF  }
0xa5: {  	s26 =	simm.s32 $execute0_lowered;
	[smem:$0x3FD2] =	sst s25  }
0xa6: {  	s5 =	sshll.u32 s26, $0x1;
	_ =	strace $0x80000049;
	[dreg:$0x1] =	wrdreg $0xFFFFFFFF  }
0xa7: {  	s28 =	simm.s32 $_size_execute0_lowered;
	s3 =	sadd.s32 s3, s5;
	[dreg:$0x0] =	wrdreg $0x0  }
0xa8: {  	s5 =	sshll.u32 s28, $0x1;
	[dreg:$0x2] =	wrdreg s3  }
0xa9: {  	[dreg:$0x3] =	wrdreg s5  }
0xaa: {  	[dreg:$0x4] =	wrdreg $0xC0  }
0xab: {  	_ =	task [dreg:s7], $0x5FFFF  }
0xac: {  	[dreg:$0x1] =	wrdreg $0xFFFFFFFF  }
0xad: {  	[dreg:$0x0] =	wrdreg $0x60  }
0xae: {  	[dreg:$0x2] =	wrdreg s24  }
0xaf: {  	[dreg:$0x3] =	wrdreg s2  }
0xb0: {  	[dreg:$0x4] =	wrdreg $0xA8000  }
0xb1: {  	[dreg:$0x5] =	wrdreg $0x9  }
0xb2: {  	_ =	task.clear_ibuf [dreg:s7], $0x6FFFF;
	_ =	strace $0x90000049  }
0xb3: {  	s29 =	simm.s32 $0x9;
	_ =	strace $0x8000004B  }
0xb4: {  	_ =	swait.ge [sflag:s29], $0x1  }
0xb5: {  	[sflag:s29] =	ssyncadd.s32 $0xFFFFFFFF  }
0xb6: {  	_ =	strace $0x9000004B  }
0xb7: {  	_ =	sfence  }
0xb8: {  	s30 =	sld [smem:$0x0];
	_ =	sdelay $0x2  }
0xb9: {  	s31 =	sshll.u32 s1, $0xD;
	s1 =	sshrl.u32 s1, $0x2  }
0xba: {  	s3 =	sand.u32 $0x4000, s31;
	s1 =	sadd.s32 s1, s30  }
0xbb: {  	s0 =	sor.u32 s3, s0;
	s1 =	sshll.u32 s1, $0x11  }
0xbc: {  	s0 =	sor.u32 s1, s0  }
0xbd: {  	s0 =	sadd.s32 $0x8F2B, s0  }
0xbe: {  	[sflag:s0] =	ssyncadd.remote.s32 $0x1  }
0xbf: {  	_ =	sfence.sel $0xFFFF  }
0xc0: {  	[dreg:$0x0] =	wrdreg $0xFFFFFFFF;
	(pc) =	sbr.abs _section_cstart, $3  }
0xc1: {  	[dreg:$0x1] =	wrdreg $0xFFFFFFFF  }
0xc2: {  	_ =	task.clear_ibuf [dreg:s7], $0x2FFFF;
	_ =	strace $0x9FFFFFFF  }
0xc3: {  	(tm) =	ssettm $0x7FFFFFFF  }
tec
execute0_lowered:
.L_overlay_start_1:
0x0: {  	(tag) =	ssettag $0x1  }
0x1: {  	s0 =	rddreg [dreg:$0x0]  }
0x2: {  	s3 =	rddreg [dreg:$0x2]  }
0x3: {  	s1 =	srdreg.scid;
	s8 =	stileid.u32  }
0x4: {  	s4 =	simm.s32 $0x0;
	s12 =	simm.s32 $0x3;
	s13 =	simm.s32 $0x1400  }
0x5: {  	s14 =	simm.s32 $0x20;
	s15 =	simm.s32 $0x2800;
	s16 =	simm.s32 $0x3800  }
0x6: {  	s18 =	simm.s32 $0x4800;
	s20 =	simm.s32 $0x5800;
	s22 =	simm.s32 $0x6800  }
0x7: {  	s28 =	simm.s32 $0x1;
	s30 =	simm.s32 $0x9800;
	s31 =	simm.s32 $0x2  }
0x8: {  	s1 =	sand.u32 $0x1, s1;
	s2 =	sshll.u32 s8, $0x1;
	s7 =	smul.u32 $0x14000, s8  }
0x9: {  	[smem:$0x7FF] =	sst s4;
	s5 =	sadd.s32 $0xB600, s0;
	s24 =	smul.u32 $0x50000, s8  }
0xa: {  	s26 =	sshll.u32 s8, $0x6;
	s6 =	smul.u32 $0x140000, s1;
	s2 =	sor.u32 s1, s2  }
0xb: {  	_ =	strace $0x8000004A;
	s1 =	ssub.s32 $0x2, s1;
	s2 =	smul.u32 $0x280, s2  }
0xc: {  	s25 =	sshrl.u32 s1, $0x1;
	s6 =	sadd.s32 s7, s6;
	s7 =	sshrl.u32 s24, $0x2  }
0xd: {  	s1 =	ssub.s32 s1, s25;
	s24 =	simm.s32 $0x7800;
	s25 =	simm.s32 $0x0  }
0xe: {  	s2 =	sadd.s32 s2, s0;
	s6 =	sshrl.u32 s6, $0x3;
	s11 =	sadd.s32 s7, s3  }
0xf: {  	s10 =	smax.u32 s1, $0x1;
	s0 =	sadd.s32 s6, s0;
	s6 =	sor.u32 $0x1C03, s26  }
0x10: {  	s29 =	sadd.s32 $0x6600, s2;
	s8 =	sadd.s32 $0x1600, s2;
	s11 =	sshrl.u32 s11, $0x3  }
0x11: {  	s26 =	simm.s32 $0x8800;
	[dreg:$0x4] =	wrdreg s29;
	s9 =	sadd.s32 $0x32800, s0  }
.LBB2_1:
0x12: {  	s0 =	rddreg [dreg:$0x1]  }
0x13: {  	[spmem:s11], [sflag:s6] =	dma.local [hbm:s0], $0x2800  }
0x14: {  	_ =	swait.ge [sflag:s12], $0x2800  }
0x15: {  	[sflag:s12] =	ssyncset.done $0x0  }
0x16: {  	s19 =	rddreg [dreg:$0x4];
	[sflag:s12] =	ssyncadd.s32 $0xFFFFD800  }
0x17: {  	[tilespmem:s4], [sflag:$0x3] =	stream.linear.gather [hbm4b:s19+s4], $0x1400, $0x38;
	[tilespmem:$0x1E800] =	vst v63  }
0x18: {  	_ =	swait.ge [sflag:s12], $0x1400  }
0x19: {  	[sflag:s12] =	ssyncset.done $0x0  }
0x1a: {  	[sflag:s12] =	ssyncadd.s32 $0xFFFFEC00  }
0x1b: {  	[tilespmem:s13], [sflag:$0x3] =	stream.linear.gather [hbm4b:s8+s4], $0x1400, $0x38;
	[tilespmem:$0x1E800] =	vst v63  }
0x1c: {  	_ =	swait.ge [sflag:s12], $0x1400  }
0x1d: {  	[sflag:s12] =	ssyncset.done $0x0  }
0x1e: {  	[sflag:s12] =	ssyncadd.s32 $0xFFFFEC00  }
0x1f: {  	[bflag:$0x0] =	sbarrier.arrive $0xFFFF  }
0x20: {  	[tilespmem:s15], [sflag:$0x1] =	stream.indirect.gather [hbm4b:s5+s14], $0x80, s4, s14, $0xb8;
	[tilespmem:$0x1E800] =	vst v63  }
0x21: {  	_ = 	snop  }
0x22: {  	[tilespmem:s16], [sflag:$0x1] =	stream.indirect.gather [hbm4b:s5+s14], $0x80, s14, s14, $0xb8;
	[tilespmem:$0x1E800] =	vst v63  }
0x23: {  	s21 =	simm.s32 $0x40  }
0x24: {  	[tilespmem:s18], [sflag:$0x1] =	stream.indirect.gather [hbm4b:s5+s14], $0x80, s21, s14, $0xb8;
	[tilespmem:$0x1E800] =	vst v63  }
0x25: {  	s23 =	simm.s32 $0x60  }
0x26: {  	[tilespmem:s20], [sflag:$0x1] =	stream.indirect.gather [hbm4b:s5+s14], $0x80, s23, s14, $0xb8;
	[tilespmem:$0x1E800] =	vst v63  }
0x27: {  	s1 =	simm.s32 $0x80  }
0x28: {  	[tilespmem:s22], [sflag:$0x1] =	stream.indirect.gather [hbm4b:s5+s14], $0x80, s1, s14, $0xb8;
	[tilespmem:$0x1E800] =	vst v63  }
0x29: {  	s2 =	simm.s32 $0xA0  }
0x2a: {  	[tilespmem:s24], [sflag:$0x1] =	stream.indirect.gather [hbm4b:s5+s14], $0x80, s2, s14, $0xb8;
	[tilespmem:$0x1E800] =	vst v63  }
0x2b: {  	s7 =	simm.s32 $0xC0;
	s19 =	simm.s32 $0x80  }
0x2c: {  	[tilespmem:s26], [sflag:$0x1] =	stream.indirect.gather [hbm4b:s5+s14], $0x80, s7, s14, $0xb8;
	[tilespmem:$0x1E800] =	vst v63  }
0x2d: {  	s17 =	simm.s32 $0xE0;
	s0 =	sand.u32 $0x7E00, s19;
	_ =	swait.ge [sflag:s28], $0x1000  }
0x2e: {  	s29 =	simm.s32 $0x120;
	s0 =	sshrl.u32 s0, $0x2;
	[sflag:s28] =	ssyncset.done $0x0  }
0x2f: {  	s21 =	simm.s32 $0x400;
	s2 =	simm.s32 $0x4000;
	[sflag:s28] =	ssyncadd.s32 $0xFFFFF000  }
0x30: {  	[spmem:s3] =	stream.indirect.scatter.add.f32 [tilespmem:s15], [sflag:$0x2], $0x80, s13, s14, $0xb8;
	[tilespmem:$0x1E800] =	vst v63  }
0x31: {  	s23 =	simm.s32 $0x20000;
	s1 =	simm.s32 $0x100;
	s2 =	sand.u32 $0x1C000, s2  }
0x32: {  	[tilespmem:s30], [sflag:$0x1] =	stream.indirect.gather [hbm4b:s5+s14], $0x80, s17, s14, $0xb8;
	[tilespmem:$0x1E800] =	vst v63  }
0x33: {  	s1 =	sand.u32 $0x60, s1;
	s2 =	sshrl.u32 s2, $0x2;
	s17 =	simm.s32 $0x20  }
0x34: {  	s2 =	sadd.s32 $0x2800, s2;
	_ =	swait.ge [sflag:s28], $0x1000;
	s17 =	sand.u32 $0x60, s17  }
0x35: {  	[sflag:s28] =	ssyncset.done $0x0;
	s0 =	sor.u32 s17, s0;
	s17 =	sand.u32 $0x1C000, s23  }
0x36: {  	[sflag:s28] =	ssyncadd.s32 $0xFFFFF000;
	s0 =	sadd.s32 $0x1400, s0;
	s17 =	sshrl.u32 s17, $0x2  }
0x37: {  	[spmem:s3] =	stream.indirect.scatter.add.f32 [tilespmem:s2], [sflag:$0x2], $0x80, s0, s14, $0xb8;
	[tilespmem:$0x1E800] =	vst v63  }
0x38: {  	s0 =	simm.s32 $0x480;
	s2 =	sand.u32 $0xFE00, s21;
	_ =	swait.ge [sflag:s31], $0x1000  }
0x39: {  	s17 =	sadd.s32 $0x2800, s17;
	s2 =	sshrl.u32 s2, $0x2;
	[sflag:s31] =	ssyncset.done $0x0  }
0x3a: {  	s2 =	sor.u32 s1, s2;
	s1 =	simm.s32 $0x24000;
	[sflag:s31] =	ssyncadd.s32 $0xFFFFF000  }
.LBB2_2:
0x3b: {  	[tilespmem:s17], [sflag:$0x1] =	stream.indirect.gather [hbm4b:s5+s14], $0x80, s2, s14, $0xb8;
	[tilespmem:$0x1E800] =	vst v63  }
0x3c: {  	p0 =	sne.s32 s29, $0x13E0;
	s2 =	smov.u32 s29;
	s29 =	sadd.s32 $0x20, s29  }
0x3d: {  	s17 =	smov.u32 s0;
	s19 =	smov.u32 s1  }
0x3e: {  	s0 =	sadd.s32 $0x80, s0;
	s1 =	sadd.s32 $0x4000, s1;
	s21 =	sadd.s32 $0xFFFFFC80, s17  }
0x3f: {  	s23 =	sand.u32 $0x60, s2;
	s7 =	sadd.s32 $0xFFFE4000, s19;
	_ =	swait.ge [sflag:s28], $0x1000  }
0x40: {  	s2 =	sadd.s32 $0xFFFFFF20, s2;
	s21 =	sand.u32 $0x7E00, s21;
	s7 =	sand.u32 $0x1C000, s7  }
0x41: {  	s2 =	sand.u32 $0x60, s2;
	s21 =	sshrl.u32 s21, $0x2;
	s7 =	sshrl.u32 s7, $0x2  }
0x42: {  	s2 =	sor.u32 s2, s21;
	s7 =	sadd.s32 $0x2800, s7;
	[sflag:s28] =	ssyncset.done $0x0  }
.Ltmp0:
0x43: {  	s2 =	sadd.s32 $0x1400, s2;
	[sflag:s28] =	ssyncadd.s32 $0xFFFFF000;
	(pc) =	sbr.rel @p0 .LBB2_2-.Ltmp0, $4  }
0x44: {  	[spmem:s3] =	stream.indirect.scatter.add.f32 [tilespmem:s7], [sflag:$0x2], $0x80, s2, s14, $0xb8;
	[tilespmem:$0x1E800] =	vst v63  }
0x45: {  	s2 =	sand.u32 $0x1C000, s19;
	s7 =	sand.u32 $0xFE00, s17;
	_ =	swait.ge [sflag:s31], $0x1000  }
0x46: {  	s2 =	sshrl.u32 s2, $0x2;
	s7 =	sshrl.u32 s7, $0x2;
	[sflag:s31] =	ssyncset.done $0x0  }
0x47: {  	s17 =	sadd.s32 $0x2800, s2;
	s2 =	sor.u32 s23, s7;
	[sflag:s31] =	ssyncadd.s32 $0xFFFFF000  }
0x48: {  	[tilespmem:s17], [sflag:$0x1] =	stream.indirect.gather [hbm4b:s5+s14], $0x80, s2, s14, $0xb8;
	[tilespmem:$0x1E800] =	vst v63  }
0x49: {  	_ =	swait.ge [sflag:s28], $0x1000  }
0x4a: {  	[sflag:s28] =	ssyncset.done $0x0  }
0x4b: {  	s0 =	simm.s32 $0x2720;
	[sflag:s28] =	ssyncadd.s32 $0xFFFFF000  }
0x4c: {  	[spmem:s3] =	stream.indirect.scatter.add.f32 [tilespmem:s16], [sflag:$0x2], $0x80, s0, s14, $0xb8;
	[tilespmem:$0x1E800] =	vst v63  }
0x4d: {  	_ =	swait.ge [sflag:s31], $0x1000  }
0x4e: {  	[sflag:s31] =	ssyncset.done $0x0  }
0x4f: {  	[sflag:s31] =	ssyncadd.s32 $0xFFFFF000  }
0x50: {  	_ =	swait.ge [sflag:s28], $0x1000  }
0x51: {  	[sflag:s28] =	ssyncset.done $0x0  }
0x52: {  	s7 =	simm.s32 $0x2740;
	[sflag:s28] =	ssyncadd.s32 $0xFFFFF000  }
0x53: {  	[spmem:s3] =	stream.indirect.scatter.add.f32 [tilespmem:s18], [sflag:$0x2], $0x80, s7, s14, $0xb8;
	[tilespmem:$0x1E800] =	vst v63  }
0x54: {  	_ =	swait.ge [sflag:s31], $0x1000  }
0x55: {  	[sflag:s31] =	ssyncset.done $0x0  }
0x56: {  	[sflag:s31] =	ssyncadd.s32 $0xFFFFF000  }
0x57: {  	_ =	swait.ge [sflag:s28], $0x1000  }
0x58: {  	[sflag:s28] =	ssyncset.done $0x0  }
0x59: {  	s17 =	simm.s32 $0x2760;
	[sflag:s28] =	ssyncadd.s32 $0xFFFFF000  }
0x5a: {  	[spmem:s3] =	stream.indirect.scatter.add.f32 [tilespmem:s20], [sflag:$0x2], $0x80, s17, s14, $0xb8;
	[tilespmem:$0x1E800] =	vst v63  }
0x5b: {  	_ =	swait.ge [sflag:s31], $0x1000  }
0x5c: {  	[sflag:s31] =	ssyncset.done $0x0  }
0x5d: {  	[sflag:s31] =	ssyncadd.s32 $0xFFFFF000  }
0x5e: {  	_ =	swait.ge [sflag:s28], $0x1000  }
0x5f: {  	[sflag:s28] =	ssyncset.done $0x0  }
0x60: {  	s19 =	simm.s32 $0x2780;
	[sflag:s28] =	ssyncadd.s32 $0xFFFFF000  }
0x61: {  	[spmem:s3] =	stream.indirect.scatter.add.f32 [tilespmem:s22], [sflag:$0x2], $0x80, s19, s14, $0xb8;
	[tilespmem:$0x1E800] =	vst v63  }
0x62: {  	_ =	swait.ge [sflag:s31], $0x1000  }
0x63: {  	[sflag:s31] =	ssyncset.done $0x0  }
0x64: {  	[sflag:s31] =	ssyncadd.s32 $0xFFFFF000  }
0x65: {  	_ =	swait.ge [sflag:s28], $0x1000  }
0x66: {  	[sflag:s28] =	ssyncset.done $0x0  }
0x67: {  	s21 =	simm.s32 $0x27A0;
	[sflag:s28] =	ssyncadd.s32 $0xFFFFF000  }
0x68: {  	[spmem:s3] =	stream.indirect.scatter.add.f32 [tilespmem:s24], [sflag:$0x2], $0x80, s21, s14, $0xb8;
	[tilespmem:$0x1E800] =	vst v63  }
0x69: {  	_ =	swait.ge [sflag:s31], $0x1000  }
0x6a: {  	[sflag:s31] =	ssyncset.done $0x0  }
0x6b: {  	[sflag:s31] =	ssyncadd.s32 $0xFFFFF000  }
0x6c: {  	_ =	swait.ge [sflag:s28], $0x1000  }
0x6d: {  	[sflag:s28] =	ssyncset.done $0x0  }
0x6e: {  	s23 =	simm.s32 $0x27C0;
	[sflag:s28] =	ssyncadd.s32 $0xFFFFF000  }
0x6f: {  	[spmem:s3] =	stream.indirect.scatter.add.f32 [tilespmem:s26], [sflag:$0x2], $0x80, s23, s14, $0xb8;
	[tilespmem:$0x1E800] =	vst v63  }
0x70: {  	_ =	swait.ge [sflag:s31], $0x1000  }
0x71: {  	[sflag:s31] =	ssyncset.done $0x0  }
0x72: {  	[sflag:s31] =	ssyncadd.s32 $0xFFFFF000  }
0x73: {  	_ =	swait.ge [sflag:s28], $0x1000  }
0x74: {  	[sflag:s28] =	ssyncset.done $0x0  }
0x75: {  	s29 =	simm.s32 $0x27E0;
	[sflag:s28] =	ssyncadd.s32 $0xFFFFF000  }
0x76: {  	[spmem:s3] =	stream.indirect.scatter.add.f32 [tilespmem:s30], [sflag:$0x2], $0x80, s29, s14, $0xb8;
	[tilespmem:$0x1E800] =	vst v63  }
0x77: {  	_ =	swait.ge [sflag:s31], $0x1000  }
0x78: {  	[sflag:s31] =	ssyncset.done $0x0  }
0x79: {  	[sflag:s31] =	ssyncadd.s32 $0xFFFFF000  }
0x7a: {  	_ =	swait.ge [sflag:s31], $0x1000  }
0x7b: {  	s25 =	sadd.s32 $0x1, s25;
	[sflag:s31] =	ssyncset.done $0x0  }
0x7c: {  	p0 =	sne.s32 s25, s10;
	[sflag:s31] =	ssyncadd.s32 $0xFFFFF000  }
.Ltmp1:
0x7d: {  	[bflag:$0x0] =	sbarrier.arrive $0xFFFF;
	(pc) =	sbr.rel @p0 .LBB2_1-.Ltmp1, $4  }
0x7e: {  	[hbm:s9], [sflag:s6] =	dma.local [spmem:s11], $0x2800  }
0x7f: {  	_ =	swait.ge [sflag:s12], $0x2800  }
0x80: {  	[sflag:s12] =	ssyncset.done $0x0  }
0x81: {  	[sflag:s12] =	ssyncadd.s32 $0xFFFFD800  }
0x82: {  	_ =	sfence.sel $0x180000  }
0x83: {  	[bflag:$0x0] =	sbarrier.arrive $0xFFFF  }
0x84: {  	_ =	strace $0x9000004A  }
0x85: {  	s0 =	stileid.u32;
	[bflag:$0x2] =	sbarrier.arrive $0xFFFF  }
0x86: {  	p0 =	sne.s32 s0, $0x0;
	s0 =	rddreg [dreg:$0x3]  }
0x87: {  	s0 =	sadd.s32 @!p0 $0x100000, s0  }
0x88: {  	[sflag:s0] =	ssyncadd.tile.s32 @!p0 $0x1;
	_ =	shalt  }
.Lfunc_end2:
_tile_overlayer_lowered:
.L_overlay_start_2:
0x89: {  	(tag) =	ssettag $0x2  }
0x8a: {  	s0 =	rddreg [dreg:$0x0];
	s2 =	stileid.u32  }
0x8b: {  	s1 =	rddreg [dreg:$0x1];
	p0 =	sne.s32 s2, $0x0  }
0x8c: {  	s3 =	rddreg [dreg:$0x2];
	[bflag:$0x3] =	sbarrier.arrive $0xFFFF;
	s2 =	simm.s32 @!p0 $0x1C03  }
0x8d: {  	[timem:s3], [sflag:s2] =	dma.local @!p0 [hbm:s0], s1  }
0x8e: {  	s0 =	simm.s32 @!p0 $0x3  }
0x8f: {  	_ =	swait.ge @!p0 [sflag:s0], s1  }
0x90: {  	s1 =	ssub.s32 @!p0 $0x0, s1;
	[sflag:s0] =	ssyncset.done @!p0 $0x0  }
0x91: {  	[sflag:s0] =	ssyncadd.s32 @!p0 s1  }
0x92: {  	[bflag:$0x3] =	sbarrier.arrive $0xFFFF  }
0x93: {  	_ =	shalt  }

// kernel: kernel.14.cloned.1.call-start
scs
__scs_entry_jumppad:
0x0: {  	(pc) =	sbr.rel $0x88, $3  }
0x1: {  	(tag) =	ssettag $0x0;
	lr =	simm.s32 $0x1  }
0x2: {  	[smem:$0x3F9B] =	sst lr;
	_ =	strace $0xD0000000  }
0x3: {  	_ = 	snop  }
0x4: {  	_ = 	snop  }
0x5: {  	_ = 	snop  }
0x6: {  	_ = 	snop  }
0x7: {  	_ = 	snop  }
__scs_overlays_trampoline_lowered:
0x8: {  	[smem:$0x3FAA] =	sst s0  }
0x9: {  	[smem:$0x3FAB] =	sst s1  }
0xa: {  	[smem:$0x3FAC] =	sst s2  }
0xb: {  	[smem:$0x3FAD] =	sst s3  }
0xc: {  	[smem:$0x3FAE] =	sst s4  }
0xd: {  	[smem:$0x3FAF] =	sst s5  }
0xe: {  	[smem:$0x3FB0] =	sst s6  }
0xf: {  	[smem:$0x3FB1] =	sst s7  }
0x10: {  	[smem:$0x3FB2] =	sst s8  }
0x11: {  	[smem:$0x3FB3] =	sst s9;
	s0 =	simm.s32 @!p0 $0x0  }
0x12: {  	s1 =	sld [smem:$0x3F99];
	s0 =	simm.s32 @p0 $0x1  }
0x13: {  	[smem:$0x3FB4] =	sst s0;
	s0 =	simm.s32 @!p1 $0x0  }
0x14: {  	s2 =	sld [smem:$0x3F98];
	s0 =	simm.s32 @p1 $0x1  }
0x15: {  	[smem:$0x3FB5] =	sst s0;
	s0 =	simm.s32 @!p2 $0x0  }
0x16: {  	s3 =	sld [smem:$0x3FDB];
	s0 =	simm.s32 @p2 $0x1  }
0x17: {  	s4 =	simm.s32 $0x1BF5;
	[smem:$0x3FB7] =	sst s0  }
0x18: {  	s0 =	sld [smem:$0x3F9A];
	_ =	swait.ge [sflag:s4], $0x0  }
0x19: {  	s7 =	sld [smem:$0x3F9B]  }
0x1a: {  	s8 =	sadd.s32 $0xFFFFE003, lr  }
0x1b: {  	s9 =	sadd.s32 $0xFFFFFEF7, lr;
	s5 =	simm.s32 $0xFFFFFFFF;
	p2 =	slt.u32 s8, $0xFFFFF086  }
0x1c: {  	p1 =	slt.u32 s9, $0xF7A;
	s5 =	simm.s32 @!p2 $0x0  }
0x1d: {  	s5 =	simm.s32 @p1 $0x1;
	p0 =	seq.s32 s7, s2  }
0x1e: {  	s7 =	smul.u32 @!p0 $0xF7A, s2;
	p2 =	seq.s32 @!p0 s5, $0x0  }
0x1f: {  	s9 =	smul.u32 $0xF7A, s1;
	s8 =	simm.s32 @!p0 $0x1BF5;
	p2 =	por !p2, p0  }
0x20: {  	[sflag:s8] =	ssyncset.s32 @!p0 $0xFFFFF086;
	s6 =	sadd.s32 @!p0 s3, s7;
	s7 =	simm.s32 @!p0 $0x108  }
0x21: {  	s3 =	sadd.s32 s3, s9;
	s6 =	sadd.s32 @!p0 $0x88, s6;
	s7 =	simm.s32 @p2 $0x1082  }
0x22: {  	[simem:s7], [sflag:s8] =	dma.local @!p0 [hbm:s6], $0xF7A  }
0x23: {  	s9 =	sor.u32 $0xD0000000, s2;
	s6 =	simm.s32 $0x108;
	_ =	swait.ge @!p0 [sflag:s8], $0x0  }
0x24: {  	s3 =	sadd.s32 $0x88, s3;
	s6 =	simm.s32 @!p1 $0x1082;
	[sflag:s4] =	ssyncset.s32 $0xFFFFF086  }
0x25: {  	[simem:s6], [sflag:s4] =	dma.local [hbm:s3], $0xF7A  }
0x26: {  	[smem:$0x3F9B] =	sst s1;
	(tag) =	ssettag s2;
	_ =	strace s9  }
0x27: {  	s1 =	sld [smem:$0x3FAB]  }
0x28: {  	s2 =	sld [smem:$0x3FAC]  }
0x29: {  	s4 =	sld [smem:$0x3FAE]  }
0x2a: {  	p0 =	seq.s32 s5, $0x0;
	s5 =	sld [smem:$0x3FAF]  }
0x2b: {  	s6 =	sld [smem:$0x3FB0]  }
0x2c: {  	s7 =	sld [smem:$0x3FB1]  }
0x2d: {  	s3 =	simm.s32 $0x108;
	s8 =	sld [smem:$0x3FB2]  }
0x2e: {  	s3 =	simm.s32 @!p0 $0x1082;
	s9 =	sld [smem:$0x3FB3]  }
0x2f: {  	lr =	sadd.s32 s0, s3;
	s0 =	sld [smem:$0x3FAA]  }
0x30: {  	s3 =	sld [smem:$0x3FAD]  }
0x31: {  	[smem:$0x3FB6] =	sst s10  }
0x32: {  	s10 =	sld [smem:$0x3FB4];
	_ =	sdelay $0x3  }
0x33: {  	p0 =	seq.s32 s10, $0x1;
	s10 =	sld [smem:$0x3FB6];
	_ =	sdelay $0x3  }
0x34: {  	[smem:$0x3FB6] =	sst s10  }
0x35: {  	s10 =	sld [smem:$0x3FB5];
	_ =	sdelay $0x3  }
0x36: {  	p1 =	seq.s32 s10, $0x1;
	s10 =	sld [smem:$0x3FB6];
	_ =	sdelay $0x3  }
0x37: {  	[smem:$0x3FB6] =	sst s10  }
0x38: {  	s10 =	sld [smem:$0x3FB7]  }
0x39: {  	_ = 	snop;
	(pc) =	sbr.ind lr, $3  }
0x3a: {  	_ = 	snop  }
0x3b: {  	_ = 	snop  }
0x3c: {  	p2 =	seq.s32 s10, $0x1;
	s10 =	sld [smem:$0x3FB6]  }
0x3d: {  	_ =	shalt  }
0x3e: {  	_ =	shalt  }
0x3f: {  	_ =	shalt  }
0x40: {  	_ =	shalt  }
0x41: {  	_ =	shalt  }
0x42: {  	_ =	shalt  }
0x43: {  	_ =	shalt  }
0x44: {  	_ =	shalt  }
0x45: {  	_ =	shalt  }
0x46: {  	_ =	shalt  }
0x47: {  	_ =	shalt  }
0x48: {  	_ =	shalt  }
0x49: {  	_ =	shalt  }
0x4a: {  	_ =	shalt  }
0x4b: {  	_ =	shalt  }
0x4c: {  	_ =	shalt  }
0x4d: {  	_ =	shalt  }
0x4e: {  	_ =	shalt  }
0x4f: {  	_ =	shalt  }
0x50: {  	_ =	shalt  }
0x51: {  	_ =	shalt  }
0x52: {  	_ =	shalt  }
0x53: {  	_ =	shalt  }
0x54: {  	_ =	shalt  }
0x55: {  	_ =	shalt  }
0x56: {  	_ =	shalt  }
0x57: {  	_ =	shalt  }
0x58: {  	_ =	shalt  }
0x59: {  	_ =	shalt  }
0x5a: {  	_ =	shalt  }
0x5b: {  	_ =	shalt  }
0x5c: {  	_ =	shalt  }
0x5d: {  	_ =	shalt  }
0x5e: {  	_ =	shalt  }
0x5f: {  	_ =	shalt  }
0x60: {  	_ =	shalt  }
0x61: {  	_ =	shalt  }
0x62: {  	_ =	shalt  }
0x63: {  	_ =	shalt  }
0x64: {  	_ =	shalt  }
0x65: {  	_ =	shalt  }
0x66: {  	_ =	shalt  }
0x67: {  	_ =	shalt  }
0x68: {  	_ =	shalt  }
0x69: {  	_ =	shalt  }
0x6a: {  	_ =	shalt  }
0x6b: {  	_ =	shalt  }
0x6c: {  	_ =	shalt  }
0x6d: {  	_ =	shalt  }
0x6e: {  	_ =	shalt  }
0x6f: {  	_ =	shalt  }
0x70: {  	_ =	shalt  }
0x71: {  	_ =	shalt  }
0x72: {  	_ =	shalt  }
0x73: {  	_ =	shalt  }
0x74: {  	_ =	shalt  }
0x75: {  	_ =	shalt  }
0x76: {  	_ =	shalt  }
0x77: {  	_ =	shalt  }
0x78: {  	_ =	shalt  }
0x79: {  	_ =	shalt  }
0x7a: {  	_ =	shalt  }
0x7b: {  	_ =	shalt  }
0x7c: {  	_ =	shalt  }
0x7d: {  	_ =	shalt  }
0x7e: {  	_ =	shalt  }
0x7f: {  	_ =	shalt  }
0x80: {  	_ =	shalt  }
0x81: {  	_ =	shalt  }
0x82: {  	_ =	shalt  }
0x83: {  	_ =	shalt  }
0x84: {  	_ =	shalt  }
0x85: {  	_ =	shalt  }
0x86: {  	_ =	shalt  }
0x87: {  	_ =	shalt  }
.Lfunc_end0:
.L_simem_size_0:
called_computation.2_lowered:
.L_overlay_start_0:
0x88: {  	s2 =	sld [smem:$0x3FD9]  }
0x89: {  	s3 =	sld [smem:$0x3FFE];
	_ =	sdelay $0x1  }
0x8a: {  	s1 =	srdreg.scid  }
0x8b: {  	s0 =	sand.u32 $0x1, s1  }
0x8c: {  	s17 =	sshll.u32 s0, $0xA;
	s2 =	sadd.s32 s3, s2  }
0x8d: {  	s2 =	sadd.s32 s2, s17  }
0x8e: {  	[smem:$0x3FC2] =	sst s2  }
0x8f: {  	_ = 	snop  }
0x90: {  	s2 =	sld [smem:$0x3FD0];
	(tm) =	ssettm $0x1  }
0x91: {  	s18 =	sld [smem:$0x3FFB];
	_ =	sdelay $0x3  }
0x92: {  	_ =	strace s18  }
0x93: {  	s3 =	sld [smem:$0x3FFC];
	_ =	sdelay $0x3  }
0x94: {  	_ =	strace s3  }
0x95: {  	s3 =	sld [smem:$0x3FFD];
	_ =	sdelay $0x3  }
0x96: {  	_ =	strace s3  }
0x97: {  	_ =	strace $0x8FFFFFFF  }
0x98: {  	s19 =	sld [smem:$0x3FDB];
	_ =	sdelay $0x1  }
0x99: {  	s4 =	simm.s32 $_scs_section_size  }
0x9a: {  	s5 =	simm.s32 $_size__tile_overlayer_lowered;
	s6 =	simm.s32 $_tile_overlayer_lowered  }
0x9b: {  	s22 =	simm.s32 $0x1BFF;
	s21 =	sshll.u32 s6, $0x1;
	s3 =	sadd.s32 s4, s19  }
0x9c: {  	s7 =	simm.s32 $0x0;
	s20 =	sshll.u32 s5, $0x1;
	s5 =	sadd.s32 s21, s3  }
0x9d: {  	[timem:s7], [sflag:s22] =	dma.local [hbm:s5], s20  }
0x9e: {  	_ =	swait.ge [sflag:s22], s20  }
0x9f: {  	s4 =	ssub.s32 $0x0, s20;
	[sflag:s22] =	ssyncset.done $0x0  }
0xa0: {  	[sflag:s22] =	ssyncadd.s32 s4;
	_ =	sdelay $0x1  }
0xa1: {  	s23 =	simm.s32 $0x1B8B  }
0xa2: {  	_ =	swait.ge [sflag:s23], $0x1  }
0xa3: {  	[sflag:s23] =	ssyncset.done $0x0  }
0xa4: {  	s25 =	simm.s32 $0x1B8E;
	s24 =	sld [smem:$0x3FFE];
	[sflag:s23] =	ssyncadd.s32 $0xFFFFFFFF  }
0xa5: {  	s26 =	simm.s32 $execute0_lowered;
	[smem:$0x3FD2] =	sst s25  }
0xa6: {  	s5 =	sshll.u32 s26, $0x1;
	_ =	strace $0x8000004C;
	[dreg:$0x1] =	wrdreg $0xFFFFFFFF  }
0xa7: {  	s28 =	simm.s32 $_size_execute0_lowered;
	s3 =	sadd.s32 s3, s5;
	[dreg:$0x0] =	wrdreg $0x0  }
0xa8: {  	s5 =	sshll.u32 s28, $0x1;
	[dreg:$0x2] =	wrdreg s3  }
0xa9: {  	[dreg:$0x3] =	wrdreg s5  }
0xaa: {  	[dreg:$0x4] =	wrdreg $0xC0  }
0xab: {  	_ =	task [dreg:s7], $0x5FFFF  }
0xac: {  	[dreg:$0x1] =	wrdreg $0xFFFFFFFF  }
0xad: {  	[dreg:$0x0] =	wrdreg $0x60  }
0xae: {  	[dreg:$0x2] =	wrdreg s2  }
0xaf: {  	[dreg:$0x3] =	wrdreg s24  }
0xb0: {  	[dreg:$0x4] =	wrdreg $0xA8000  }
0xb1: {  	[dreg:$0x5] =	wrdreg $0x9  }
0xb2: {  	_ =	task.clear_ibuf [dreg:s7], $0x6FFFF;
	_ =	strace $0x9000004C  }
0xb3: {  	s29 =	simm.s32 $0x9;
	_ =	strace $0x8000004E  }
0xb4: {  	_ =	swait.ge [sflag:s29], $0x1  }
0xb5: {  	[sflag:s29] =	ssyncadd.s32 $0xFFFFFFFF  }
0xb6: {  	_ =	strace $0x9000004E  }
0xb7: {  	_ =	sfence  }
0xb8: {  	s30 =	sld [smem:$0x0];
	_ =	sdelay $0x2  }
0xb9: {  	s31 =	sshll.u32 s1, $0xD;
	s1 =	sshrl.u32 s1, $0x2  }
0xba: {  	s3 =	sand.u32 $0x4000, s31;
	s1 =	sadd.s32 s1, s30  }
0xbb: {  	s0 =	sor.u32 s3, s0;
	s1 =	sshll.u32 s1, $0x11  }
0xbc: {  	s0 =	sor.u32 s1, s0  }
0xbd: {  	s0 =	sadd.s32 $0x8F2B, s0  }
0xbe: {  	[sflag:s0] =	ssyncadd.remote.s32 $0x1  }
0xbf: {  	_ =	sfence.sel $0xFFFF  }
0xc0: {  	[dreg:$0x0] =	wrdreg $0xFFFFFFFF;
	(pc) =	sbr.abs _section_cstart, $3  }
0xc1: {  	[dreg:$0x1] =	wrdreg $0xFFFFFFFF  }
0xc2: {  	_ =	task.clear_ibuf [dreg:s7], $0x2FFFF;
	_ =	strace $0x9FFFFFFF  }
0xc3: {  	(tm) =	ssettm $0x7FFFFFFF  }
tec
execute0_lowered:
.L_overlay_start_1:
0x0: {  	(tag) =	ssettag $0x1  }
0x1: {  	s1 =	rddreg [dreg:$0x0]  }
0x2: {  	s0 =	rddreg [dreg:$0x1]  }
0x3: {  	s3 =	rddreg [dreg:$0x2];
	s2 =	srdreg.scid  }
0x4: {  	s9 =	stileid.u32;
	s4 =	simm.s32 $0x0;
	s12 =	simm.s32 $0x3  }
0x5: {  	s13 =	simm.s32 $0x1400;
	s14 =	simm.s32 $0x40;
	s15 =	simm.s32 $0x2800  }
0x6: {  	s16 =	simm.s32 $0x3800;
	s18 =	simm.s32 $0x4800;
	s20 =	simm.s32 $0x5800  }
0x7: {  	s22 =	simm.s32 $0x6800;
	s28 =	simm.s32 $0x1;
	s30 =	simm.s32 $0x9800  }
0x8: {  	s31 =	simm.s32 $0x2;
	s29 =	simm.s32 $0x0;
	s2 =	sand.u32 $0x1, s2  }
0x9: {  	s5 =	sshll.u32 s9, $0x1;
	s6 =	smul.u32 $0xA000, s9;
	[smem:$0x7FF] =	sst s4  }
0xa: {  	s23 =	sadd.s32 $0xB600, s0;
	s25 =	sshll.u32 s9, $0x6;
	s5 =	sor.u32 s2, s5  }
0xb: {  	s7 =	smul.u32 $0xA0000, s2;
	_ =	strace $0x8000004D;
	s2 =	ssub.s32 $0x2, s2  }
0xc: {  	[dreg:$0x4] =	wrdreg s23;
	s5 =	smul.u32 $0x280, s5;
	s24 =	sshrl.u32 s2, $0x1  }
0xd: {  	s11 =	sadd.s32 s6, s3;
	s7 =	sadd.s32 s6, s7;
	s2 =	ssub.s32 s2, s24  }
0xe: {  	s6 =	sor.u32 $0x1C03, s25;
	s11 =	sshrl.u32 s11, $0x3;
	s24 =	simm.s32 $0x7800  }
0xf: {  	s8 =	sadd.s32 s5, s0;
	s7 =	sshrl.u32 s7, $0x3;
	s10 =	smax.u32 s2, $0x1  }
0x10: {  	s0 =	sadd.s32 s7, s0;
	s26 =	sadd.s32 $0x6600, s8;
	s8 =	sadd.s32 $0x1600, s8  }
0x11: {  	[dreg:$0x5] =	wrdreg s26;
	s9 =	sadd.s32 $0xCA00, s0;
	s26 =	simm.s32 $0x8800  }
.LBB2_1:
0x12: {  	s0 =	rddreg [dreg:$0x4]  }
0x13: {  	[spmem:s11], [sflag:s6] =	dma.local [hbm:s0], $0x1400  }
0x14: {  	_ =	swait.ge [sflag:s12], $0x1400  }
0x15: {  	[sflag:s12] =	ssyncset.done $0x0  }
0x16: {  	s25 =	rddreg [dreg:$0x5];
	[sflag:s12] =	ssyncadd.s32 $0xFFFFEC00  }
0x17: {  	[tilespmem:s4], [sflag:$0x3] =	stream.linear.gather [hbm4b:s25+s4], $0x1400, $0x38;
	[tilespmem:$0x14800] =	vst v63  }
0x18: {  	_ =	swait.ge [sflag:s12], $0x1400  }
0x19: {  	[sflag:s12] =	ssyncset.done $0x0  }
0x1a: {  	[sflag:s12] =	ssyncadd.s32 $0xFFFFEC00  }
0x1b: {  	[tilespmem:s13], [sflag:$0x3] =	stream.linear.gather [hbm4b:s8+s4], $0x1400, $0x38;
	[tilespmem:$0x14800] =	vst v63  }
0x1c: {  	_ =	swait.ge [sflag:s12], $0x1400  }
0x1d: {  	[sflag:s12] =	ssyncset.done $0x0  }
0x1e: {  	[sflag:s12] =	ssyncadd.s32 $0xFFFFEC00  }
0x1f: {  	[bflag:$0x0] =	sbarrier.arrive $0xFFFF  }
0x20: {  	[tilespmem:s15], [sflag:$0x1] =	stream.indirect.gather [hbm4b:s1+s14], $0x40, s4, s14, $0xb8;
	[tilespmem:$0x14800] =	vst v63  }
0x21: {  	_ = 	snop  }
0x22: {  	[tilespmem:s16], [sflag:$0x1] =	stream.indirect.gather [hbm4b:s1+s14], $0x40, s14, s14, $0xb8;
	[tilespmem:$0x14800] =	vst v63  }
0x23: {  	s2 =	simm.s32 $0x80  }
0x24: {  	[tilespmem:s18], [sflag:$0x1] =	stream.indirect.gather [hbm4b:s1+s14], $0x40, s2, s14, $0xb8;
	[tilespmem:$0x14800] =	vst v63  }
0x25: {  	s5 =	simm.s32 $0xC0  }
0x26: {  	[tilespmem:s20], [sflag:$0x1] =	stream.indirect.gather [hbm4b:s1+s14], $0x40, s5, s14, $0xb8;
	[tilespmem:$0x14800] =	vst v63  }
0x27: {  	s7 =	simm.s32 $0x100;
	s23 =	simm.s32 $0x100  }
0x28: {  	[tilespmem:s22], [sflag:$0x1] =	stream.indirect.gather [hbm4b:s1+s14], $0x40, s7, s14, $0xb8;
	[tilespmem:$0x14800] =	vst v63  }
0x29: {  	s17 =	simm.s32 $0x140;
	s0 =	sand.u32 $0x7E00, s23  }
0x2a: {  	[tilespmem:s24], [sflag:$0x1] =	stream.indirect.gather [hbm4b:s1+s14], $0x40, s17, s14, $0xb8;
	[tilespmem:$0x14800] =	vst v63  }
0x2b: {  	s19 =	simm.s32 $0x180;
	s21 =	simm.s32 $0x1C0;
	s0 =	sshrl.u32 s0, $0x2  }
0x2c: {  	[tilespmem:s26], [sflag:$0x1] =	stream.indirect.gather [hbm4b:s1+s14], $0x40, s19, s14, $0xb8;
	[tilespmem:$0x14800] =	vst v63  }
0x2d: {  	s25 =	simm.s32 $0x800;
	s2 =	simm.s32 $0x4000;
	_ =	swait.ge [sflag:s28], $0x1000  }
0x2e: {  	s2 =	sand.u32 $0x1C000, s2;
	s17 =	simm.s32 $0x20000;
	[sflag:s28] =	ssyncset.done $0x0  }
0x2f: {  	s2 =	sshrl.u32 s2, $0x2;
	s17 =	sand.u32 $0x1C000, s17;
	[sflag:s28] =	ssyncadd.s32 $0xFFFFF000  }
0x30: {  	[spmem:s3] =	stream.indirect.scatter.add.f32 [tilespmem:s15], [sflag:$0x2], $0x40, s13, s14, $0xb8;
	[tilespmem:$0x14800] =	vst v63  }
0x31: {  	s2 =	sadd.s32 $0x2800, s2;
	s19 =	simm.s32 $0x40;
	s23 =	sshrl.u32 s17, $0x2  }
0x32: {  	[tilespmem:s30], [sflag:$0x1] =	stream.indirect.gather [hbm4b:s1+s14], $0x40, s21, s14, $0xb8;
	[tilespmem:$0x14800] =	vst v63  }
0x33: {  	s17 =	simm.s32 $0x240;
	s19 =	sand.u32 $0x40, s19;
	_ =	swait.ge [sflag:s28], $0x1000  }
0x34: {  	s0 =	sor.u32 s19, s0;
	s19 =	sand.u32 $0xFE00, s25;
	[sflag:s28] =	ssyncset.done $0x0  }
0x35: {  	s0 =	sadd.s32 $0x1400, s0;
	s21 =	simm.s32 $0x200;
	[sflag:s28] =	ssyncadd.s32 $0xFFFFF000  }
0x36: {  	[spmem:s3] =	stream.indirect.scatter.add.f32 [tilespmem:s2], [sflag:$0x2], $0x40, s0, s14, $0xb8;
	[tilespmem:$0x14800] =	vst v63  }
0x37: {  	s19 =	sshrl.u32 s19, $0x2;
	s21 =	sand.u32 $0x40, s21;
	_ =	swait.ge [sflag:s31], $0x1000  }
0x38: {  	s19 =	sor.u32 s21, s19;
	s21 =	sadd.s32 $0x2800, s23;
	[sflag:s31] =	ssyncset.done $0x0  }
0x39: {  	s0 =	simm.s32 $0x24000;
	s2 =	simm.s32 $0x900;
	[sflag:s31] =	ssyncadd.s32 $0xFFFFF000  }
.LBB2_2:
0x3a: {  	[tilespmem:s21], [sflag:$0x1] =	stream.indirect.gather [hbm4b:s1+s14], $0x40, s19, s14, $0xb8;
	[tilespmem:$0x14800] =	vst v63  }
0x3b: {  	p0 =	sne.s32 s0, $0x13C000;
	s19 =	smov.u32 s0;
	s0 =	sadd.s32 $0x4000, s0  }
0x3c: {  	s21 =	smov.u32 s2;
	s23 =	smov.u32 s17  }
0x3d: {  	s2 =	sadd.s32 $0x100, s2;
	s17 =	sadd.s32 $0x40, s17;
	s25 =	sadd.s32 $0xFFFFF900, s21  }
0x3e: {  	s5 =	sand.u32 $0x40, s23;
	s7 =	sadd.s32 $0xFFFE4000, s19;
	_ =	swait.ge [sflag:s28], $0x1000  }
0x3f: {  	s23 =	sadd.s32 $0xFFFFFE40, s23;
	s25 =	sand.u32 $0x7E00, s25;
	s7 =	sand.u32 $0x1C000, s7  }
0x40: {  	s23 =	sand.u32 $0x40, s23;
	s25 =	sshrl.u32 s25, $0x2;
	s7 =	sshrl.u32 s7, $0x2  }
0x41: {  	s23 =	sor.u32 s23, s25;
	s7 =	sadd.s32 $0x2800, s7;
	[sflag:s28] =	ssyncset.done $0x0  }
.Ltmp0:
0x42: {  	s23 =	sadd.s32 $0x1400, s23;
	[sflag:s28] =	ssyncadd.s32 $0xFFFFF000;
	(pc) =	sbr.rel @p0 .LBB2_2-.Ltmp0, $4  }
0x43: {  	[spmem:s3] =	stream.indirect.scatter.add.f32 [tilespmem:s7], [sflag:$0x2], $0x40, s23, s14, $0xb8;
	[tilespmem:$0x14800] =	vst v63  }
0x44: {  	s7 =	sand.u32 $0x1C000, s19;
	s19 =	sand.u32 $0xFE00, s21;
	_ =	swait.ge [sflag:s31], $0x1000  }
0x45: {  	s7 =	sshrl.u32 s7, $0x2;
	s19 =	sshrl.u32 s19, $0x2;
	[sflag:s31] =	ssyncset.done $0x0  }
0x46: {  	s21 =	sadd.s32 $0x2800, s7;
	s19 =	sor.u32 s5, s19;
	[sflag:s31] =	ssyncadd.s32 $0xFFFFF000  }
0x47: {  	[tilespmem:s21], [sflag:$0x1] =	stream.indirect.gather [hbm4b:s1+s14], $0x40, s19, s14, $0xb8;
	[tilespmem:$0x14800] =	vst v63  }
0x48: {  	_ =	swait.ge [sflag:s28], $0x1000  }
0x49: {  	[sflag:s28] =	ssyncset.done $0x0  }
0x4a: {  	s0 =	simm.s32 $0x2640;
	[sflag:s28] =	ssyncadd.s32 $0xFFFFF000  }
0x4b: {  	[spmem:s3] =	stream.indirect.scatter.add.f32 [tilespmem:s16], [sflag:$0x2], $0x40, s0, s14, $0xb8;
	[tilespmem:$0x14800] =	vst v63  }
0x4c: {  	_ =	swait.ge [sflag:s31], $0x1000  }
0x4d: {  	[sflag:s31] =	ssyncset.done $0x0  }
0x4e: {  	[sflag:s31] =	ssyncadd.s32 $0xFFFFF000  }
0x4f: {  	_ =	swait.ge [sflag:s28], $0x1000  }
0x50: {  	[sflag:s28] =	ssyncset.done $0x0  }
0x51: {  	s7 =	simm.s32 $0x2680;
	[sflag:s28] =	ssyncadd.s32 $0xFFFFF000  }
0x52: {  	[spmem:s3] =	stream.indirect.scatter.add.f32 [tilespmem:s18], [sflag:$0x2], $0x40, s7, s14, $0xb8;
	[tilespmem:$0x14800] =	vst v63  }
0x53: {  	_ =	swait.ge [sflag:s31], $0x1000  }
0x54: {  	[sflag:s31] =	ssyncset.done $0x0  }
0x55: {  	[sflag:s31] =	ssyncadd.s32 $0xFFFFF000  }
0x56: {  	_ =	swait.ge [sflag:s28], $0x1000  }
0x57: {  	[sflag:s28] =	ssyncset.done $0x0  }
0x58: {  	s17 =	simm.s32 $0x26C0;
	[sflag:s28] =	ssyncadd.s32 $0xFFFFF000  }
0x59: {  	[spmem:s3] =	stream.indirect.scatter.add.f32 [tilespmem:s20], [sflag:$0x2], $0x40, s17, s14, $0xb8;
	[tilespmem:$0x14800] =	vst v63  }
0x5a: {  	_ =	swait.ge [sflag:s31], $0x1000  }
0x5b: {  	[sflag:s31] =	ssyncset.done $0x0  }
0x5c: {  	[sflag:s31] =	ssyncadd.s32 $0xFFFFF000  }
0x5d: {  	_ =	swait.ge [sflag:s28], $0x1000  }
0x5e: {  	[sflag:s28] =	ssyncset.done $0x0  }
0x5f: {  	s19 =	simm.s32 $0x2700;
	[sflag:s28] =	ssyncadd.s32 $0xFFFFF000  }
0x60: {  	[spmem:s3] =	stream.indirect.scatter.add.f32 [tilespmem:s22], [sflag:$0x2], $0x40, s19, s14, $0xb8;
	[tilespmem:$0x14800] =	vst v63  }
0x61: {  	_ =	swait.ge [sflag:s31], $0x1000  }
0x62: {  	[sflag:s31] =	ssyncset.done $0x0  }
0x63: {  	[sflag:s31] =	ssyncadd.s32 $0xFFFFF000  }
0x64: {  	_ =	swait.ge [sflag:s28], $0x1000  }
0x65: {  	[sflag:s28] =	ssyncset.done $0x0  }
0x66: {  	s21 =	simm.s32 $0x2740;
	[sflag:s28] =	ssyncadd.s32 $0xFFFFF000  }
0x67: {  	[spmem:s3] =	stream.indirect.scatter.add.f32 [tilespmem:s24], [sflag:$0x2], $0x40, s21, s14, $0xb8;
	[tilespmem:$0x14800] =	vst v63  }
0x68: {  	_ =	swait.ge [sflag:s31], $0x1000  }
0x69: {  	[sflag:s31] =	ssyncset.done $0x0  }
0x6a: {  	[sflag:s31] =	ssyncadd.s32 $0xFFFFF000  }
0x6b: {  	_ =	swait.ge [sflag:s28], $0x1000  }
0x6c: {  	[sflag:s28] =	ssyncset.done $0x0  }
0x6d: {  	s23 =	simm.s32 $0x2780;
	[sflag:s28] =	ssyncadd.s32 $0xFFFFF000  }
0x6e: {  	[spmem:s3] =	stream.indirect.scatter.add.f32 [tilespmem:s26], [sflag:$0x2], $0x40, s23, s14, $0xb8;
	[tilespmem:$0x14800] =	vst v63  }
0x6f: {  	_ =	swait.ge [sflag:s31], $0x1000  }
0x70: {  	[sflag:s31] =	ssyncset.done $0x0  }
0x71: {  	[sflag:s31] =	ssyncadd.s32 $0xFFFFF000  }
0x72: {  	_ =	swait.ge [sflag:s28], $0x1000  }
0x73: {  	[sflag:s28] =	ssyncset.done $0x0  }
0x74: {  	s25 =	simm.s32 $0x27C0;
	[sflag:s28] =	ssyncadd.s32 $0xFFFFF000  }
0x75: {  	[spmem:s3] =	stream.indirect.scatter.add.f32 [tilespmem:s30], [sflag:$0x2], $0x40, s25, s14, $0xb8;
	[tilespmem:$0x14800] =	vst v63  }
0x76: {  	_ =	swait.ge [sflag:s31], $0x1000  }
0x77: {  	[sflag:s31] =	ssyncset.done $0x0  }
0x78: {  	[sflag:s31] =	ssyncadd.s32 $0xFFFFF000  }
0x79: {  	_ =	swait.ge [sflag:s31], $0x1000  }
0x7a: {  	s29 =	sadd.s32 $0x1, s29;
	[sflag:s31] =	ssyncset.done $0x0  }
0x7b: {  	p0 =	sne.s32 s29, s10;
	[sflag:s31] =	ssyncadd.s32 $0xFFFFF000  }
.Ltmp1:
0x7c: {  	[bflag:$0x0] =	sbarrier.arrive $0xFFFF;
	(pc) =	sbr.rel @p0 .LBB2_1-.Ltmp1, $4  }
0x7d: {  	[hbm:s9], [sflag:s6] =	dma.local [spmem:s11], $0x1400  }
0x7e: {  	_ =	swait.ge [sflag:s12], $0x1400  }
0x7f: {  	[sflag:s12] =	ssyncset.done $0x0  }
0x80: {  	[sflag:s12] =	ssyncadd.s32 $0xFFFFEC00  }
0x81: {  	_ =	sfence.sel $0x180000  }
0x82: {  	[bflag:$0x0] =	sbarrier.arrive $0xFFFF  }
0x83: {  	_ =	strace $0x9000004D  }
0x84: {  	s0 =	stileid.u32;
	[bflag:$0x2] =	sbarrier.arrive $0xFFFF  }
0x85: {  	p0 =	sne.s32 s0, $0x0;
	s0 =	rddreg [dreg:$0x3]  }
0x86: {  	s0 =	sadd.s32 @!p0 $0x100000, s0  }
0x87: {  	[sflag:s0] =	ssyncadd.tile.s32 @!p0 $0x1;
	_ =	shalt  }
.Lfunc_end2:
_tile_overlayer_lowered:
.L_overlay_start_2:
0x88: {  	(tag) =	ssettag $0x2  }
0x89: {  	s0 =	rddreg [dreg:$0x0];
	s2 =	stileid.u32  }
0x8a: {  	s1 =	rddreg [dreg:$0x1];
	p0 =	sne.s32 s2, $0x0  }
0x8b: {  	s3 =	rddreg [dreg:$0x2];
	[bflag:$0x3] =	sbarrier.arrive $0xFFFF;
	s2 =	simm.s32 @!p0 $0x1C03  }
0x8c: {  	[timem:s3], [sflag:s2] =	dma.local @!p0 [hbm:s0], s1  }
0x8d: {  	s0 =	simm.s32 @!p0 $0x3  }
0x8e: {  	_ =	swait.ge @!p0 [sflag:s0], s1  }
0x8f: {  	s1 =	ssub.s32 @!p0 $0x0, s1;
	[sflag:s0] =	ssyncset.done @!p0 $0x0  }
0x90: {  	[sflag:s0] =	ssyncadd.s32 @!p0 s1  }
0x91: {  	[bflag:$0x3] =	sbarrier.arrive $0xFFFF  }
0x92: {  	_ =	shalt  }

// kernel: kernel.8.cloned.1.call-start
scs
__scs_entry_jumppad:
0x0: {  	(pc) =	sbr.rel $0x88, $3  }
0x1: {  	(tag) =	ssettag $0x0;
	lr =	simm.s32 $0x1  }
0x2: {  	[smem:$0x3F9B] =	sst lr;
	_ =	strace $0xD0000000  }
0x3: {  	_ = 	snop  }
0x4: {  	_ = 	snop  }
0x5: {  	_ = 	snop  }
0x6: {  	_ = 	snop  }
0x7: {  	_ = 	snop  }
__scs_overlays_trampoline_lowered:
0x8: {  	[smem:$0x3FAA] =	sst s0  }
0x9: {  	[smem:$0x3FAB] =	sst s1  }
0xa: {  	[smem:$0x3FAC] =	sst s2  }
0xb: {  	[smem:$0x3FAD] =	sst s3  }
0xc: {  	[smem:$0x3FAE] =	sst s4  }
0xd: {  	[smem:$0x3FAF] =	sst s5  }
0xe: {  	[smem:$0x3FB0] =	sst s6  }
0xf: {  	[smem:$0x3FB1] =	sst s7  }
0x10: {  	[smem:$0x3FB2] =	sst s8  }
0x11: {  	[smem:$0x3FB3] =	sst s9;
	s0 =	simm.s32 @!p0 $0x0  }
0x12: {  	s1 =	sld [smem:$0x3F99];
	s0 =	simm.s32 @p0 $0x1  }
0x13: {  	[smem:$0x3FB4] =	sst s0;
	s0 =	simm.s32 @!p1 $0x0  }
0x14: {  	s2 =	sld [smem:$0x3F98];
	s0 =	simm.s32 @p1 $0x1  }
0x15: {  	[smem:$0x3FB5] =	sst s0;
	s0 =	simm.s32 @!p2 $0x0  }
0x16: {  	s3 =	sld [smem:$0x3FDB];
	s0 =	simm.s32 @p2 $0x1  }
0x17: {  	s4 =	simm.s32 $0x1BF5;
	[smem:$0x3FB7] =	sst s0  }
0x18: {  	s0 =	sld [smem:$0x3F9A];
	_ =	swait.ge [sflag:s4], $0x0  }
0x19: {  	s7 =	sld [smem:$0x3F9B]  }
0x1a: {  	s8 =	sadd.s32 $0xFFFFE003, lr  }
0x1b: {  	s9 =	sadd.s32 $0xFFFFFEF7, lr;
	s5 =	simm.s32 $0xFFFFFFFF;
	p2 =	slt.u32 s8, $0xFFFFF086  }
0x1c: {  	p1 =	slt.u32 s9, $0xF7A;
	s5 =	simm.s32 @!p2 $0x0  }
0x1d: {  	s5 =	simm.s32 @p1 $0x1;
	p0 =	seq.s32 s7, s2  }
0x1e: {  	s7 =	smul.u32 @!p0 $0xF7A, s2;
	p2 =	seq.s32 @!p0 s5, $0x0  }
0x1f: {  	s9 =	smul.u32 $0xF7A, s1;
	s8 =	simm.s32 @!p0 $0x1BF5;
	p2 =	por !p2, p0  }
0x20: {  	[sflag:s8] =	ssyncset.s32 @!p0 $0xFFFFF086;
	s6 =	sadd.s32 @!p0 s3, s7;
	s7 =	simm.s32 @!p0 $0x108  }
0x21: {  	s3 =	sadd.s32 s3, s9;
	s6 =	sadd.s32 @!p0 $0x88, s6;
	s7 =	simm.s32 @p2 $0x1082  }
0x22: {  	[simem:s7], [sflag:s8] =	dma.local @!p0 [hbm:s6], $0xF7A  }
0x23: {  	s9 =	sor.u32 $0xD0000000, s2;
	s6 =	simm.s32 $0x108;
	_ =	swait.ge @!p0 [sflag:s8], $0x0  }
0x24: {  	s3 =	sadd.s32 $0x88, s3;
	s6 =	simm.s32 @!p1 $0x1082;
	[sflag:s4] =	ssyncset.s32 $0xFFFFF086  }
0x25: {  	[simem:s6], [sflag:s4] =	dma.local [hbm:s3], $0xF7A  }
0x26: {  	[smem:$0x3F9B] =	sst s1;
	(tag) =	ssettag s2;
	_ =	strace s9  }
0x27: {  	s1 =	sld [smem:$0x3FAB]  }
0x28: {  	s2 =	sld [smem:$0x3FAC]  }
0x29: {  	s4 =	sld [smem:$0x3FAE]  }
0x2a: {  	p0 =	seq.s32 s5, $0x0;
	s5 =	sld [smem:$0x3FAF]  }
0x2b: {  	s6 =	sld [smem:$0x3FB0]  }
0x2c: {  	s7 =	sld [smem:$0x3FB1]  }
0x2d: {  	s3 =	simm.s32 $0x108;
	s8 =	sld [smem:$0x3FB2]  }
0x2e: {  	s3 =	simm.s32 @!p0 $0x1082;
	s9 =	sld [smem:$0x3FB3]  }
0x2f: {  	lr =	sadd.s32 s0, s3;
	s0 =	sld [smem:$0x3FAA]  }
0x30: {  	s3 =	sld [smem:$0x3FAD]  }
0x31: {  	[smem:$0x3FB6] =	sst s10  }
0x32: {  	s10 =	sld [smem:$0x3FB4];
	_ =	sdelay $0x3  }
0x33: {  	p0 =	seq.s32 s10, $0x1;
	s10 =	sld [smem:$0x3FB6];
	_ =	sdelay $0x3  }
0x34: {  	[smem:$0x3FB6] =	sst s10  }
0x35: {  	s10 =	sld [smem:$0x3FB5];
	_ =	sdelay $0x3  }
0x36: {  	p1 =	seq.s32 s10, $0x1;
	s10 =	sld [smem:$0x3FB6];
	_ =	sdelay $0x3  }
0x37: {  	[smem:$0x3FB6] =	sst s10  }
0x38: {  	s10 =	sld [smem:$0x3FB7]  }
0x39: {  	_ = 	snop;
	(pc) =	sbr.ind lr, $3  }
0x3a: {  	_ = 	snop  }
0x3b: {  	_ = 	snop  }
0x3c: {  	p2 =	seq.s32 s10, $0x1;
	s10 =	sld [smem:$0x3FB6]  }
0x3d: {  	_ =	shalt  }
0x3e: {  	_ =	shalt  }
0x3f: {  	_ =	shalt  }
0x40: {  	_ =	shalt  }
0x41: {  	_ =	shalt  }
0x42: {  	_ =	shalt  }
0x43: {  	_ =	shalt  }
0x44: {  	_ =	shalt  }
0x45: {  	_ =	shalt  }
0x46: {  	_ =	shalt  }
0x47: {  	_ =	shalt  }
0x48: {  	_ =	shalt  }
0x49: {  	_ =	shalt  }
0x4a: {  	_ =	shalt  }
0x4b: {  	_ =	shalt  }
0x4c: {  	_ =	shalt  }
0x4d: {  	_ =	shalt  }
0x4e: {  	_ =	shalt  }
0x4f: {  	_ =	shalt  }
0x50: {  	_ =	shalt  }
0x51: {  	_ =	shalt  }
0x52: {  	_ =	shalt  }
0x53: {  	_ =	shalt  }
0x54: {  	_ =	shalt  }
0x55: {  	_ =	shalt  }
0x56: {  	_ =	shalt  }
0x57: {  	_ =	shalt  }
0x58: {  	_ =	shalt  }
0x59: {  	_ =	shalt  }
0x5a: {  	_ =	shalt  }
0x5b: {  	_ =	shalt  }
0x5c: {  	_ =	shalt  }
0x5d: {  	_ =	shalt  }
0x5e: {  	_ =	shalt  }
0x5f: {  	_ =	shalt  }
0x60: {  	_ =	shalt  }
0x61: {  	_ =	shalt  }
0x62: {  	_ =	shalt  }
0x63: {  	_ =	shalt  }
0x64: {  	_ =	shalt  }
0x65: {  	_ =	shalt  }
0x66: {  	_ =	shalt  }
0x67: {  	_ =	shalt  }
0x68: {  	_ =	shalt  }
0x69: {  	_ =	shalt  }
0x6a: {  	_ =	shalt  }
0x6b: {  	_ =	shalt  }
0x6c: {  	_ =	shalt  }
0x6d: {  	_ =	shalt  }
0x6e: {  	_ =	shalt  }
0x6f: {  	_ =	shalt  }
0x70: {  	_ =	shalt  }
0x71: {  	_ =	shalt  }
0x72: {  	_ =	shalt  }
0x73: {  	_ =	shalt  }
0x74: {  	_ =	shalt  }
0x75: {  	_ =	shalt  }
0x76: {  	_ =	shalt  }
0x77: {  	_ =	shalt  }
0x78: {  	_ =	shalt  }
0x79: {  	_ =	shalt  }
0x7a: {  	_ =	shalt  }
0x7b: {  	_ =	shalt  }
0x7c: {  	_ =	shalt  }
0x7d: {  	_ =	shalt  }
0x7e: {  	_ =	shalt  }
0x7f: {  	_ =	shalt  }
0x80: {  	_ =	shalt  }
0x81: {  	_ =	shalt  }
0x82: {  	_ =	shalt  }
0x83: {  	_ =	shalt  }
0x84: {  	_ =	shalt  }
0x85: {  	_ =	shalt  }
0x86: {  	_ =	shalt  }
0x87: {  	_ =	shalt  }
.Lfunc_end0:
.L_simem_size_0:
called_computation_lowered:
.L_overlay_start_0:
0x88: {  	s2 =	sld [smem:$0x3FD9]  }
0x89: {  	s3 =	sld [smem:$0x3FFE];
	_ =	sdelay $0x1  }
0x8a: {  	s1 =	srdreg.scid  }
0x8b: {  	s0 =	sand.u32 $0x1, s1  }
0x8c: {  	s17 =	sshll.u32 s0, $0xA;
	s2 =	sadd.s32 s3, s2  }
0x8d: {  	s2 =	sadd.s32 s2, s17  }
0x8e: {  	[smem:$0x3FC2] =	sst s2  }
0x8f: {  	_ = 	snop  }
0x90: {  	s2 =	sld [smem:$0x3FD0];
	(tm) =	ssettm $0x1  }
0x91: {  	s18 =	sld [smem:$0x3FFB];
	_ =	sdelay $0x3  }
0x92: {  	_ =	strace s18  }
0x93: {  	s3 =	sld [smem:$0x3FFC];
	_ =	sdelay $0x3  }
0x94: {  	_ =	strace s3  }
0x95: {  	s3 =	sld [smem:$0x3FFD];
	_ =	sdelay $0x3  }
0x96: {  	_ =	strace s3  }
0x97: {  	_ =	strace $0x8FFFFFFF  }
0x98: {  	s19 =	sld [smem:$0x3FDB];
	_ =	sdelay $0x1  }
0x99: {  	s4 =	simm.s32 $_scs_section_size  }
0x9a: {  	s5 =	simm.s32 $_size__tile_overlayer_lowered;
	s6 =	simm.s32 $_tile_overlayer_lowered  }
0x9b: {  	s22 =	simm.s32 $0x1BFF;
	s21 =	sshll.u32 s6, $0x1;
	s3 =	sadd.s32 s4, s19  }
0x9c: {  	s7 =	simm.s32 $0x0;
	s20 =	sshll.u32 s5, $0x1;
	s5 =	sadd.s32 s21, s3  }
0x9d: {  	[timem:s7], [sflag:s22] =	dma.local [hbm:s5], s20  }
0x9e: {  	_ =	swait.ge [sflag:s22], s20  }
0x9f: {  	s4 =	ssub.s32 $0x0, s20;
	[sflag:s22] =	ssyncset.done $0x0  }
0xa0: {  	[sflag:s22] =	ssyncadd.s32 s4;
	_ =	sdelay $0x1  }
0xa1: {  	s23 =	simm.s32 $0x1B8B  }
0xa2: {  	_ =	swait.ge [sflag:s23], $0x1  }
0xa3: {  	[sflag:s23] =	ssyncset.done $0x0  }
0xa4: {  	s25 =	simm.s32 $0x1B8E;
	s24 =	sld [smem:$0x3FFE];
	[sflag:s23] =	ssyncadd.s32 $0xFFFFFFFF  }
0xa5: {  	s26 =	simm.s32 $execute0_lowered;
	[smem:$0x3FD2] =	sst s25  }
0xa6: {  	s5 =	sshll.u32 s26, $0x1;
	_ =	strace $0x80000046;
	[dreg:$0x1] =	wrdreg $0xFFFFFFFF  }
0xa7: {  	s28 =	simm.s32 $_size_execute0_lowered;
	s3 =	sadd.s32 s3, s5;
	[dreg:$0x0] =	wrdreg $0x0  }
0xa8: {  	s5 =	sshll.u32 s28, $0x1;
	[dreg:$0x2] =	wrdreg s3  }
0xa9: {  	[dreg:$0x3] =	wrdreg s5  }
0xaa: {  	[dreg:$0x4] =	wrdreg $0xC0  }
0xab: {  	_ =	task [dreg:s7], $0x5FFFF  }
0xac: {  	[dreg:$0x1] =	wrdreg $0xFFFFFFFF  }
0xad: {  	[dreg:$0x0] =	wrdreg $0x60  }
0xae: {  	[dreg:$0x2] =	wrdreg s24  }
0xaf: {  	[dreg:$0x3] =	wrdreg s2  }
0xb0: {  	[dreg:$0x4] =	wrdreg $0x17000  }
0xb1: {  	[dreg:$0x5] =	wrdreg $0x9  }
0xb2: {  	_ =	task.clear_ibuf [dreg:s7], $0x6FFFF;
	_ =	strace $0x90000046  }
0xb3: {  	s29 =	simm.s32 $0x9;
	_ =	strace $0x80000048  }
0xb4: {  	_ =	swait.ge [sflag:s29], $0x1  }
0xb5: {  	[sflag:s29] =	ssyncadd.s32 $0xFFFFFFFF  }
0xb6: {  	_ =	strace $0x90000048  }
0xb7: {  	_ =	sfence  }
0xb8: {  	s30 =	sld [smem:$0x0];
	_ =	sdelay $0x2  }
0xb9: {  	s31 =	sshll.u32 s1, $0xD;
	s1 =	sshrl.u32 s1, $0x2  }
0xba: {  	s3 =	sand.u32 $0x4000, s31;
	s1 =	sadd.s32 s1, s30  }
0xbb: {  	s0 =	sor.u32 s3, s0;
	s1 =	sshll.u32 s1, $0x11  }
0xbc: {  	s0 =	sor.u32 s1, s0  }
0xbd: {  	s0 =	sadd.s32 $0x8F2B, s0  }
0xbe: {  	[sflag:s0] =	ssyncadd.remote.s32 $0x1  }
0xbf: {  	_ =	sfence.sel $0xFFFF  }
0xc0: {  	[dreg:$0x0] =	wrdreg $0xFFFFFFFF;
	(pc) =	sbr.abs _section_cstart, $3  }
0xc1: {  	[dreg:$0x1] =	wrdreg $0xFFFFFFFF  }
0xc2: {  	_ =	task.clear_ibuf [dreg:s7], $0x2FFFF;
	_ =	strace $0x9FFFFFFF  }
0xc3: {  	(tm) =	ssettm $0x7FFFFFFF  }
tec
execute0_lowered:
.L_overlay_start_1:
0x0: {  	(tag) =	ssettag $0x1  }
0x1: {  	s4 =	rddreg [dreg:$0x0]  }
0x2: {  	s6 =	rddreg [dreg:$0x1]  }
0x3: {  	s1 =	srdreg.scid;
	s0 =	stileid.u32  }
0x4: {  	s2 =	rddreg [dreg:$0x2];
	s3 =	simm.s32 $0x0;
	s14 =	simm.f32 $1.000000000e+00  }
0x5: {  	s11 =	simm.s32 $0x1400;
	s15 =	simm.s32 $0x10;
	s16 =	simm.s32 $0x0  }
0x6: {  	s5 =	sand.u32 $0x1, s1;
	s1 =	rddreg [dreg:$0x3];
	s10 =	smul.u32 $0xA00, s0  }
0x7: {  	s7 =	sshll.u32 s0, $0x1;
	[smem:$0x7FF] =	sst s3;
	s28 =	smul.u32 $0x500, s0  }
0x8: {  	s12 =	sshll.u32 s0, $0x6;
	s7 =	sor.u32 s5, s7;
	s8 =	ssub.s32 $0x2, s5  }
0x9: {  	_ =	strace $0x80000047;
	p0 =	seq.s32 s5, $0x0;
	s5 =	sshll.u32 s5, $0x7  }
0xa: {  	s12 =	sor.u32 $0x1C01, s12;
	s7 =	smul.u32 $0x280, s7;
	s9 =	sshrl.u32 s8, $0x1  }
0xb: {  	s14 =	simm.s32 @!p0 $0x0;
	s29 =	sshrl.u32 s10, $0x2;
	s30 =	sor.u32 s5, s28  }
0xc: {  	s10 =	simm.s32 $0x80;
	s8 =	ssub.s32 s8, s9;
	s31 =	sshrl.u32 s30, $0x3  }
0xd: {  	s9 =	simm.s32 $0x1;
	v0 =	vmov s14;
	s14 =	simm.s32 $0x20;
	s7 =	sadd.s32 s7, s4  }
0xe: {  	s4 =	sadd.s32 s29, s2;
	s6 =	sadd.s32 s6, s31;
	s5 =	sadd.s32 $0x1600, s7  }
0xf: {  	v1 =	vimm.f32 $1.000000000e+00;
	s7 =	smax.u32 s8, $0x1;
	s8 =	simm.s32 $0x1480;
	s13 =	sshrl.u32 s4, $0x3  }
.LBB2_1:
0x10: {  	[tilespmem:$0x1400] =	vst v1  }
0x11: {  	[tilespmem:$0x1410] =	vst v1  }
0x12: {  	[tilespmem:$0x1420] =	vst v1  }
0x13: {  	[tilespmem:$0x1430] =	vst v1  }
0x14: {  	[tilespmem:$0x1440] =	vst v1  }
0x15: {  	[tilespmem:$0x1450] =	vst v1  }
0x16: {  	[tilespmem:$0x1460] =	vst v1  }
0x17: {  	[tilespmem:$0x1470] =	vst v1  }
0x18: {  	[tilespmem:$0x1480] =	vst v0  }
0x19: {  	[tilespmem:$0x1490] =	vst v0  }
0x1a: {  	[tilespmem:$0x14A0] =	vst v0  }
0x1b: {  	[tilespmem:$0x14B0] =	vst v0  }
0x1c: {  	[tilespmem:$0x14C0] =	vst v0  }
0x1d: {  	[tilespmem:$0x14D0] =	vst v0  }
0x1e: {  	[tilespmem:$0x14E0] =	vst v0  }
0x1f: {  	[tilespmem:$0x14F0] =	vst v0  }
0x20: {  	[tilespmem:$0x1500] =	vst v0  }
0x21: {  	[tilespmem:$0x1510] =	vst v0  }
0x22: {  	[tilespmem:$0x1520] =	vst v0  }
0x23: {  	[tilespmem:$0x1530] =	vst v0  }
0x24: {  	[tilespmem:$0x1540] =	vst v0  }
0x25: {  	[tilespmem:$0x1550] =	vst v0  }
0x26: {  	[tilespmem:$0x1560] =	vst v0  }
0x27: {  	[tilespmem:$0x1570] =	vst v0  }
0x28: {  	[tilespmem:$0x1580] =	vst v0  }
0x29: {  	[tilespmem:$0x1590] =	vst v0  }
0x2a: {  	[tilespmem:$0x15A0] =	vst v0  }
0x2b: {  	[tilespmem:$0x15B0] =	vst v0  }
0x2c: {  	[tilespmem:$0x15C0] =	vst v0  }
0x2d: {  	[tilespmem:$0x15D0] =	vst v0  }
0x2e: {  	[tilespmem:$0x15E0] =	vst v0  }
0x2f: {  	[tilespmem:$0x15F0] =	vst v0  }
0x30: {  	[tilespmem:$0x1600] =	vst v0  }
0x31: {  	[tilespmem:$0x1610] =	vst v0  }
0x32: {  	[tilespmem:$0x1620] =	vst v0  }
0x33: {  	[tilespmem:$0x1630] =	vst v0  }
0x34: {  	[tilespmem:$0x1640] =	vst v0  }
0x35: {  	[tilespmem:$0x1650] =	vst v0  }
0x36: {  	[tilespmem:$0x1660] =	vst v0  }
0x37: {  	[tilespmem:$0x1670] =	vst v0  }
0x38: {  	[tilespmem:$0x1680] =	vst v0  }
0x39: {  	[tilespmem:$0x1690] =	vst v0  }
0x3a: {  	[tilespmem:$0x16A0] =	vst v0  }
0x3b: {  	[tilespmem:$0x16B0] =	vst v0  }
0x3c: {  	[tilespmem:$0x16C0] =	vst v0  }
0x3d: {  	[tilespmem:$0x16D0] =	vst v0  }
0x3e: {  	[tilespmem:$0x16E0] =	vst v0  }
0x3f: {  	[tilespmem:$0x16F0] =	vst v0  }
0x40: {  	[spmem:s4] =	stream.linear.scatter [tilespmem:s8], [sflag:$0x1], $0x280, $0x38;
	[tilespmem:$0x1980] =	vst v63  }
0x41: {  	_ =	swait.ge [sflag:s9], $0x280  }
0x42: {  	[sflag:s9] =	ssyncset.done $0x0  }
0x43: {  	[sflag:s9] =	ssyncadd.s32 $0xFFFFFD80  }
0x44: {  	[tilespmem:s3], [sflag:$0x1] =	stream.linear.gather [hbm4b:s5+s3], $0x1400, $0x38;
	[tilespmem:$0x1980] =	vst v63  }
0x45: {  	_ =	swait.ge [sflag:s9], $0x1400  }
0x46: {  	[sflag:s9] =	ssyncset.done $0x0  }
0x47: {  	[sflag:s9] =	ssyncadd.s32 $0xFFFFEC00  }
0x48: {  	s17 =	simm.s32 $0x0;
	[bflag:$0x0] =	sbarrier.arrive $0xFFFF  }
0x49: {  	[spmem:s2] =	stream.indirect.scatter.add.f32 [tilespmem:s11], [sflag:$0x1], $0x1, s17, s10, $0xb8;
	[tilespmem:$0x1980] =	vst v63  }
0x4a: {  	_ =	swait.ge [sflag:s9], $0x80  }
0x4b: {  	s17 =	simm.s32 $0x200;
	[sflag:s9] =	ssyncset.done $0x0  }
.LBB2_2:
0x4c: {  	s18 =	sshra.s32 s17, $0x2;
	[sflag:s9] =	ssyncadd.s32 $0xFFFFFF80;
	p0 =	sne.s32 s17, $0x4E00  }
0x4d: {  	[spmem:s2] =	stream.indirect.scatter.add.f32 [tilespmem:s11], [sflag:$0x1], $0x1, s18, s10, $0xb8;
	[tilespmem:$0x1980] =	vst v63  }
.Ltmp0:
0x4e: {  	_ = 	snop;
	(pc) =	sbr.rel @p0 .LBB2_2-.Ltmp0, $4  }
0x4f: {  	_ = 	snop  }
0x50: {  	s17 =	sadd.s32 $0x200, s17  }
0x51: {  	_ =	swait.ge [sflag:s9], $0x80  }
0x52: {  	[sflag:s9] =	ssyncset.done $0x0  }
0x53: {  	s16 =	sadd.s32 $0x1, s16  }
0x54: {  	[sflag:s9] =	ssyncadd.s32 $0xFFFFFF80;
	p0 =	sne.s32 s16, s7  }
.Ltmp1:
0x55: {  	[bflag:$0x0] =	sbarrier.arrive $0xFFFF;
	(pc) =	sbr.rel @p0 .LBB2_1-.Ltmp1, $4  }
0x56: {  	[hbm:s6@s14], [sflag:s12] =	dma.strided [spmem:s13@s15], $0x50, s9, $0x10   }
0x57: {  	_ =	swait.ge [sflag:s9], $0x50  }
0x58: {  	[sflag:s9] =	ssyncset.done $0x0  }
0x59: {  	[sflag:s9] =	ssyncadd.s32 $0xFFFFFFB0  }
0x5a: {  	_ =	sfence.sel $0x180000  }
0x5b: {  	[bflag:$0x0] =	sbarrier.arrive $0xFFFF  }
0x5c: {  	p0 =	sne.s32 s0, $0x0;
	_ =	strace $0x90000047  }
0x5d: {  	s0 =	sadd.s32 @!p0 $0x100000, s1;
	[bflag:$0x2] =	sbarrier.arrive $0xFFFF  }
0x5e: {  	[sflag:s0] =	ssyncadd.tile.s32 @!p0 $0x1;
	_ =	shalt  }
.Lfunc_end2:
_tile_overlayer_lowered:
.L_overlay_start_2:
0x5f: {  	(tag) =	ssettag $0x2  }
0x60: {  	s0 =	rddreg [dreg:$0x0];
	s2 =	stileid.u32  }
0x61: {  	s1 =	rddreg [dreg:$0x1];
	p0 =	sne.s32 s2, $0x0  }
0x62: {  	s3 =	rddreg [dreg:$0x2];
	[bflag:$0x3] =	sbarrier.arrive $0xFFFF;
	s2 =	simm.s32 @!p0 $0x1C01  }
0x63: {  	[timem:s3], [sflag:s2] =	dma.local @!p0 [hbm:s0], s1  }
0x64: {  	s0 =	simm.s32 @!p0 $0x1  }
0x65: {  	_ =	swait.ge @!p0 [sflag:s0], s1  }
0x66: {  	s1 =	ssub.s32 @!p0 $0x0, s1;
	[sflag:s0] =	ssyncset.done @!p0 $0x0  }
0x67: {  	[sflag:s0] =	ssyncadd.s32 @!p0 s1  }
0x68: {  	[bflag:$0x3] =	sbarrier.arrive $0xFFFF  }
0x69: {  	_ =	shalt  }

</sc_bundles>
